<compile_context>
chip_gen: v7x
topology: tpu7x:2x2x1
jax: 0.10.2.dev20260603
libtpu: 0.0.44.dev20260713+nightly
codegen_flags: <defaults>
</compile_context>

<pallas_src>
import jax
import jax.numpy as jnp
from jax import lax
from jax.experimental import pallas as pl
from jax.experimental.pallas import tpu as pltpu
from jax.experimental.pallas import tpu_sc as plsc

N = 20000
N2 = 20096
C = 8
MAXD = 100
PAD = 128
L = 16
PART = 4
SEG = N2 // PART
NSCH = SEG // L
NCH = PAD // L
NEG = float("-inf")
SCORE_THR = 0.01
NMS_THR = 0.5
EPS = 1e-8
BIG = 2**30


def _extract(vec, lane, iota):
    return jnp.max(jnp.where(iota == lane, vec, NEG))


def _nms_body(x1h, y1h, x2h, y2h, clsh, osc, oidx,
              x1_v, y1_v, x2_v, y2_v, s_v, csc_v, cidx_v, cand_v, cbuf_v,
              spm_cand):
    ci = lax.axis_index("c")
    si = lax.axis_index("s")
    iota = lax.iota(jnp.int32, L)
    lane0 = iota == 0
    klass = ci * (16 // PART) + si // PART
    part = si % PART
    group = (si // PART) * PART
    base = part * SEG

    def _store1(ref, pos, val):
        plsc.store_scatter(ref, [jnp.full((L,), pos, jnp.int32)],
                           jnp.full((L,), val), mask=lane0)

    pltpu.sync_copy(x1h.at[pl.ds(base, SEG)], x1_v)
    pltpu.sync_copy(y1h.at[pl.ds(base, SEG)], y1_v)
    pltpu.sync_copy(x2h.at[pl.ds(base, SEG)], x2_v)
    pltpu.sync_copy(y2h.at[pl.ds(base, SEG)], y2_v)
    pltpu.sync_copy(clsh.at[pl.ds(klass * N2 + base, SEG)], s_v)

    @pl.when(part == 0)
    def _init():
        def _i(i, carry):
            csc_v[pl.ds(i * L, L)] = jnp.full((L,), NEG, jnp.float32)
            cidx_v[pl.ds(i * L, L)] = jnp.zeros((L,), jnp.int32)
            return carry
        lax.fori_loop(0, NCH, _i, 0)

    bv0 = jnp.full((L,), NEG, jnp.float32)
    bi0 = base + iota

    def _sig(i, carry):
        bv, bi = carry
        off = i * L
        lg = s_v[pl.ds(off, L)]
        p = 1.0 / (1.0 + jnp.exp(-lg))
        s = jnp.where(p > SCORE_THR, p, NEG)
        s_v[pl.ds(off, L)] = s
        idxv = base + off + iota
        better = s > bv
        return jnp.where(better, s, bv), jnp.where(better, idxv, bi)

    bv, bi = lax.fori_loop(0, NSCH, _sig, (bv0, bi0), unroll=4)
    lm0 = jnp.max(bv)
    li0 = jnp.min(jnp.where(bv == lm0, bi, BIG))

    def _step(t, carry):
        li, lm = carry
        lp = jnp.full((L,), li - base, jnp.int32)
        cx1 = plsc.load_gather(x1_v, [lp])
        cy1 = plsc.load_gather(y1_v, [lp])
        cx2 = plsc.load_gather(x2_v, [lp])
        cy2 = plsc.load_gather(y2_v, [lp])
        areav = (cx2 - cx1) * (cy2 - cy1)
        cand = jnp.where(iota == 0, lm,
                         jnp.where(iota == 1, li.astype(jnp.float32),
                                   jnp.where(iota == 2, cx1,
                                             jnp.where(iota == 3, cy1,
                                                       jnp.where(iota == 4, cx2,
                                                                 jnp.where(iota == 5, cy2, areav))))))
        cand_v[pl.ds(0, L)] = cand
        slot = t & 1
        pltpu.sync_copy(cand_v, spm_cand.at[pl.ds((slot * 16 + si) * L, L)])
        plsc.subcore_barrier()
        pltpu.sync_copy(spm_cand.at[pl.ds((slot * 16 + group) * L, PART * L)],
                        cbuf_v)
        plsc.subcore_barrier()
        win = cbuf_v[pl.ds(0, L)]
        ws = _extract(win, 0, iota)
        wif = _extract(win, 1, iota)
        for k in range(1, PART):
            rk = cbuf_v[pl.ds(k * L, L)]
            sk = _extract(rk, 0, iota)
            ik = _extract(rk, 1, iota)
            better = (sk > ws) | ((sk == ws) & (ik < wif))
            win = jnp.where(better, rk, win)
            ws = jnp.where(better, sk, ws)
            wif = jnp.where(better, ik, wif)
        wx1 = _extract(win, 2, iota)
        wy1 = _extract(win, 3, iota)
        wx2 = _extract(win, 4, iota)
        wy2 = _extract(win, 5, iota)
        wa = _extract(win, 6, iota)
        wi = wif.astype(jnp.int32)

        @pl.when(part == 0)
        def _rec():
            _store1(csc_v, t, ws)
            _store1(cidx_v, t, wi)

        wiv = jnp.full((L,), wi, jnp.int32)

        def _sweep(i, c2):
            bv, bi = c2
            off = i * L
            s = s_v[pl.ds(off, L)]
            x1c = x1_v[pl.ds(off, L)]
            y1c = y1_v[pl.ds(off, L)]
            x2c = x2_v[pl.ds(off, L)]
            y2c = y2_v[pl.ds(off, L)]
            ix1 = jnp.maximum(wx1, x1c)
            iy1 = jnp.maximum(wy1, y1c)
            ix2 = jnp.minimum(wx2, x2c)
            iy2 = jnp.minimum(wy2, y2c)
            inter = jnp.maximum(ix2 - ix1, 0.0) * jnp.maximum(iy2 - iy1, 0.0)
            a2 = (x2c - x1c) * (y2c - y1c)
            den = (wa + a2) - inter + EPS
            idxv = base + off + iota
            kill = inter / den > NMS_THR
            s2 = jnp.where(kill, NEG, s)
            s_v[pl.ds(off, L)] = s2
            better = s2 > bv
            return jnp.where(better, s2, bv), jnp.where(better, idxv, bi)

        bv, bi = lax.fori_loop(0, NSCH, _sweep, (bv0, bi0), unroll=8)
        m = jnp.max(bv)
        nli = jnp.min(jnp.where(bv == m, bi, BIG))
        return nli, m

    lax.fori_loop(0, MAXD, _step, (li0, lm0))

    @pl.when(part == 0)
    def _out():
        pltpu.sync_copy(csc_v, osc.at[pl.ds(klass * PAD, PAD)])
        pltpu.sync_copy(cidx_v, oidx.at[pl.ds(klass * PAD, PAD)])


def _merge_body(osch, oidxh, x1h, y1h, x2h, y2h, t0h, t1h, t2h, r0h, r1h, r2h,
                outb, outs, outl, outr, outt,
                c1_v, c2_v, c3_v, c4_v, msc_v, midx_v,
                sel_sc, sel_lab, sel_idx, valf_v, cidx_v, cval_v, gout_v,
                spm_f, spm_i):
    ci = lax.axis_index("c")
    si = lax.axis_index("s")
    iota = lax.iota(jnp.int32, L)
    lane0 = iota == 0

    def _store1(ref, pos, val):
        plsc.store_scatter(ref, [jnp.full((L,), pos, jnp.int32)],
                           jnp.full((L,), val), mask=lane0)

    @pl.when((ci == 0) & (si == 1))
    def _stage_boxes():
        pltpu.sync_copy(x1h, c1_v)
        pltpu.sync_copy(y1h, c2_v)
        pltpu.sync_copy(x2h, c3_v)
        pltpu.sync_copy(y2h, c4_v)

    @pl.when((ci == 0) & (si == 2))
    def _stage_trans():
        pltpu.sync_copy(t0h, c1_v)
        pltpu.sync_copy(t1h, c2_v)
        pltpu.sync_copy(t2h, c3_v)

    @pl.when((ci == 0) & (si == 3))
    def _stage_rot():
        pltpu.sync_copy(r0h, c1_v)
        pltpu.sync_copy(r1h, c2_v)
        pltpu.sync_copy(r2h, c3_v)

    @pl.when((ci == 0) & (si == 0))
    def _merge():
        pltpu.sync_copy(osch, msc_v)
        pltpu.sync_copy(oidxh, midx_v)
        rowv = jnp.minimum(iota, C - 1)

        def _initm(i, carry):
            sel_sc[pl.ds(i * L, L)] = jnp.full((L,), NEG, jnp.float32)
            sel_lab[pl.ds(i * L, L)] = jnp.zeros((L,), jnp.int32)
            sel_idx[pl.ds(i * L, L)] = jnp.zeros((L,), jnp.int32)
            return carry

        lax.fori_loop(0, PAD // L, _initm, 0)

        def _mstep(t, heads):
            colv = jnp.where(iota < C, jnp.minimum(heads, PAD - 1), PAD - 1)
            flat = rowv * PAD + colv
            vals = plsc.load_gather(msc_v, [flat])
            m = jnp.max(vals)
            lane = jnp.min(jnp.where(vals == m, iota, 99))
            bidx = plsc.load_gather(midx_v, [flat])
            bsel = jnp.max(jnp.where(iota == lane, bidx, -2**31))
            _store1(sel_sc, t, m)
            _store1(sel_lab, t, lane)
            _store1(sel_idx, t, bsel)
            return jnp.where(iota == lane, heads + 1, heads)

        lax.fori_loop(0, MAXD, _mstep, jnp.zeros((L,), jnp.int32))

        def _mask(i, carry):
            off = i * L
            sc = sel_sc[pl.ds(off, L)]
            v = sc > NEG
            sel_sc[pl.ds(off, L)] = jnp.where(v, sc, -1.0)
            lab = sel_lab[pl.ds(off, L)]
            sel_lab[pl.ds(off, L)] = jnp.where(v, lab, -1)
            valf_v[pl.ds(off, L)] = jnp.where(v, 1.0, 0.0)
            return carry

        lax.fori_loop(0, PAD // L, _mask, 0)
        pltpu.sync_copy(sel_sc, outs)
        pltpu.sync_copy(sel_lab, outl)
        pltpu.sync_copy(sel_idx, spm_i)
        pltpu.sync_copy(valf_v, spm_f)

    plsc.subcore_barrier()

    def _gather_cols(cols, out_ref):
        pltpu.sync_copy(spm_i, cidx_v)
        pltpu.sync_copy(spm_f, cval_v)
        for k, col in enumerate(cols):
            def _g(i, carry, col=col, k=k):
                off = i * L
                sidx = cidx_v[pl.ds(off, L)]
                vals = plsc.load_gather(col, [sidx])
                v = cval_v[pl.ds(off, L)] > 0.0
                gout_v[pl.ds(k * PAD + off, L)] = jnp.where(v, vals, -1.0)
                return carry

            lax.fori_loop(0, PAD // L, _g, 0)
        pltpu.sync_copy(gout_v.at[pl.ds(0, len(cols) * PAD)], out_ref)

    @pl.when((ci == 0) & (si == 1))
    def _gather_boxes():
        _gather_cols([c1_v, c2_v, c3_v, c4_v], outb)

    @pl.when((ci == 0) & (si == 2))
    def _gather_trans():
        _gather_cols([c1_v, c2_v, c3_v], outt)

    @pl.when((ci == 0) & (si == 3))
    def _gather_rot():
        _gather_cols([c1_v, c2_v, c3_v], outr)


@jax.jit
def _sc_filter(x1p, y1p, x2p, y2p, clsp,
               x1, y1, x2, y2, t0, t1, t2, r0, r1, r2):
    f32 = jnp.float32
    i32 = jnp.int32
    nms = pl.kernel(
        _nms_body,
        out_type=[
            jax.ShapeDtypeStruct((C * PAD,), f32),
            jax.ShapeDtypeStruct((C * PAD,), i32),
        ],
        mesh=plsc.VectorSubcoreMesh(core_axis_name="c", subcore_axis_name="s"),
        compiler_params=pltpu.CompilerParams(needs_layout_passes=False),
        scratch_types=[
            pltpu.VMEM((SEG,), f32),
            pltpu.VMEM((SEG,), f32),
            pltpu.VMEM((SEG,), f32),
            pltpu.VMEM((SEG,), f32),
            pltpu.VMEM((SEG,), f32),
            pltpu.VMEM((PAD,), f32),
            pltpu.VMEM((PAD,), i32),
            pltpu.VMEM((L,), f32),
            pltpu.VMEM((PART * L,), f32),
            pltpu.VMEM_SHARED((2 * 16 * L,), f32),
        ],
    )
    osc, oidx = nms(x1p, y1p, x2p, y2p, clsp)
    merge = pl.kernel(
        _merge_body,
        out_type=[
            jax.ShapeDtypeStruct((4 * PAD,), f32),
            jax.ShapeDtypeStruct((PAD,), f32),
            jax.ShapeDtypeStruct((PAD,), i32),
            jax.ShapeDtypeStruct((3 * PAD,), f32),
            jax.ShapeDtypeStruct((3 * PAD,), f32),
        ],
        mesh=plsc.VectorSubcoreMesh(core_axis_name="c", subcore_axis_name="s"),
        compiler_params=pltpu.CompilerParams(needs_layout_passes=False),
        scratch_types=[
            pltpu.VMEM((N,), f32),
            pltpu.VMEM((N,), f32),
            pltpu.VMEM((N,), f32),
            pltpu.VMEM((N,), f32),
            pltpu.VMEM((C * PAD,), f32),
            pltpu.VMEM((C * PAD,), i32),
            pltpu.VMEM((PAD,), f32),
            pltpu.VMEM((PAD,), i32),
            pltpu.VMEM((PAD,), i32),
            pltpu.VMEM((PAD,), f32),
            pltpu.VMEM((PAD,), i32),
            pltpu.VMEM((PAD,), f32),
            pltpu.VMEM((4 * PAD,), f32),
            pltpu.VMEM_SHARED((PAD,), f32),
            pltpu.VMEM_SHARED((PAD,), i32),
        ],
    )
    return merge(osc, oidx, x1, y1, x2, y2, t0, t1, t2, r0, r1, r2)


def kernel(bboxes, classification, translation, rotation):
    bx = bboxes[0]
    trn = translation[0]
    rot = rotation[0]
    zpad = jnp.zeros((N2 - N,), jnp.float32)
    lpad = jnp.full((C, N2 - N), -100.0, jnp.float32)
    clsp = jnp.concatenate([classification[0].T, lpad], axis=1).reshape(-1)
    outb, outs, outl, outr, outt = _sc_filter(
        jnp.concatenate([bx[:, 0], zpad]),
        jnp.concatenate([bx[:, 1], zpad]),
        jnp.concatenate([bx[:, 2], zpad]),
        jnp.concatenate([bx[:, 3], zpad]),
        clsp,
        bx[:, 0], bx[:, 1], bx[:, 2], bx[:, 3],
        trn[:, 0], trn[:, 1], trn[:, 2],
        rot[:, 0], rot[:, 1], rot[:, 2],
    )
    boxes_o = outb.reshape(4, PAD).T[:MAXD][None]
    scores_o = outs[:MAXD][None]
    labels_o = outl[:MAXD][None]
    rot_o = outr.reshape(3, PAD).T[:MAXD][None]
    trans_o = outt.reshape(3, PAD).T[:MAXD][None]
    return boxes_o, scores_o, labels_o, rot_o, trans_o

# --- scband reference (transcript-rebuilt; emitter-appended) ---
"""Pipeline reference for scband-model-with-filter-det-32933809225882 (READ-ONLY COPY).

The authoritative reference and input builder live on the scoring server;
editing this copy changes nothing except your own understanding.
"""

import jax, jax.numpy as jnp
import numpy as np
from jax import lax

B, N, C = 1, 20000, 8
MAX_DET = 100
NMS_THR = 0.5
SCORE_THR = 0.01


def setup_inputs(seed: int = 0):
    key = jax.random.key(seed)
    k1, k2, k3, k4, k5 = jax.random.split(key, 5)
    xy = jax.random.uniform(k1, (B, N, 2), dtype=jnp.float32) * 512.0
    wh = jax.random.uniform(k2, (B, N, 2), dtype=jnp.float32) * 64.0 + 1.0
    bboxes = jnp.concatenate([xy, xy + wh], axis=-1)
    classification = jax.random.normal(k3, (B, N, C), dtype=jnp.float32) - 2.0  # pre-sigmoid logits
    translation = jax.random.normal(k4, (B, N, 3), dtype=jnp.float32)
    rotation = jax.random.normal(k5, (B, N, 3), dtype=jnp.float32)
    return {"bboxes": bboxes, "classification": classification, "translation": translation, "rotation": rotation}


def _iou(box, boxes):
    x1 = jnp.maximum(box[0], boxes[:, 0])
    y1 = jnp.maximum(box[1], boxes[:, 1])
    x2 = jnp.minimum(box[2], boxes[:, 2])
    y2 = jnp.minimum(box[3], boxes[:, 3])
    inter = jnp.clip(x2 - x1, 0.0) * jnp.clip(y2 - y1, 0.0)
    a1 = (box[2] - box[0]) * (box[3] - box[1])
    a2 = (boxes[:, 2] - boxes[:, 0]) * (boxes[:, 3] - boxes[:, 1])
    return inter / (a1 + a2 - inter + 1e-8)


def _nms_single(boxes, scores):
    # greedy NMS, fixed MAX_DET iterations (torchvision.ops.nms semantics)
    s0 = jnp.where(scores > SCORE_THR, scores, -jnp.inf)

    def step(s, _):
        idx = jnp.argmax(s)
        sc = s[idx]
        valid = jnp.isfinite(sc)
        sup = _iou(boxes[idx], boxes) > NMS_THR
        s = jnp.where(sup, -jnp.inf, s)
        s = s.at[idx].set(-jnp.inf)
        return s, (idx, jnp.where(valid, sc, -jnp.inf), valid)

    _, (idxs, scs, valids) = lax.scan(step, s0, None, length=MAX_DET)
    return idxs, scs, valids


def _filter_one(boxes, cls_prob, translation, rotation):
    # class-specific filter: NMS per class, then global top-k over all class candidates
    idxs, scs, valids = jax.vmap(lambda s: _nms_single(boxes, s), in_axes=1)(cls_prob)  # [C, MAX_DET]
    labels = jnp.broadcast_to(jnp.arange(C, dtype=jnp.int32)[:, None], (C, MAX_DET))
    flat_scores = scs.reshape(-1)
    flat_idx = idxs.reshape(-1)
    flat_labels = labels.reshape(-1)
    top_scores, top_pos = lax.top_k(flat_scores, MAX_DET)
    sel_idx = flat_idx[top_pos]
    sel_labels = flat_labels[top_pos]
    valid = jnp.isfinite(top_scores)
    out_boxes = jnp.where(valid[:, None], boxes[sel_idx], -1.0)
    out_scores = jnp.where(valid, top_scores, -1.0)
    out_labels = jnp.where(valid, sel_labels, -1)
    out_rot = jnp.where(valid[:, None], rotation[sel_idx], -1.0)
    out_trans = jnp.where(valid[:, None], translation[sel_idx], -1.0)
    return out_boxes, out_scores, out_labels, out_rot, out_trans


def reference(bboxes, classification, translation, rotation):
    cls_prob = jax.nn.sigmoid(classification)
    boxes_o, scores_o, labels_o, rot_o, trans_o = jax.vmap(_filter_one)(bboxes, cls_prob, translation, rotation)
    return boxes_o, scores_o, labels_o, rot_o, trans_o

if __name__ == "__main__":
    import jax
    _d = setup_inputs()
    print(jax.jit(kernel)(*tuple(_d.values())))

</pallas_src>

<mosaic_0001>
#map = affine_map<(d0, d1) -> (0)>
module attributes {stable_mosaic.version = 14 : i64} {
  func.func @_nms_body(%arg0: i32, %arg1: i32, %arg2: memref<20096xf32, #tpu.memory_space<hbm>>, %arg3: memref<20096xf32, #tpu.memory_space<hbm>>, %arg4: memref<20096xf32, #tpu.memory_space<hbm>>, %arg5: memref<20096xf32, #tpu.memory_space<hbm>>, %arg6: memref<160768xf32, #tpu.memory_space<hbm>>, %arg7: memref<1024xf32, #tpu.memory_space<hbm>>, %arg8: memref<1024xi32, #tpu.memory_space<hbm>>, %arg9: memref<5024xf32, #tpu.memory_space<vmem>>, %arg10: memref<5024xf32, #tpu.memory_space<vmem>>, %arg11: memref<5024xf32, #tpu.memory_space<vmem>>, %arg12: memref<5024xf32, #tpu.memory_space<vmem>>, %arg13: memref<5024xf32, #tpu.memory_space<vmem>>, %arg14: memref<128xf32, #tpu.memory_space<vmem>>, %arg15: memref<128xi32, #tpu.memory_space<vmem>>, %arg16: memref<16xf32, #tpu.memory_space<vmem>>, %arg17: memref<64xf32, #tpu.memory_space<vmem>>, %arg18: memref<512xf32, #tpu.memory_space<vmem_shared>>) attributes {dimension_semantics = [#tpu.dimension_semantics<core_parallel>, #tpu.dimension_semantics<subcore_parallel>], iteration_bounds = array<i64: 2, 16>, scalar_prefetch = 0 : i64, scratch_operands = 10 : i64, tpu.core_type = #tpu.core_type<sc_vector_subcore>, window_params = [{transform_indices = #map}, {transform_indices = #map}, {transform_indices = #map}, {transform_indices = #map}, {transform_indices = #map}, {transform_indices = #map}, {transform_indices = #map}]} {
    %iota3A = tpu.iota {dimensions = array<i32: 0>} : vector<16xi32>
    %eq3A = arith.constant 0 : i32
    %eq3A_0 = vector.broadcast %eq3A : i32 to vector<16xi32>
    %eq3A_1 = arith.cmpi eq, %iota3A, %eq3A_0 : vector<16xi32>
    %mul3A = arith.constant 4 : i32
    %mul3A_2 = arith.muli %arg0, %mul3A : i32
    %jit3A = arith.constant 4 : i32
    %div3A = arith.divsi %arg1, %jit3A : i32
    %sign3A = arith.constant 0 : i32
    %sign3A_3 = arith.cmpi sgt, %arg1, %sign3A : i32
    %sign3A_4 = arith.extui %sign3A_3 : i1 to i32
    %sign3A_5 = arith.constant 0 : i32
    %sign3A_6 = arith.cmpi slt, %arg1, %sign3A_5 : i32
    %sign3A_7 = arith.extui %sign3A_6 : i1 to i32
    %sign3A_8 = arith.subi %sign3A_4, %sign3A_7 : i32
    %sign3A_9 = arith.constant 0 : i32
    %sign3A_10 = arith.cmpi sgt, %jit3A, %sign3A_9 : i32
    %sign3A_11 = arith.extui %sign3A_10 : i1 to i32
    %sign3A_12 = arith.constant 0 : i32
    %sign3A_13 = arith.cmpi slt, %jit3A, %sign3A_12 : i32
    %sign3A_14 = arith.extui %sign3A_13 : i1 to i32
    %sign3A_15 = arith.subi %sign3A_11, %sign3A_14 : i32
    %ne3A = arith.cmpi ne, %sign3A_8, %sign3A_15 : i32
    %rem3A = arith.remsi %arg1, %jit3A : i32
    %ne3A_16 = arith.constant 0 : i32
    %ne3A_17 = arith.cmpi ne, %rem3A, %ne3A_16 : i32
    %and3A = arith.andi %ne3A, %ne3A_17 : i1
    %sub3A = arith.constant 1 : i32
    %sub3A_18 = arith.subi %div3A, %sub3A : i32
    %select_n3A = arith.select %and3A, %sub3A_18, %div3A : i32
    %add3A = arith.addi %mul3A_2, %select_n3A : i32
    %jit3A_19 = arith.constant 4 : i32
    %eq3A_20 = arith.constant 0 : i32
    %eq3A_21 = arith.cmpi eq, %jit3A_19, %eq3A_20 : i32
    %jit3A_22 = arith.constant 1 : i32
    %select_n3A_23 = arith.select %eq3A_21, %jit3A_22, %jit3A_19 : i32
    %rem3A_24 = arith.remsi %arg1, %select_n3A_23 : i32
    %ne3A_25 = arith.constant 0 : i32
    %ne3A_26 = arith.cmpi ne, %rem3A_24, %ne3A_25 : i32
    %lt3A = arith.constant 0 : i32
    %lt3A_27 = arith.cmpi slt, %rem3A_24, %lt3A : i32
    %lt3A_28 = arith.constant 0 : i32
    %lt3A_29 = arith.cmpi slt, %select_n3A_23, %lt3A_28 : i32
    %ne3A_30 = arith.xori %lt3A_27, %lt3A_29 : i1
    %and3A_31 = arith.andi %ne3A_30, %ne3A_26 : i1
    %add3A_32 = arith.addi %rem3A_24, %select_n3A_23 : i32
    %select_n3A_33 = arith.select %and3A_31, %add3A_32, %rem3A_24 : i32
    %jit3A_34 = arith.constant 4 : i32
    %div3A_35 = arith.divsi %arg1, %jit3A_34 : i32
    %sign3A_36 = arith.constant 0 : i32
    %sign3A_37 = arith.cmpi sgt, %arg1, %sign3A_36 : i32
    %sign3A_38 = arith.extui %sign3A_37 : i1 to i32
    %sign3A_39 = arith.constant 0 : i32
    %sign3A_40 = arith.cmpi slt, %arg1, %sign3A_39 : i32
    %sign3A_41 = arith.extui %sign3A_40 : i1 to i32
    %sign3A_42 = arith.subi %sign3A_38, %sign3A_41 : i32
    %sign3A_43 = arith.constant 0 : i32
    %sign3A_44 = arith.cmpi sgt, %jit3A_34, %sign3A_43 : i32
    %sign3A_45 = arith.extui %sign3A_44 : i1 to i32
    %sign3A_46 = arith.constant 0 : i32
    %sign3A_47 = arith.cmpi slt, %jit3A_34, %sign3A_46 : i32
    %sign3A_48 = arith.extui %sign3A_47 : i1 to i32
    %sign3A_49 = arith.subi %sign3A_45, %sign3A_48 : i32
    %ne3A_50 = arith.cmpi ne, %sign3A_42, %sign3A_49 : i32
    %rem3A_51 = arith.remsi %arg1, %jit3A_34 : i32
    %ne3A_52 = arith.constant 0 : i32
    %ne3A_53 = arith.cmpi ne, %rem3A_51, %ne3A_52 : i32
    %and3A_54 = arith.andi %ne3A_50, %ne3A_53 : i1
    %sub3A_55 = arith.constant 1 : i32
    %sub3A_56 = arith.subi %div3A_35, %sub3A_55 : i32
    %select_n3A_57 = arith.select %and3A_54, %sub3A_56, %div3A_35 : i32
    %mul3A_58 = arith.constant 4 : i32
    %mul3A_59 = arith.muli %select_n3A_57, %mul3A_58 : i32
    %mul3A_60 = arith.constant 5024 : i32
    %mul3A_61 = arith.muli %select_n3A_33, %mul3A_60 : i32
    "tpu.region"() ({
      %run_scoped3A = tpu.sem_alloc : memref<!tpu.dma_semaphore, #tpu.memory_space<semaphore_mem>>
      %dma_start3A = tpu.memref_slice %arg2[%mul3A_61] : memref<20096xf32, #tpu.memory_space<hbm>> -> memref<5024xf32, #tpu.memory_space<hbm>>
      %dma_start3A_157 = tpu.memref_slice %arg2[%mul3A_61] : memref<20096xf32, #tpu.memory_space<hbm>> -> memref<5024xf32, #tpu.memory_space<hbm>>
      tpu.enqueue_dma source(%dma_start3A_157 : memref<5024xf32, #tpu.memory_space<hbm>>) target(%arg9 : memref<5024xf32, #tpu.memory_space<vmem>>) target_semaphore(%run_scoped3A : memref<!tpu.dma_semaphore, #tpu.memory_space<semaphore_mem>>)
      %dma_wait3A = tpu.memref_slice %arg2[%mul3A_61] : memref<20096xf32, #tpu.memory_space<hbm>> -> memref<5024xf32, #tpu.memory_space<hbm>>
      %dma_wait3A_158 = tpu.memref_slice %arg2[%mul3A_61] : memref<20096xf32, #tpu.memory_space<hbm>> -> memref<5024xf32, #tpu.memory_space<hbm>>
      tpu.wait_dma2 semaphore(%run_scoped3A : memref<!tpu.dma_semaphore, #tpu.memory_space<semaphore_mem>>) src(%dma_wait3A_158 : memref<5024xf32, #tpu.memory_space<hbm>>) dst(%arg9 : memref<5024xf32, #tpu.memory_space<vmem>>)
      tpu.yield
    }) : () -> ()
    "tpu.region"() ({
      %run_scoped3A = tpu.sem_alloc : memref<!tpu.dma_semaphore, #tpu.memory_space<semaphore_mem>>
      %dma_start3A = tpu.memref_slice %arg3[%mul3A_61] : memref<20096xf32, #tpu.memory_space<hbm>> -> memref<5024xf32, #tpu.memory_space<hbm>>
      %dma_start3A_157 = tpu.memref_slice %arg3[%mul3A_61] : memref<20096xf32, #tpu.memory_space<hbm>> -> memref<5024xf32, #tpu.memory_space<hbm>>
      tpu.enqueue_dma source(%dma_start3A_157 : memref<5024xf32, #tpu.memory_space<hbm>>) target(%arg10 : memref<5024xf32, #tpu.memory_space<vmem>>) target_semaphore(%run_scoped3A : memref<!tpu.dma_semaphore, #tpu.memory_space<semaphore_mem>>)
      %dma_wait3A = tpu.memref_slice %arg3[%mul3A_61] : memref<20096xf32, #tpu.memory_space<hbm>> -> memref<5024xf32, #tpu.memory_space<hbm>>
      %dma_wait3A_158 = tpu.memref_slice %arg3[%mul3A_61] : memref<20096xf32, #tpu.memory_space<hbm>> -> memref<5024xf32, #tpu.memory_space<hbm>>
      tpu.wait_dma2 semaphore(%run_scoped3A : memref<!tpu.dma_semaphore, #tpu.memory_space<semaphore_mem>>) src(%dma_wait3A_158 : memref<5024xf32, #tpu.memory_space<hbm>>) dst(%arg10 : memref<5024xf32, #tpu.memory_space<vmem>>)
      tpu.yield
    }) : () -> ()
    "tpu.region"() ({
      %run_scoped3A = tpu.sem_alloc : memref<!tpu.dma_semaphore, #tpu.memory_space<semaphore_mem>>
      %dma_start3A = tpu.memref_slice %arg4[%mul3A_61] : memref<20096xf32, #tpu.memory_space<hbm>> -> memref<5024xf32, #tpu.memory_space<hbm>>
      %dma_start3A_157 = tpu.memref_slice %arg4[%mul3A_61] : memref<20096xf32, #tpu.memory_space<hbm>> -> memref<5024xf32, #tpu.memory_space<hbm>>
      tpu.enqueue_dma source(%dma_start3A_157 : memref<5024xf32, #tpu.memory_space<hbm>>) target(%arg11 : memref<5024xf32, #tpu.memory_space<vmem>>) target_semaphore(%run_scoped3A : memref<!tpu.dma_semaphore, #tpu.memory_space<semaphore_mem>>)
      %dma_wait3A = tpu.memref_slice %arg4[%mul3A_61] : memref<20096xf32, #tpu.memory_space<hbm>> -> memref<5024xf32, #tpu.memory_space<hbm>>
      %dma_wait3A_158 = tpu.memref_slice %arg4[%mul3A_61] : memref<20096xf32, #tpu.memory_space<hbm>> -> memref<5024xf32, #tpu.memory_space<hbm>>
      tpu.wait_dma2 semaphore(%run_scoped3A : memref<!tpu.dma_semaphore, #tpu.memory_space<semaphore_mem>>) src(%dma_wait3A_158 : memref<5024xf32, #tpu.memory_space<hbm>>) dst(%arg11 : memref<5024xf32, #tpu.memory_space<vmem>>)
      tpu.yield
    }) : () -> ()
    "tpu.region"() ({
      %run_scoped3A = tpu.sem_alloc : memref<!tpu.dma_semaphore, #tpu.memory_space<semaphore_mem>>
      %dma_start3A = tpu.memref_slice %arg5[%mul3A_61] : memref<20096xf32, #tpu.memory_space<hbm>> -> memref<5024xf32, #tpu.memory_space<hbm>>
      %dma_start3A_157 = tpu.memref_slice %arg5[%mul3A_61] : memref<20096xf32, #tpu.memory_space<hbm>> -> memref<5024xf32, #tpu.memory_space<hbm>>
      tpu.enqueue_dma source(%dma_start3A_157 : memref<5024xf32, #tpu.memory_space<hbm>>) target(%arg12 : memref<5024xf32, #tpu.memory_space<vmem>>) target_semaphore(%run_scoped3A : memref<!tpu.dma_semaphore, #tpu.memory_space<semaphore_mem>>)
      %dma_wait3A = tpu.memref_slice %arg5[%mul3A_61] : memref<20096xf32, #tpu.memory_space<hbm>> -> memref<5024xf32, #tpu.memory_space<hbm>>
      %dma_wait3A_158 = tpu.memref_slice %arg5[%mul3A_61] : memref<20096xf32, #tpu.memory_space<hbm>> -> memref<5024xf32, #tpu.memory_space<hbm>>
      tpu.wait_dma2 semaphore(%run_scoped3A : memref<!tpu.dma_semaphore, #tpu.memory_space<semaphore_mem>>) src(%dma_wait3A_158 : memref<5024xf32, #tpu.memory_space<hbm>>) dst(%arg12 : memref<5024xf32, #tpu.memory_space<vmem>>)
      tpu.yield
    }) : () -> ()
    %mul3A_62 = arith.constant 20096 : i32
    %mul3A_63 = arith.muli %add3A, %mul3A_62 : i32
    %add3A_64 = arith.addi %mul3A_63, %mul3A_61 : i32
    "tpu.region"() ({
      %run_scoped3A = tpu.sem_alloc : memref<!tpu.dma_semaphore, #tpu.memory_space<semaphore_mem>>
      %dma_start3A = tpu.memref_slice %arg6[%add3A_64] : memref<160768xf32, #tpu.memory_space<hbm>> -> memref<5024xf32, #tpu.memory_space<hbm>>
      %dma_start3A_157 = tpu.memref_slice %arg6[%add3A_64] : memref<160768xf32, #tpu.memory_space<hbm>> -> memref<5024xf32, #tpu.memory_space<hbm>>
      tpu.enqueue_dma source(%dma_start3A_157 : memref<5024xf32, #tpu.memory_space<hbm>>) target(%arg13 : memref<5024xf32, #tpu.memory_space<vmem>>) target_semaphore(%run_scoped3A : memref<!tpu.dma_semaphore, #tpu.memory_space<semaphore_mem>>)
      %dma_wait3A = tpu.memref_slice %arg6[%add3A_64] : memref<160768xf32, #tpu.memory_space<hbm>> -> memref<5024xf32, #tpu.memory_space<hbm>>
      %dma_wait3A_158 = tpu.memref_slice %arg6[%add3A_64] : memref<160768xf32, #tpu.memory_space<hbm>> -> memref<5024xf32, #tpu.memory_space<hbm>>
      tpu.wait_dma2 semaphore(%run_scoped3A : memref<!tpu.dma_semaphore, #tpu.memory_space<semaphore_mem>>) src(%dma_wait3A_158 : memref<5024xf32, #tpu.memory_space<hbm>>) dst(%arg13 : memref<5024xf32, #tpu.memory_space<vmem>>)
      tpu.yield
    }) : () -> ()
    %eq3A_65 = arith.constant 0 : i32
    %eq3A_66 = arith.cmpi eq, %select_n3A_33, %eq3A_65 : i32
    %convert_element_type3A = arith.extui %eq3A_66 : i1 to i32
    %cond3A = arith.constant 0 : i32
    %cond3A_67 = arith.cmpi ne, %convert_element_type3A, %cond3A : i32
    scf.if %cond3A_67 {
      %scan3A_157 = arith.constant 0 : i32
      %scan3A_158 = arith.constant 0 : i32
      %scan3A_159 = arith.constant 8 : i32
      %scan3A_160 = arith.addi %scan3A_158, %scan3A_159 : i32
      %scan3A_161 = arith.constant 1 : i32
      scf.for %scan3A_163 = %scan3A_158 to %scan3A_160 step %scan3A_161  : i32 {
        %broadcast_in_dim3A_164 = arith.constant 0xFF800000 : f32
        %broadcast_in_dim3A_165 = vector.broadcast %broadcast_in_dim3A_164 : f32 to vector<16xf32>
        %mul3A_166 = arith.constant 16 : i32
        %mul3A_167 = arith.muli %scan3A_163, %mul3A_166 : i32
        %swap3A_168 = arith.index_cast %mul3A_167 : i32 to index
        %swap3A_169 = tpu.vector_load %arg14[%swap3A_168] {strides = array<i32>} : memref<128xf32, #tpu.memory_space<vmem>>, vector<16xf32>,
        tpu.vector_store %arg14[%swap3A_168], %broadcast_in_dim3A_165 {strides = array<i32>} : memref<128xf32, #tpu.memory_space<vmem>>, vector<16xf32>,
        %broadcast_in_dim3A_170 = arith.constant 0 : i32
        %broadcast_in_dim3A_171 = vector.broadcast %broadcast_in_dim3A_170 : i32 to vector<16xi32>
        %mul3A_172 = arith.constant 16 : i32
        %mul3A_173 = arith.muli %scan3A_163, %mul3A_172 : i32
        %swap3A_174 = arith.index_cast %mul3A_173 : i32 to index
        %swap3A_175 = tpu.vector_load %arg15[%swap3A_174] {strides = array<i32>} : memref<128xi32, #tpu.memory_space<vmem>>, vector<16xi32>,
        tpu.vector_store %arg15[%swap3A_174], %broadcast_in_dim3A_171 {strides = array<i32>} : memref<128xi32, #tpu.memory_space<vmem>>, vector<16xi32>,
      }
      %scan3A_162 = arith.constant 8 : i32
    } else {
    }
    %broadcast_in_dim3A = arith.constant 0xFF800000 : f32
    %broadcast_in_dim3A_68 = vector.broadcast %broadcast_in_dim3A : f32 to vector<16xf32>
    %add3A_69 = vector.broadcast %mul3A_61 : i32 to vector<16xi32>
    %add3A_70 = arith.addi %add3A_69, %iota3A : vector<16xi32>
    %scan3A = arith.constant 0 : i32
    %scan3A_71 = arith.constant 312 : i32
    %scan3A_72 = arith.addi %scan3A, %scan3A_71 : i32
    %scan3A_73 = arith.constant 4 : i32
    %scan3A_74:2 = scf.for %scan3A_157 = %scan3A to %scan3A_72 step %scan3A_73 iter_args(%scan3A_158 = %broadcast_in_dim3A_68, %scan3A_159 = %add3A_70) -> (vector<16xf32>, vector<16xi32>)  : i32 {
      %mul3A_160 = arith.constant 16 : i32
      %mul3A_161 = arith.muli %scan3A_157, %mul3A_160 : i32
      %get3A_162 = arith.index_cast %mul3A_161 : i32 to index
      %get3A_163 = tpu.vector_load %arg13[%get3A_162] {strides = array<i32>} : memref<5024xf32, #tpu.memory_space<vmem>>, vector<16xf32>,
      %neg3A_164 = arith.constant 0.000000e+00 : f32
      %neg3A_165 = vector.broadcast %neg3A_164 : f32 to vector<16xf32>
      %neg3A_166 = arith.subf %neg3A_165, %get3A_163 : vector<16xf32>
      %exp3A_167 = math.exp %neg3A_166 : vector<16xf32>
      %add3A_168 = arith.constant 1.000000e+00 : f32
      %add3A_169 = vector.broadcast %add3A_168 : f32 to vector<16xf32>
      %add3A_170 = arith.addf %add3A_169, %exp3A_167 : vector<16xf32>
      %div3A_171 = arith.constant 1.000000e+00 : f32
      %div3A_172 = vector.broadcast %div3A_171 : f32 to vector<16xf32>
      %div3A_173 = arith.divf %div3A_172, %add3A_170 : vector<16xf32>
      %gt3A_174 = arith.constant 0.00999999977 : f32
      %gt3A_175 = vector.broadcast %gt3A_174 : f32 to vector<16xf32>
      %gt3A_176 = arith.cmpf ogt, %div3A_173, %gt3A_175 : vector<16xf32>
      %jit3A_177 = arith.constant 0xFF800000 : f32
      %broadcast_in_dim3A_178 = vector.broadcast %jit3A_177 : f32 to vector<16xf32>
      %select_n3A_179 = arith.select %gt3A_176, %div3A_173, %broadcast_in_dim3A_178 : vector<16xi1>, vector<16xf32>
      %swap3A_180 = arith.index_cast %mul3A_161 : i32 to index
      %swap3A_181 = tpu.vector_load %arg13[%swap3A_180] {strides = array<i32>} : memref<5024xf32, #tpu.memory_space<vmem>>, vector<16xf32>,
      tpu.vector_store %arg13[%swap3A_180], %select_n3A_179 {strides = array<i32>} : memref<5024xf32, #tpu.memory_space<vmem>>, vector<16xf32>,
      %add3A_182 = arith.addi %mul3A_61, %mul3A_161 : i32
      %add3A_183 = vector.broadcast %add3A_182 : i32 to vector<16xi32>
      %add3A_184 = arith.addi %add3A_183, %iota3A : vector<16xi32>
      %gt3A_185 = arith.cmpf ogt, %select_n3A_179, %scan3A_158 : vector<16xf32>
      %select_n3A_186 = arith.select %gt3A_185, %select_n3A_179, %scan3A_158 : vector<16xi1>, vector<16xf32>
      %select_n3A_187 = arith.select %gt3A_185, %add3A_184, %scan3A_159 : vector<16xi1>, vector<16xi32>
      %scan3A_188 = arith.constant 1 : i32
      %scan3A_189 = arith.addi %scan3A_157, %scan3A_188 : i32
      %mul3A_190 = arith.constant 16 : i32
      %mul3A_191 = arith.muli %scan3A_189, %mul3A_190 : i32
      %get3A_192 = arith.index_cast %mul3A_191 : i32 to index
      %get3A_193 = tpu.vector_load %arg13[%get3A_192] {strides = array<i32>} : memref<5024xf32, #tpu.memory_space<vmem>>, vector<16xf32>,
      %neg3A_194 = arith.constant 0.000000e+00 : f32
      %neg3A_195 = vector.broadcast %neg3A_194 : f32 to vector<16xf32>
      %neg3A_196 = arith.subf %neg3A_195, %get3A_193 : vector<16xf32>
      %exp3A_197 = math.exp %neg3A_196 : vector<16xf32>
      %add3A_198 = arith.constant 1.000000e+00 : f32
      %add3A_199 = vector.broadcast %add3A_198 : f32 to vector<16xf32>
      %add3A_200 = arith.addf %add3A_199, %exp3A_197 : vector<16xf32>
      %div3A_201 = arith.constant 1.000000e+00 : f32
      %div3A_202 = vector.broadcast %div3A_201 : f32 to vector<16xf32>
      %div3A_203 = arith.divf %div3A_202, %add3A_200 : vector<16xf32>
      %gt3A_204 = arith.constant 0.00999999977 : f32
      %gt3A_205 = vector.broadcast %gt3A_204 : f32 to vector<16xf32>
      %gt3A_206 = arith.cmpf ogt, %div3A_203, %gt3A_205 : vector<16xf32>
      %jit3A_207 = arith.constant 0xFF800000 : f32
      %broadcast_in_dim3A_208 = vector.broadcast %jit3A_207 : f32 to vector<16xf32>
      %select_n3A_209 = arith.select %gt3A_206, %div3A_203, %broadcast_in_dim3A_208 : vector<16xi1>, vector<16xf32>
      %swap3A_210 = arith.index_cast %mul3A_191 : i32 to index
      %swap3A_211 = tpu.vector_load %arg13[%swap3A_210] {strides = array<i32>} : memref<5024xf32, #tpu.memory_space<vmem>>, vector<16xf32>,
      tpu.vector_store %arg13[%swap3A_210], %select_n3A_209 {strides = array<i32>} : memref<5024xf32, #tpu.memory_space<vmem>>, vector<16xf32>,
      %add3A_212 = arith.addi %mul3A_61, %mul3A_191 : i32
      %add3A_213 = vector.broadcast %add3A_212 : i32 to vector<16xi32>
      %add3A_214 = arith.addi %add3A_213, %iota3A : vector<16xi32>
      %gt3A_215 = arith.cmpf ogt, %select_n3A_209, %select_n3A_186 : vector<16xf32>
      %select_n3A_216 = arith.select %gt3A_215, %select_n3A_209, %select_n3A_186 : vector<16xi1>, vector<16xf32>
      %select_n3A_217 = arith.select %gt3A_215, %add3A_214, %select_n3A_187 : vector<16xi1>, vector<16xi32>
      %scan3A_218 = arith.constant 2 : i32
      %scan3A_219 = arith.addi %scan3A_157, %scan3A_218 : i32
      %mul3A_220 = arith.constant 16 : i32
      %mul3A_221 = arith.muli %scan3A_219, %mul3A_220 : i32
      %get3A_222 = arith.index_cast %mul3A_221 : i32 to index
      %get3A_223 = tpu.vector_load %arg13[%get3A_222] {strides = array<i32>} : memref<5024xf32, #tpu.memory_space<vmem>>, vector<16xf32>,
      %neg3A_224 = arith.constant 0.000000e+00 : f32
      %neg3A_225 = vector.broadcast %neg3A_224 : f32 to vector<16xf32>
      %neg3A_226 = arith.subf %neg3A_225, %get3A_223 : vector<16xf32>
      %exp3A_227 = math.exp %neg3A_226 : vector<16xf32>
      %add3A_228 = arith.constant 1.000000e+00 : f32
      %add3A_229 = vector.broadcast %add3A_228 : f32 to vector<16xf32>
      %add3A_230 = arith.addf %add3A_229, %exp3A_227 : vector<16xf32>
      %div3A_231 = arith.constant 1.000000e+00 : f32
      %div3A_232 = vector.broadcast %div3A_231 : f32 to vector<16xf32>
      %div3A_233 = arith.divf %div3A_232, %add3A_230 : vector<16xf32>
      %gt3A_234 = arith.constant 0.00999999977 : f32
      %gt3A_235 = vector.broadcast %gt3A_234 : f32 to vector<16xf32>
      %gt3A_236 = arith.cmpf ogt, %div3A_233, %gt3A_235 : vector<16xf32>
      %jit3A_237 = arith.constant 0xFF800000 : f32
      %broadcast_in_dim3A_238 = vector.broadcast %jit3A_237 : f32 to vector<16xf32>
      %select_n3A_239 = arith.select %gt3A_236, %div3A_233, %broadcast_in_dim3A_238 : vector<16xi1>, vector<16xf32>
      %swap3A_240 = arith.index_cast %mul3A_221 : i32 to index
      %swap3A_241 = tpu.vector_load %arg13[%swap3A_240] {strides = array<i32>} : memref<5024xf32, #tpu.memory_space<vmem>>, vector<16xf32>,
      tpu.vector_store %arg13[%swap3A_240], %select_n3A_239 {strides = array<i32>} : memref<5024xf32, #tpu.memory_space<vmem>>, vector<16xf32>,
      %add3A_242 = arith.addi %mul3A_61, %mul3A_221 : i32
      %add3A_243 = vector.broadcast %add3A_242 : i32 to vector<16xi32>
      %add3A_244 = arith.addi %add3A_243, %iota3A : vector<16xi32>
      %gt3A_245 = arith.cmpf ogt, %select_n3A_239, %select_n3A_216 : vector<16xf32>
      %select_n3A_246 = arith.select %gt3A_245, %select_n3A_239, %select_n3A_216 : vector<16xi1>, vector<16xf32>
      %select_n3A_247 = arith.select %gt3A_245, %add3A_244, %select_n3A_217 : vector<16xi1>, vector<16xi32>
      %scan3A_248 = arith.constant 3 : i32
      %scan3A_249 = arith.addi %scan3A_157, %scan3A_248 : i32
      %mul3A_250 = arith.constant 16 : i32
      %mul3A_251 = arith.muli %scan3A_249, %mul3A_250 : i32
      %get3A_252 = arith.index_cast %mul3A_251 : i32 to index
      %get3A_253 = tpu.vector_load %arg13[%get3A_252] {strides = array<i32>} : memref<5024xf32, #tpu.memory_space<vmem>>, vector<16xf32>,
      %neg3A_254 = arith.constant 0.000000e+00 : f32
      %neg3A_255 = vector.broadcast %neg3A_254 : f32 to vector<16xf32>
      %neg3A_256 = arith.subf %neg3A_255, %get3A_253 : vector<16xf32>
      %exp3A_257 = math.exp %neg3A_256 : vector<16xf32>
      %add3A_258 = arith.constant 1.000000e+00 : f32
      %add3A_259 = vector.broadcast %add3A_258 : f32 to vector<16xf32>
      %add3A_260 = arith.addf %add3A_259, %exp3A_257 : vector<16xf32>
      %div3A_261 = arith.constant 1.000000e+00 : f32
      %div3A_262 = vector.broadcast %div3A_261 : f32 to vector<16xf32>
      %div3A_263 = arith.divf %div3A_262, %add3A_260 : vector<16xf32>
      %gt3A_264 = arith.constant 0.00999999977 : f32
      %gt3A_265 = vector.broadcast %gt3A_264 : f32 to vector<16xf32>
      %gt3A_266 = arith.cmpf ogt, %div3A_263, %gt3A_265 : vector<16xf32>
      %jit3A_267 = arith.constant 0xFF800000 : f32
      %broadcast_in_dim3A_268 = vector.broadcast %jit3A_267 : f32 to vector<16xf32>
      %select_n3A_269 = arith.select %gt3A_266, %div3A_263, %broadcast_in_dim3A_268 : vector<16xi1>, vector<16xf32>
      %swap3A_270 = arith.index_cast %mul3A_251 : i32 to index
      %swap3A_271 = tpu.vector_load %arg13[%swap3A_270] {strides = array<i32>} : memref<5024xf32, #tpu.memory_space<vmem>>, vector<16xf32>,
      tpu.vector_store %arg13[%swap3A_270], %select_n3A_269 {strides = array<i32>} : memref<5024xf32, #tpu.memory_space<vmem>>, vector<16xf32>,
      %add3A_272 = arith.addi %mul3A_61, %mul3A_251 : i32
      %add3A_273 = vector.broadcast %add3A_272 : i32 to vector<16xi32>
      %add3A_274 = arith.addi %add3A_273, %iota3A : vector<16xi32>
      %gt3A_275 = arith.cmpf ogt, %select_n3A_269, %select_n3A_246 : vector<16xf32>
      %select_n3A_276 = arith.select %gt3A_275, %select_n3A_269, %select_n3A_246 : vector<16xi1>, vector<16xf32>
      %select_n3A_277 = arith.select %gt3A_275, %add3A_274, %select_n3A_247 : vector<16xi1>, vector<16xi32>
      scf.yield %select_n3A_276, %select_n3A_277 : vector<16xf32>, vector<16xi32>
    }
    %scan3A_75 = arith.constant 312 : i32
    %scan3A_76 = arith.addi %scan3A, %scan3A_75 : i32
    %mul3A_77 = arith.constant 16 : i32
    %mul3A_78 = arith.muli %scan3A_76, %mul3A_77 : i32
    %get3A = arith.index_cast %mul3A_78 : i32 to index
    %get3A_79 = tpu.vector_load %arg13[%get3A] {strides = array<i32>} : memref<5024xf32, #tpu.memory_space<vmem>>, vector<16xf32>,
    %neg3A = arith.constant 0.000000e+00 : f32
    %neg3A_80 = vector.broadcast %neg3A : f32 to vector<16xf32>
    %neg3A_81 = arith.subf %neg3A_80, %get3A_79 : vector<16xf32>
    %exp3A = math.exp %neg3A_81 : vector<16xf32>
    %add3A_82 = arith.constant 1.000000e+00 : f32
    %add3A_83 = vector.broadcast %add3A_82 : f32 to vector<16xf32>
    %add3A_84 = arith.addf %add3A_83, %exp3A : vector<16xf32>
    %div3A_85 = arith.constant 1.000000e+00 : f32
    %div3A_86 = vector.broadcast %div3A_85 : f32 to vector<16xf32>
    %div3A_87 = arith.divf %div3A_86, %add3A_84 : vector<16xf32>
    %gt3A = arith.constant 0.00999999977 : f32
    %gt3A_88 = vector.broadcast %gt3A : f32 to vector<16xf32>
    %gt3A_89 = arith.cmpf ogt, %div3A_87, %gt3A_88 : vector<16xf32>
    %jit3A_90 = arith.constant 0xFF800000 : f32
    %broadcast_in_dim3A_91 = vector.broadcast %jit3A_90 : f32 to vector<16xf32>
    %select_n3A_92 = arith.select %gt3A_89, %div3A_87, %broadcast_in_dim3A_91 : vector<16xi1>, vector<16xf32>
    %swap3A = arith.index_cast %mul3A_78 : i32 to index
    %swap3A_93 = tpu.vector_load %arg13[%swap3A] {strides = array<i32>} : memref<5024xf32, #tpu.memory_space<vmem>>, vector<16xf32>,
    tpu.vector_store %arg13[%swap3A], %select_n3A_92 {strides = array<i32>} : memref<5024xf32, #tpu.memory_space<vmem>>, vector<16xf32>,
    %add3A_94 = arith.addi %mul3A_61, %mul3A_78 : i32
    %add3A_95 = vector.broadcast %add3A_94 : i32 to vector<16xi32>
    %add3A_96 = arith.addi %add3A_95, %iota3A : vector<16xi32>
    %gt3A_97 = arith.cmpf ogt, %select_n3A_92, %scan3A_74#0 : vector<16xf32>
    %select_n3A_98 = arith.select %gt3A_97, %select_n3A_92, %scan3A_74#0 : vector<16xi1>, vector<16xf32>
    %select_n3A_99 = arith.select %gt3A_97, %add3A_96, %scan3A_74#1 : vector<16xi1>, vector<16xi32>
    %scan3A_100 = arith.constant 313 : i32
    %scan3A_101 = arith.addi %scan3A, %scan3A_100 : i32
    %mul3A_102 = arith.constant 16 : i32
    %mul3A_103 = arith.muli %scan3A_101, %mul3A_102 : i32
    %get3A_104 = arith.index_cast %mul3A_103 : i32 to index
    %get3A_105 = tpu.vector_load %arg13[%get3A_104] {strides = array<i32>} : memref<5024xf32, #tpu.memory_space<vmem>>, vector<16xf32>,
    %neg3A_106 = arith.constant 0.000000e+00 : f32
    %neg3A_107 = vector.broadcast %neg3A_106 : f32 to vector<16xf32>
    %neg3A_108 = arith.subf %neg3A_107, %get3A_105 : vector<16xf32>
    %exp3A_109 = math.exp %neg3A_108 : vector<16xf32>
    %add3A_110 = arith.constant 1.000000e+00 : f32
    %add3A_111 = vector.broadcast %add3A_110 : f32 to vector<16xf32>
    %add3A_112 = arith.addf %add3A_111, %exp3A_109 : vector<16xf32>
    %div3A_113 = arith.constant 1.000000e+00 : f32
    %div3A_114 = vector.broadcast %div3A_113 : f32 to vector<16xf32>
    %div3A_115 = arith.divf %div3A_114, %add3A_112 : vector<16xf32>
    %gt3A_116 = arith.constant 0.00999999977 : f32
    %gt3A_117 = vector.broadcast %gt3A_116 : f32 to vector<16xf32>
    %gt3A_118 = arith.cmpf ogt, %div3A_115, %gt3A_117 : vector<16xf32>
    %jit3A_119 = arith.constant 0xFF800000 : f32
    %broadcast_in_dim3A_120 = vector.broadcast %jit3A_119 : f32 to vector<16xf32>
    %select_n3A_121 = arith.select %gt3A_118, %div3A_115, %broadcast_in_dim3A_120 : vector<16xi1>, vector<16xf32>
    %swap3A_122 = arith.index_cast %mul3A_103 : i32 to index
    %swap3A_123 = tpu.vector_load %arg13[%swap3A_122] {strides = array<i32>} : memref<5024xf32, #tpu.memory_space<vmem>>, vector<16xf32>,
    tpu.vector_store %arg13[%swap3A_122], %select_n3A_121 {strides = array<i32>} : memref<5024xf32, #tpu.memory_space<vmem>>, vector<16xf32>,
    %add3A_124 = arith.addi %mul3A_61, %mul3A_103 : i32
    %add3A_125 = vector.broadcast %add3A_124 : i32 to vector<16xi32>
    %add3A_126 = arith.addi %add3A_125, %iota3A : vector<16xi32>
    %gt3A_127 = arith.cmpf ogt, %select_n3A_121, %select_n3A_98 : vector<16xf32>
    %select_n3A_128 = arith.select %gt3A_127, %select_n3A_121, %select_n3A_98 : vector<16xi1>, vector<16xf32>
    %select_n3A_129 = arith.select %gt3A_127, %add3A_126, %select_n3A_99 : vector<16xi1>, vector<16xi32>
    %scan3A_130 = arith.constant 314 : i32
    %reduce_max3A = arith.constant true
    %reduce_max3A_131 = vector.broadcast %reduce_max3A : i1 to vector<16xi1>
    %reduce_max3A_132 = tpu.scan <max>, %select_n3A_128 masked %reduce_max3A_131 : vector<16xf32>, vector<16xi1> -> vector<16xf32>
    %reduce_max3A_133 = vector.extract %reduce_max3A_132[15] : f32 from vector<16xf32>
    %eq3A_134 = vector.broadcast %reduce_max3A_133 : f32 to vector<16xf32>
    %eq3A_135 = arith.cmpf oeq, %select_n3A_128, %eq3A_134 : vector<16xf32>
    %jit3A_136 = arith.constant 1073741824 : i32
    %broadcast_in_dim3A_137 = vector.broadcast %jit3A_136 : i32 to vector<16xi32>
    %select_n3A_138 = arith.select %eq3A_135, %select_n3A_129, %broadcast_in_dim3A_137 : vector<16xi1>, vector<16xi32>
    %reduce_min3A = arith.constant true
    %reduce_min3A_139 = vector.broadcast %reduce_min3A : i1 to vector<16xi1>
    %reduce_min3A_140 = arith.constant -2147483648 : i32
    %reduce_min3A_141 = vector.broadcast %reduce_min3A_140 : i32 to vector<16xi32>
    %reduce_min3A_142 = arith.xori %select_n3A_138, %reduce_min3A_141 : vector<16xi32>
    %reduce_min3A_143 = tpu.scan <min>, %reduce_min3A_142 masked %reduce_min3A_139 : vector<16xi32>, vector<16xi1> -> vector<16xi32>
    %reduce_min3A_144 = arith.xori %reduce_min3A_143, %reduce_min3A_141 : vector<16xi32>
    %reduce_min3A_145 = vector.extract %reduce_min3A_144[15] : i32 from vector<16xi32>
    %scan3A_146 = arith.constant 0 : i32
    %scan3A_147 = arith.constant 100 : i32
    %scan3A_148 = arith.addi %scan3A_146, %scan3A_147 : i32
    %scan3A_149 = arith.constant 1 : i32
    %scan3A_150:2 = scf.for %scan3A_157 = %scan3A_146 to %scan3A_148 step %scan3A_149 iter_args(%scan3A_158 = %reduce_min3A_145, %scan3A_159 = %reduce_max3A_133) -> (i32, f32)  : i32 {
      %sub3A_160 = arith.subi %scan3A_158, %mul3A_61 : i32
      %broadcast_in_dim3A_161 = vector.broadcast %sub3A_160 : i32 to vector<16xi32>
      %gather3A = tpu.vector_load_idx %arg9[%broadcast_in_dim3A_161] : memref<5024xf32, #tpu.memory_space<vmem>>[vector<16xi32>], vector<16xf32>,
      %gather3A_162 = tpu.vector_load_idx %arg10[%broadcast_in_dim3A_161] : memref<5024xf32, #tpu.memory_space<vmem>>[vector<16xi32>], vector<16xf32>,
      %gather3A_163 = tpu.vector_load_idx %arg11[%broadcast_in_dim3A_161] : memref<5024xf32, #tpu.memory_space<vmem>>[vector<16xi32>], vector<16xf32>,
      %gather3A_164 = tpu.vector_load_idx %arg12[%broadcast_in_dim3A_161] : memref<5024xf32, #tpu.memory_space<vmem>>[vector<16xi32>], vector<16xf32>,
      %sub3A_165 = arith.subf %gather3A_163, %gather3A : vector<16xf32>
      %sub3A_166 = arith.subf %gather3A_164, %gather3A_162 : vector<16xf32>
      %mul3A_167 = arith.mulf %sub3A_165, %sub3A_166 : vector<16xf32>
      %eq3A_168 = arith.constant 0 : i32
      %eq3A_169 = vector.broadcast %eq3A_168 : i32 to vector<16xi32>
      %eq3A_170 = arith.cmpi eq, %iota3A, %eq3A_169 : vector<16xi32>
      %eq3A_171 = arith.constant 1 : i32
      %eq3A_172 = vector.broadcast %eq3A_171 : i32 to vector<16xi32>
      %eq3A_173 = arith.cmpi eq, %iota3A, %eq3A_172 : vector<16xi32>
      %convert_element_type3A_174 = arith.sitofp %scan3A_158 : i32 to f32
      %eq3A_175 = arith.constant 2 : i32
      %eq3A_176 = vector.broadcast %eq3A_175 : i32 to vector<16xi32>
      %eq3A_177 = arith.cmpi eq, %iota3A, %eq3A_176 : vector<16xi32>
      %eq3A_178 = arith.constant 3 : i32
      %eq3A_179 = vector.broadcast %eq3A_178 : i32 to vector<16xi32>
      %eq3A_180 = arith.cmpi eq, %iota3A, %eq3A_179 : vector<16xi32>
      %eq3A_181 = arith.constant 4 : i32
      %eq3A_182 = vector.broadcast %eq3A_181 : i32 to vector<16xi32>
      %eq3A_183 = arith.cmpi eq, %iota3A, %eq3A_182 : vector<16xi32>
      %eq3A_184 = arith.constant 5 : i32
      %eq3A_185 = vector.broadcast %eq3A_184 : i32 to vector<16xi32>
      %eq3A_186 = arith.cmpi eq, %iota3A, %eq3A_185 : vector<16xi32>
      %select_n3A_187 = arith.select %eq3A_186, %gather3A_164, %mul3A_167 : vector<16xi1>, vector<16xf32>
      %select_n3A_188 = arith.select %eq3A_183, %gather3A_163, %select_n3A_187 : vector<16xi1>, vector<16xf32>
      %select_n3A_189 = arith.select %eq3A_180, %gather3A_162, %select_n3A_188 : vector<16xi1>, vector<16xf32>
      %select_n3A_190 = arith.select %eq3A_177, %gather3A, %select_n3A_189 : vector<16xi1>, vector<16xf32>
      %broadcast_in_dim3A_191 = vector.broadcast %convert_element_type3A_174 : f32 to vector<16xf32>
      %select_n3A_192 = arith.select %eq3A_173, %broadcast_in_dim3A_191, %select_n3A_190 : vector<16xi1>, vector<16xf32>
      %broadcast_in_dim3A_193 = vector.broadcast %scan3A_159 : f32 to vector<16xf32>
      %select_n3A_194 = arith.select %eq3A_170, %broadcast_in_dim3A_193, %select_n3A_192 : vector<16xi1>, vector<16xf32>
      %swap3A_195 = arith.constant 0 : index
      %swap3A_196 = tpu.vector_load %arg16[%swap3A_195] {strides = array<i32>} : memref<16xf32, #tpu.memory_space<vmem>>, vector<16xf32>,
      tpu.vector_store %arg16[%swap3A_195], %select_n3A_194 {strides = array<i32>} : memref<16xf32, #tpu.memory_space<vmem>>, vector<16xf32>,
      %and3A_197 = arith.constant 1 : i32
      %and3A_198 = arith.andi %scan3A_157, %and3A_197 : i32
      %mul3A_199 = arith.constant 16 : i32
      %mul3A_200 = arith.muli %and3A_198, %mul3A_199 : i32
      %add3A_201 = arith.addi %mul3A_200, %arg1 : i32
      %mul3A_202 = arith.constant 16 : i32
      %mul3A_203 = arith.muli %add3A_201, %mul3A_202 : i32
      "tpu.region"() ({
        %run_scoped3A = tpu.sem_alloc : memref<!tpu.dma_semaphore, #tpu.memory_space<semaphore_mem>>
        %dma_start3A = tpu.memref_slice %arg18[%mul3A_203] : memref<512xf32, #tpu.memory_space<vmem_shared>> -> memref<16xf32, #tpu.memory_space<vmem_shared>>
        %dma_start3A_509 = tpu.memref_slice %arg18[%mul3A_203] : memref<512xf32, #tpu.memory_space<vmem_shared>> -> memref<16xf32, #tpu.memory_space<vmem_shared>>
        tpu.enqueue_dma source(%arg16 : memref<16xf32, #tpu.memory_space<vmem>>) target(%dma_start3A_509 : memref<16xf32, #tpu.memory_space<vmem_shared>>) target_semaphore(%run_scoped3A : memref<!tpu.dma_semaphore, #tpu.memory_space<semaphore_mem>>)
        %dma_wait3A = tpu.memref_slice %arg18[%mul3A_203] : memref<512xf32, #tpu.memory_space<vmem_shared>> -> memref<16xf32, #tpu.memory_space<vmem_shared>>
        %dma_wait3A_510 = tpu.memref_slice %arg18[%mul3A_203] : memref<512xf32, #tpu.memory_space<vmem_shared>> -> memref<16xf32, #tpu.memory_space<vmem_shared>>
        tpu.wait_dma2 semaphore(%run_scoped3A : memref<!tpu.dma_semaphore, #tpu.memory_space<semaphore_mem>>) src(%arg16 : memref<16xf32, #tpu.memory_space<vmem>>) dst(%dma_wait3A_510 : memref<16xf32, #tpu.memory_space<vmem_shared>>)
        tpu.yield
      }) : () -> ()
      %barrier3A = arith.constant 0 : index
      tpu.barrier barrier_id(%barrier3A)
      %mul3A_204 = arith.constant 16 : i32
      %mul3A_205 = arith.muli %and3A_198, %mul3A_204 : i32
      %add3A_206 = arith.addi %mul3A_205, %mul3A_59 : i32
      %mul3A_207 = arith.constant 16 : i32
      %mul3A_208 = arith.muli %add3A_206, %mul3A_207 : i32
      "tpu.region"() ({
        %run_scoped3A = tpu.sem_alloc : memref<!tpu.dma_semaphore, #tpu.memory_space<semaphore_mem>>
        %dma_start3A = tpu.memref_slice %arg18[%mul3A_208] : memref<512xf32, #tpu.memory_space<vmem_shared>> -> memref<64xf32, #tpu.memory_space<vmem_shared>>
        %dma_start3A_509 = tpu.memref_slice %arg18[%mul3A_208] : memref<512xf32, #tpu.memory_space<vmem_shared>> -> memref<64xf32, #tpu.memory_space<vmem_shared>>
        tpu.enqueue_dma source(%dma_start3A_509 : memref<64xf32, #tpu.memory_space<vmem_shared>>) target(%arg17 : memref<64xf32, #tpu.memory_space<vmem>>) target_semaphore(%run_scoped3A : memref<!tpu.dma_semaphore, #tpu.memory_space<semaphore_mem>>)
        %dma_wait3A = tpu.memref_slice %arg18[%mul3A_208] : memref<512xf32, #tpu.memory_space<vmem_shared>> -> memref<64xf32, #tpu.memory_space<vmem_shared>>
        %dma_wait3A_510 = tpu.memref_slice %arg18[%mul3A_208] : memref<512xf32, #tpu.memory_space<vmem_shared>> -> memref<64xf32, #tpu.memory_space<vmem_shared>>
        tpu.wait_dma2 semaphore(%run_scoped3A : memref<!tpu.dma_semaphore, #tpu.memory_space<semaphore_mem>>) src(%dma_wait3A_510 : memref<64xf32, #tpu.memory_space<vmem_shared>>) dst(%arg17 : memref<64xf32, #tpu.memory_space<vmem>>)
        tpu.yield
      }) : () -> ()
      %barrier3A_209 = arith.constant 0 : index
      tpu.barrier barrier_id(%barrier3A_209)
      %get3A_210 = arith.constant 0 : index
      %get3A_211 = tpu.vector_load %arg17[%get3A_210] {strides = array<i32>} : memref<64xf32, #tpu.memory_space<vmem>>, vector<16xf32>,
      %eq3A_212 = arith.constant 0 : i32
      %eq3A_213 = vector.broadcast %eq3A_212 : i32 to vector<16xi32>
      %eq3A_214 = arith.cmpi eq, %iota3A, %eq3A_213 : vector<16xi32>
      %jit3A_215 = arith.constant 0xFF800000 : f32
      %broadcast_in_dim3A_216 = vector.broadcast %jit3A_215 : f32 to vector<16xf32>
      %select_n3A_217 = arith.select %eq3A_214, %get3A_211, %broadcast_in_dim3A_216 : vector<16xi1>, vector<16xf32>
      %reduce_max3A_218 = arith.constant true
      %reduce_max3A_219 = vector.broadcast %reduce_max3A_218 : i1 to vector<16xi1>
      %reduce_max3A_220 = tpu.scan <max>, %select_n3A_217 masked %reduce_max3A_219 : vector<16xf32>, vector<16xi1> -> vector<16xf32>
      %reduce_max3A_221 = vector.extract %reduce_max3A_220[15] : f32 from vector<16xf32>
      %eq3A_222 = arith.constant 1 : i32
      %eq3A_223 = vector.broadcast %eq3A_222 : i32 to vector<16xi32>
      %eq3A_224 = arith.cmpi eq, %iota3A, %eq3A_223 : vector<16xi32>
      %jit3A_225 = arith.constant 0xFF800000 : f32
      %broadcast_in_dim3A_226 = vector.broadcast %jit3A_225 : f32 to vector<16xf32>
      %select_n3A_227 = arith.select %eq3A_224, %get3A_211, %broadcast_in_dim3A_226 : vector<16xi1>, vector<16xf32>
      %reduce_max3A_228 = arith.constant true
      %reduce_max3A_229 = vector.broadcast %reduce_max3A_228 : i1 to vector<16xi1>
      %reduce_max3A_230 = tpu.scan <max>, %select_n3A_227 masked %reduce_max3A_229 : vector<16xf32>, vector<16xi1> -> vector<16xf32>
      %reduce_max3A_231 = vector.extract %reduce_max3A_230[15] : f32 from vector<16xf32>
      %get3A_232 = arith.constant 16 : index
      %get3A_233 = tpu.vector_load %arg17[%get3A_232] {strides = array<i32>} : memref<64xf32, #tpu.memory_space<vmem>>, vector<16xf32>,
      %eq3A_234 = arith.constant 0 : i32
      %eq3A_235 = vector.broadcast %eq3A_234 : i32 to vector<16xi32>
      %eq3A_236 = arith.cmpi eq, %iota3A, %eq3A_235 : vector<16xi32>
      %jit3A_237 = arith.constant 0xFF800000 : f32
      %broadcast_in_dim3A_238 = vector.broadcast %jit3A_237 : f32 to vector<16xf32>
      %select_n3A_239 = arith.select %eq3A_236, %get3A_233, %broadcast_in_dim3A_238 : vector<16xi1>, vector<16xf32>
      %reduce_max3A_240 = arith.constant true
      %reduce_max3A_241 = vector.broadcast %reduce_max3A_240 : i1 to vector<16xi1>
      %reduce_max3A_242 = tpu.scan <max>, %select_n3A_239 masked %reduce_max3A_241 : vector<16xf32>, vector<16xi1> -> vector<16xf32>
      %reduce_max3A_243 = vector.extract %reduce_max3A_242[15] : f32 from vector<16xf32>
      %eq3A_244 = arith.constant 1 : i32
      %eq3A_245 = vector.broadcast %eq3A_244 : i32 to vector<16xi32>
      %eq3A_246 = arith.cmpi eq, %iota3A, %eq3A_245 : vector<16xi32>
      %jit3A_247 = arith.constant 0xFF800000 : f32
      %broadcast_in_dim3A_248 = vector.broadcast %jit3A_247 : f32 to vector<16xf32>
      %select_n3A_249 = arith.select %eq3A_246, %get3A_233, %broadcast_in_dim3A_248 : vector<16xi1>, vector<16xf32>
      %reduce_max3A_250 = arith.constant true
      %reduce_max3A_251 = vector.broadcast %reduce_max3A_250 : i1 to vector<16xi1>
      %reduce_max3A_252 = tpu.scan <max>, %select_n3A_249 masked %reduce_max3A_251 : vector<16xf32>, vector<16xi1> -> vector<16xf32>
      %reduce_max3A_253 = vector.extract %reduce_max3A_252[15] : f32 from vector<16xf32>
      %gt3A_254 = arith.cmpf ogt, %reduce_max3A_243, %reduce_max3A_221 : f32
      %eq3A_255 = arith.cmpf oeq, %reduce_max3A_243, %reduce_max3A_221 : f32
      %lt3A_256 = arith.cmpf olt, %reduce_max3A_253, %reduce_max3A_231 : f32
      %and3A_257 = arith.andi %eq3A_255, %lt3A_256 : i1
      %or3A = arith.ori %gt3A_254, %and3A_257 : i1
      %select_n3A_258 = arith.select %or3A, %get3A_233, %get3A_211 : vector<16xf32>
      %select_n3A_259 = arith.select %or3A, %reduce_max3A_243, %reduce_max3A_221 : f32
      %select_n3A_260 = arith.select %or3A, %reduce_max3A_253, %reduce_max3A_231 : f32
      %get3A_261 = arith.constant 32 : index
      %get3A_262 = tpu.vector_load %arg17[%get3A_261] {strides = array<i32>} : memref<64xf32, #tpu.memory_space<vmem>>, vector<16xf32>,
      %eq3A_263 = arith.constant 0 : i32
      %eq3A_264 = vector.broadcast %eq3A_263 : i32 to vector<16xi32>
      %eq3A_265 = arith.cmpi eq, %iota3A, %eq3A_264 : vector<16xi32>
      %jit3A_266 = arith.constant 0xFF800000 : f32
      %broadcast_in_dim3A_267 = vector.broadcast %jit3A_266 : f32 to vector<16xf32>
      %select_n3A_268 = arith.select %eq3A_265, %get3A_262, %broadcast_in_dim3A_267 : vector<16xi1>, vector<16xf32>
      %reduce_max3A_269 = arith.constant true
      %reduce_max3A_270 = vector.broadcast %reduce_max3A_269 : i1 to vector<16xi1>
      %reduce_max3A_271 = tpu.scan <max>, %select_n3A_268 masked %reduce_max3A_270 : vector<16xf32>, vector<16xi1> -> vector<16xf32>
      %reduce_max3A_272 = vector.extract %reduce_max3A_271[15] : f32 from vector<16xf32>
      %eq3A_273 = arith.constant 1 : i32
      %eq3A_274 = vector.broadcast %eq3A_273 : i32 to vector<16xi32>
      %eq3A_275 = arith.cmpi eq, %iota3A, %eq3A_274 : vector<16xi32>
      %jit3A_276 = arith.constant 0xFF800000 : f32
      %broadcast_in_dim3A_277 = vector.broadcast %jit3A_276 : f32 to vector<16xf32>
      %select_n3A_278 = arith.select %eq3A_275, %get3A_262, %broadcast_in_dim3A_277 : vector<16xi1>, vector<16xf32>
      %reduce_max3A_279 = arith.constant true
      %reduce_max3A_280 = vector.broadcast %reduce_max3A_279 : i1 to vector<16xi1>
      %reduce_max3A_281 = tpu.scan <max>, %select_n3A_278 masked %reduce_max3A_280 : vector<16xf32>, vector<16xi1> -> vector<16xf32>
      %reduce_max3A_282 = vector.extract %reduce_max3A_281[15] : f32 from vector<16xf32>
      %gt3A_283 = arith.cmpf ogt, %reduce_max3A_272, %select_n3A_259 : f32
      %eq3A_284 = arith.cmpf oeq, %reduce_max3A_272, %select_n3A_259 : f32
      %lt3A_285 = arith.cmpf olt, %reduce_max3A_282, %select_n3A_260 : f32
      %and3A_286 = arith.andi %eq3A_284, %lt3A_285 : i1
      %or3A_287 = arith.ori %gt3A_283, %and3A_286 : i1
      %select_n3A_288 = arith.select %or3A_287, %get3A_262, %select_n3A_258 : vector<16xf32>
      %select_n3A_289 = arith.select %or3A_287, %reduce_max3A_272, %select_n3A_259 : f32
      %select_n3A_290 = arith.select %or3A_287, %reduce_max3A_282, %select_n3A_260 : f32
      %get3A_291 = arith.constant 48 : index
      %get3A_292 = tpu.vector_load %arg17[%get3A_291] {strides = array<i32>} : memref<64xf32, #tpu.memory_space<vmem>>, vector<16xf32>,
      %eq3A_293 = arith.constant 0 : i32
      %eq3A_294 = vector.broadcast %eq3A_293 : i32 to vector<16xi32>
      %eq3A_295 = arith.cmpi eq, %iota3A, %eq3A_294 : vector<16xi32>
      %jit3A_296 = arith.constant 0xFF800000 : f32
      %broadcast_in_dim3A_297 = vector.broadcast %jit3A_296 : f32 to vector<16xf32>
      %select_n3A_298 = arith.select %eq3A_295, %get3A_292, %broadcast_in_dim3A_297 : vector<16xi1>, vector<16xf32>
      %reduce_max3A_299 = arith.constant true
      %reduce_max3A_300 = vector.broadcast %reduce_max3A_299 : i1 to vector<16xi1>
      %reduce_max3A_301 = tpu.scan <max>, %select_n3A_298 masked %reduce_max3A_300 : vector<16xf32>, vector<16xi1> -> vector<16xf32>
      %reduce_max3A_302 = vector.extract %reduce_max3A_301[15] : f32 from vector<16xf32>
      %eq3A_303 = arith.constant 1 : i32
      %eq3A_304 = vector.broadcast %eq3A_303 : i32 to vector<16xi32>
      %eq3A_305 = arith.cmpi eq, %iota3A, %eq3A_304 : vector<16xi32>
      %jit3A_306 = arith.constant 0xFF800000 : f32
      %broadcast_in_dim3A_307 = vector.broadcast %jit3A_306 : f32 to vector<16xf32>
      %select_n3A_308 = arith.select %eq3A_305, %get3A_292, %broadcast_in_dim3A_307 : vector<16xi1>, vector<16xf32>
      %reduce_max3A_309 = arith.constant true
      %reduce_max3A_310 = vector.broadcast %reduce_max3A_309 : i1 to vector<16xi1>
      %reduce_max3A_311 = tpu.scan <max>, %select_n3A_308 masked %reduce_max3A_310 : vector<16xf32>, vector<16xi1> -> vector<16xf32>
      %reduce_max3A_312 = vector.extract %reduce_max3A_311[15] : f32 from vector<16xf32>
      %gt3A_313 = arith.cmpf ogt, %reduce_max3A_302, %select_n3A_289 : f32
      %eq3A_314 = arith.cmpf oeq, %reduce_max3A_302, %select_n3A_289 : f32
      %lt3A_315 = arith.cmpf olt, %reduce_max3A_312, %select_n3A_290 : f32
      %and3A_316 = arith.andi %eq3A_314, %lt3A_315 : i1
      %or3A_317 = arith.ori %gt3A_313, %and3A_316 : i1
      %select_n3A_318 = arith.select %or3A_317, %get3A_292, %select_n3A_288 : vector<16xf32>
      %select_n3A_319 = arith.select %or3A_317, %reduce_max3A_302, %select_n3A_289 : f32
      %select_n3A_320 = arith.select %or3A_317, %reduce_max3A_312, %select_n3A_290 : f32
      %eq3A_321 = arith.constant 2 : i32
      %eq3A_322 = vector.broadcast %eq3A_321 : i32 to vector<16xi32>
      %eq3A_323 = arith.cmpi eq, %iota3A, %eq3A_322 : vector<16xi32>
      %jit3A_324 = arith.constant 0xFF800000 : f32
      %broadcast_in_dim3A_325 = vector.broadcast %jit3A_324 : f32 to vector<16xf32>
      %select_n3A_326 = arith.select %eq3A_323, %select_n3A_318, %broadcast_in_dim3A_325 : vector<16xi1>, vector<16xf32>
      %reduce_max3A_327 = arith.constant true
      %reduce_max3A_328 = vector.broadcast %reduce_max3A_327 : i1 to vector<16xi1>
      %reduce_max3A_329 = tpu.scan <max>, %select_n3A_326 masked %reduce_max3A_328 : vector<16xf32>, vector<16xi1> -> vector<16xf32>
      %reduce_max3A_330 = vector.extract %reduce_max3A_329[15] : f32 from vector<16xf32>
      %eq3A_331 = arith.constant 3 : i32
      %eq3A_332 = vector.broadcast %eq3A_331 : i32 to vector<16xi32>
      %eq3A_333 = arith.cmpi eq, %iota3A, %eq3A_332 : vector<16xi32>
      %jit3A_334 = arith.constant 0xFF800000 : f32
      %broadcast_in_dim3A_335 = vector.broadcast %jit3A_334 : f32 to vector<16xf32>
      %select_n3A_336 = arith.select %eq3A_333, %select_n3A_318, %broadcast_in_dim3A_335 : vector<16xi1>, vector<16xf32>
      %reduce_max3A_337 = arith.constant true
      %reduce_max3A_338 = vector.broadcast %reduce_max3A_337 : i1 to vector<16xi1>
      %reduce_max3A_339 = tpu.scan <max>, %select_n3A_336 masked %reduce_max3A_338 : vector<16xf32>, vector<16xi1> -> vector<16xf32>
      %reduce_max3A_340 = vector.extract %reduce_max3A_339[15] : f32 from vector<16xf32>
      %eq3A_341 = arith.constant 4 : i32
      %eq3A_342 = vector.broadcast %eq3A_341 : i32 to vector<16xi32>
      %eq3A_343 = arith.cmpi eq, %iota3A, %eq3A_342 : vector<16xi32>
      %jit3A_344 = arith.constant 0xFF800000 : f32
      %broadcast_in_dim3A_345 = vector.broadcast %jit3A_344 : f32 to vector<16xf32>
      %select_n3A_346 = arith.select %eq3A_343, %select_n3A_318, %broadcast_in_dim3A_345 : vector<16xi1>, vector<16xf32>
      %reduce_max3A_347 = arith.constant true
      %reduce_max3A_348 = vector.broadcast %reduce_max3A_347 : i1 to vector<16xi1>
      %reduce_max3A_349 = tpu.scan <max>, %select_n3A_346 masked %reduce_max3A_348 : vector<16xf32>, vector<16xi1> -> vector<16xf32>
      %reduce_max3A_350 = vector.extract %reduce_max3A_349[15] : f32 from vector<16xf32>
      %eq3A_351 = arith.constant 5 : i32
      %eq3A_352 = vector.broadcast %eq3A_351 : i32 to vector<16xi32>
      %eq3A_353 = arith.cmpi eq, %iota3A, %eq3A_352 : vector<16xi32>
      %jit3A_354 = arith.constant 0xFF800000 : f32
      %broadcast_in_dim3A_355 = vector.broadcast %jit3A_354 : f32 to vector<16xf32>
      %select_n3A_356 = arith.select %eq3A_353, %select_n3A_318, %broadcast_in_dim3A_355 : vector<16xi1>, vector<16xf32>
      %reduce_max3A_357 = arith.constant true
      %reduce_max3A_358 = vector.broadcast %reduce_max3A_357 : i1 to vector<16xi1>
      %reduce_max3A_359 = tpu.scan <max>, %select_n3A_356 masked %reduce_max3A_358 : vector<16xf32>, vector<16xi1> -> vector<16xf32>
      %reduce_max3A_360 = vector.extract %reduce_max3A_359[15] : f32 from vector<16xf32>
      %eq3A_361 = arith.constant 6 : i32
      %eq3A_362 = vector.broadcast %eq3A_361 : i32 to vector<16xi32>
      %eq3A_363 = arith.cmpi eq, %iota3A, %eq3A_362 : vector<16xi32>
      %jit3A_364 = arith.constant 0xFF800000 : f32
      %broadcast_in_dim3A_365 = vector.broadcast %jit3A_364 : f32 to vector<16xf32>
      %select_n3A_366 = arith.select %eq3A_363, %select_n3A_318, %broadcast_in_dim3A_365 : vector<16xi1>, vector<16xf32>
      %reduce_max3A_367 = arith.constant true
      %reduce_max3A_368 = vector.broadcast %reduce_max3A_367 : i1 to vector<16xi1>
      %reduce_max3A_369 = tpu.scan <max>, %select_n3A_366 masked %reduce_max3A_368 : vector<16xf32>, vector<16xi1> -> vector<16xf32>
      %reduce_max3A_370 = vector.extract %reduce_max3A_369[15] : f32 from vector<16xf32>
      %convert_element_type3A_371 = arith.fptosi %select_n3A_320 : f32 to i32
      %eq3A_372 = arith.constant 0 : i32
      %eq3A_373 = arith.cmpi eq, %select_n3A_33, %eq3A_372 : i32
      %convert_element_type3A_374 = arith.extui %eq3A_373 : i1 to i32
      %cond3A_375 = arith.constant 0 : i32
      %cond3A_376 = arith.cmpi ne, %convert_element_type3A_374, %cond3A_375 : i32
      scf.if %cond3A_376 {
        %broadcast_in_dim3A_509 = vector.broadcast %scan3A_157 : i32 to vector<16xi32>
        %broadcast_in_dim3A_510 = vector.broadcast %select_n3A_319 : f32 to vector<16xf32>
        tpu.vector_store_idx %arg14[%broadcast_in_dim3A_509], %broadcast_in_dim3A_510 masked %eq3A_1 : memref<128xf32, #tpu.memory_space<vmem>>[vector<16xi32>], vector<16xf32>, vector<16xi1>
        %broadcast_in_dim3A_511 = vector.broadcast %scan3A_157 : i32 to vector<16xi32>
        %broadcast_in_dim3A_512 = vector.broadcast %convert_element_type3A_371 : i32 to vector<16xi32>
        tpu.vector_store_idx %arg15[%broadcast_in_dim3A_511], %broadcast_in_dim3A_512 masked %eq3A_1 : memref<128xi32, #tpu.memory_space<vmem>>[vector<16xi32>], vector<16xi32>, vector<16xi1>
      } else {
      }
      %broadcast_in_dim3A_377 = vector.broadcast %convert_element_type3A_371 : i32 to vector<16xi32>
      %scan3A_378 = arith.constant 0 : i32
      %scan3A_379 = arith.constant 312 : i32
      %scan3A_380 = arith.addi %scan3A_378, %scan3A_379 : i32
      %scan3A_381 = arith.constant 8 : i32
      %scan3A_382:2 = scf.for %scan3A_509 = %scan3A_378 to %scan3A_380 step %scan3A_381 iter_args(%scan3A_510 = %broadcast_in_dim3A_68, %scan3A_511 = %add3A_70) -> (vector<16xf32>, vector<16xi32>)  : i32 {
        %mul3A_512 = arith.constant 16 : i32
        %mul3A_513 = arith.muli %scan3A_509, %mul3A_512 : i32
        %get3A_514 = arith.index_cast %mul3A_513 : i32 to index
        %get3A_515 = tpu.vector_load %arg13[%get3A_514] {strides = array<i32>} : memref<5024xf32, #tpu.memory_space<vmem>>, vector<16xf32>,
        %get3A_516 = arith.index_cast %mul3A_513 : i32 to index
        %get3A_517 = tpu.vector_load %arg9[%get3A_516] {strides = array<i32>} : memref<5024xf32, #tpu.memory_space<vmem>>, vector<16xf32>,
        %get3A_518 = arith.index_cast %mul3A_513 : i32 to index
        %get3A_519 = tpu.vector_load %arg10[%get3A_518] {strides = array<i32>} : memref<5024xf32, #tpu.memory_space<vmem>>, vector<16xf32>,
        %get3A_520 = arith.index_cast %mul3A_513 : i32 to index
        %get3A_521 = tpu.vector_load %arg11[%get3A_520] {strides = array<i32>} : memref<5024xf32, #tpu.memory_space<vmem>>, vector<16xf32>,
        %get3A_522 = arith.index_cast %mul3A_513 : i32 to index
        %get3A_523 = tpu.vector_load %arg12[%get3A_522] {strides = array<i32>} : memref<5024xf32, #tpu.memory_space<vmem>>, vector<16xf32>,
        %max3A_524 = vector.broadcast %reduce_max3A_330 : f32 to vector<16xf32>
        %max3A_525 = arith.maximumf %max3A_524, %get3A_517 : vector<16xf32>
        %max3A_526 = vector.broadcast %reduce_max3A_340 : f32 to vector<16xf32>
        %max3A_527 = arith.maximumf %max3A_526, %get3A_519 : vector<16xf32>
        %min3A_528 = vector.broadcast %reduce_max3A_350 : f32 to vector<16xf32>
        %min3A_529 = arith.minimumf %min3A_528, %get3A_521 : vector<16xf32>
        %min3A_530 = vector.broadcast %reduce_max3A_360 : f32 to vector<16xf32>
        %min3A_531 = arith.minimumf %min3A_530, %get3A_523 : vector<16xf32>
        %sub3A_532 = arith.subf %min3A_529, %max3A_525 : vector<16xf32>
        %max3A_533 = arith.constant 0.000000e+00 : f32
        %max3A_534 = vector.broadcast %max3A_533 : f32 to vector<16xf32>
        %max3A_535 = arith.maximumf %sub3A_532, %max3A_534 : vector<16xf32>
        %sub3A_536 = arith.subf %min3A_531, %max3A_527 : vector<16xf32>
        %max3A_537 = arith.constant 0.000000e+00 : f32
        %max3A_538 = vector.broadcast %max3A_537 : f32 to vector<16xf32>
        %max3A_539 = arith.maximumf %sub3A_536, %max3A_538 : vector<16xf32>
        %mul3A_540 = arith.mulf %max3A_535, %max3A_539 : vector<16xf32>
        %sub3A_541 = arith.subf %get3A_521, %get3A_517 : vector<16xf32>
        %sub3A_542 = arith.subf %get3A_523, %get3A_519 : vector<16xf32>
        %mul3A_543 = arith.mulf %sub3A_541, %sub3A_542 : vector<16xf32>
        %add3A_544 = vector.broadcast %reduce_max3A_370 : f32 to vector<16xf32>
        %add3A_545 = arith.addf %add3A_544, %mul3A_543 : vector<16xf32>
        %sub3A_546 = arith.subf %add3A_545, %mul3A_540 : vector<16xf32>
        %add3A_547 = arith.constant 9.99999993E-9 : f32
        %add3A_548 = vector.broadcast %add3A_547 : f32 to vector<16xf32>
        %add3A_549 = arith.addf %sub3A_546, %add3A_548 : vector<16xf32>
        %add3A_550 = arith.addi %mul3A_61, %mul3A_513 : i32
        %add3A_551 = vector.broadcast %add3A_550 : i32 to vector<16xi32>
        %add3A_552 = arith.addi %add3A_551, %iota3A : vector<16xi32>
        %div3A_553 = arith.divf %mul3A_540, %add3A_549 : vector<16xf32>
        %gt3A_554 = arith.constant 5.000000e-01 : f32
        %gt3A_555 = vector.broadcast %gt3A_554 : f32 to vector<16xf32>
        %gt3A_556 = arith.cmpf ogt, %div3A_553, %gt3A_555 : vector<16xf32>
        %jit3A_557 = arith.constant 0xFF800000 : f32
        %broadcast_in_dim3A_558 = vector.broadcast %jit3A_557 : f32 to vector<16xf32>
        %select_n3A_559 = arith.select %gt3A_556, %broadcast_in_dim3A_558, %get3A_515 : vector<16xi1>, vector<16xf32>
        %swap3A_560 = arith.index_cast %mul3A_513 : i32 to index
        %swap3A_561 = tpu.vector_load %arg13[%swap3A_560] {strides = array<i32>} : memref<5024xf32, #tpu.memory_space<vmem>>, vector<16xf32>,
        tpu.vector_store %arg13[%swap3A_560], %select_n3A_559 {strides = array<i32>} : memref<5024xf32, #tpu.memory_space<vmem>>, vector<16xf32>,
        %gt3A_562 = arith.cmpf ogt, %select_n3A_559, %scan3A_510 : vector<16xf32>
        %select_n3A_563 = arith.select %gt3A_562, %select_n3A_559, %scan3A_510 : vector<16xi1>, vector<16xf32>
        %select_n3A_564 = arith.select %gt3A_562, %add3A_552, %scan3A_511 : vector<16xi1>, vector<16xi32>
        %scan3A_565 = arith.constant 1 : i32
        %scan3A_566 = arith.addi %scan3A_509, %scan3A_565 : i32
        %mul3A_567 = arith.constant 16 : i32
        %mul3A_568 = arith.muli %scan3A_566, %mul3A_567 : i32
        %get3A_569 = arith.index_cast %mul3A_568 : i32 to index
        %get3A_570 = tpu.vector_load %arg13[%get3A_569] {strides = array<i32>} : memref<5024xf32, #tpu.memory_space<vmem>>, vector<16xf32>,
        %get3A_571 = arith.index_cast %mul3A_568 : i32 to index
        %get3A_572 = tpu.vector_load %arg9[%get3A_571] {strides = array<i32>} : memref<5024xf32, #tpu.memory_space<vmem>>, vector<16xf32>,
        %get3A_573 = arith.index_cast %mul3A_568 : i32 to index
        %get3A_574 = tpu.vector_load %arg10[%get3A_573] {strides = array<i32>} : memref<5024xf32, #tpu.memory_space<vmem>>, vector<16xf32>,
        %get3A_575 = arith.index_cast %mul3A_568 : i32 to index
        %get3A_576 = tpu.vector_load %arg11[%get3A_575] {strides = array<i32>} : memref<5024xf32, #tpu.memory_space<vmem>>, vector<16xf32>,
        %get3A_577 = arith.index_cast %mul3A_568 : i32 to index
        %get3A_578 = tpu.vector_load %arg12[%get3A_577] {strides = array<i32>} : memref<5024xf32, #tpu.memory_space<vmem>>, vector<16xf32>,
        %max3A_579 = vector.broadcast %reduce_max3A_330 : f32 to vector<16xf32>
        %max3A_580 = arith.maximumf %max3A_579, %get3A_572 : vector<16xf32>
        %max3A_581 = vector.broadcast %reduce_max3A_340 : f32 to vector<16xf32>
        %max3A_582 = arith.maximumf %max3A_581, %get3A_574 : vector<16xf32>
        %min3A_583 = vector.broadcast %reduce_max3A_350 : f32 to vector<16xf32>
        %min3A_584 = arith.minimumf %min3A_583, %get3A_576 : vector<16xf32>
        %min3A_585 = vector.broadcast %reduce_max3A_360 : f32 to vector<16xf32>
        %min3A_586 = arith.minimumf %min3A_585, %get3A_578 : vector<16xf32>
        %sub3A_587 = arith.subf %min3A_584, %max3A_580 : vector<16xf32>
        %max3A_588 = arith.constant 0.000000e+00 : f32
        %max3A_589 = vector.broadcast %max3A_588 : f32 to vector<16xf32>
        %max3A_590 = arith.maximumf %sub3A_587, %max3A_589 : vector<16xf32>
        %sub3A_591 = arith.subf %min3A_586, %max3A_582 : vector<16xf32>
        %max3A_592 = arith.constant 0.000000e+00 : f32
        %max3A_593 = vector.broadcast %max3A_592 : f32 to vector<16xf32>
        %max3A_594 = arith.maximumf %sub3A_591, %max3A_593 : vector<16xf32>
        %mul3A_595 = arith.mulf %max3A_590, %max3A_594 : vector<16xf32>
        %sub3A_596 = arith.subf %get3A_576, %get3A_572 : vector<16xf32>
        %sub3A_597 = arith.subf %get3A_578, %get3A_574 : vector<16xf32>
        %mul3A_598 = arith.mulf %sub3A_596, %sub3A_597 : vector<16xf32>
        %add3A_599 = vector.broadcast %reduce_max3A_370 : f32 to vector<16xf32>
        %add3A_600 = arith.addf %add3A_599, %mul3A_598 : vector<16xf32>
        %sub3A_601 = arith.subf %add3A_600, %mul3A_595 : vector<16xf32>
        %add3A_602 = arith.constant 9.99999993E-9 : f32
        %add3A_603 = vector.broadcast %add3A_602 : f32 to vector<16xf32>
        %add3A_604 = arith.addf %sub3A_601, %add3A_603 : vector<16xf32>
        %add3A_605 = arith.addi %mul3A_61, %mul3A_568 : i32
        %add3A_606 = vector.broadcast %add3A_605 : i32 to vector<16xi32>
        %add3A_607 = arith.addi %add3A_606, %iota3A : vector<16xi32>
        %div3A_608 = arith.divf %mul3A_595, %add3A_604 : vector<16xf32>
        %gt3A_609 = arith.constant 5.000000e-01 : f32
        %gt3A_610 = vector.broadcast %gt3A_609 : f32 to vector<16xf32>
        %gt3A_611 = arith.cmpf ogt, %div3A_608, %gt3A_610 : vector<16xf32>
        %jit3A_612 = arith.constant 0xFF800000 : f32
        %broadcast_in_dim3A_613 = vector.broadcast %jit3A_612 : f32 to vector<16xf32>
        %select_n3A_614 = arith.select %gt3A_611, %broadcast_in_dim3A_613, %get3A_570 : vector<16xi1>, vector<16xf32>
        %swap3A_615 = arith.index_cast %mul3A_568 : i32 to index
        %swap3A_616 = tpu.vector_load %arg13[%swap3A_615] {strides = array<i32>} : memref<5024xf32, #tpu.memory_space<vmem>>, vector<16xf32>,
        tpu.vector_store %arg13[%swap3A_615], %select_n3A_614 {strides = array<i32>} : memref<5024xf32, #tpu.memory_space<vmem>>, vector<16xf32>,
        %gt3A_617 = arith.cmpf ogt, %select_n3A_614, %select_n3A_563 : vector<16xf32>
        %select_n3A_618 = arith.select %gt3A_617, %select_n3A_614, %select_n3A_563 : vector<16xi1>, vector<16xf32>
        %select_n3A_619 = arith.select %gt3A_617, %add3A_607, %select_n3A_564 : vector<16xi1>, vector<16xi32>
        %scan3A_620 = arith.constant 2 : i32
        %scan3A_621 = arith.addi %scan3A_509, %scan3A_620 : i32
        %mul3A_622 = arith.constant 16 : i32
        %mul3A_623 = arith.muli %scan3A_621, %mul3A_622 : i32
        %get3A_624 = arith.index_cast %mul3A_623 : i32 to index
        %get3A_625 = tpu.vector_load %arg13[%get3A_624] {strides = array<i32>} : memref<5024xf32, #tpu.memory_space<vmem>>, vector<16xf32>,
        %get3A_626 = arith.index_cast %mul3A_623 : i32 to index
        %get3A_627 = tpu.vector_load %arg9[%get3A_626] {strides = array<i32>} : memref<5024xf32, #tpu.memory_space<vmem>>, vector<16xf32>,
        %get3A_628 = arith.index_cast %mul3A_623 : i32 to index
        %get3A_629 = tpu.vector_load %arg10[%get3A_628] {strides = array<i32>} : memref<5024xf32, #tpu.memory_space<vmem>>, vector<16xf32>,
        %get3A_630 = arith.index_cast %mul3A_623 : i32 to index
        %get3A_631 = tpu.vector_load %arg11[%get3A_630] {strides = array<i32>} : memref<5024xf32, #tpu.memory_space<vmem>>, vector<16xf32>,
        %get3A_632 = arith.index_cast %mul3A_623 : i32 to index
        %get3A_633 = tpu.vector_load %arg12[%get3A_632] {strides = array<i32>} : memref<5024xf32, #tpu.memory_space<vmem>>, vector<16xf32>,
        %max3A_634 = vector.broadcast %reduce_max3A_330 : f32 to vector<16xf32>
        %max3A_635 = arith.maximumf %max3A_634, %get3A_627 : vector<16xf32>
        %max3A_636 = vector.broadcast %reduce_max3A_340 : f32 to vector<16xf32>
        %max3A_637 = arith.maximumf %max3A_636, %get3A_629 : vector<16xf32>
        %min3A_638 = vector.broadcast %reduce_max3A_350 : f32 to vector<16xf32>
        %min3A_639 = arith.minimumf %min3A_638, %get3A_631 : vector<16xf32>
        %min3A_640 = vector.broadcast %reduce_max3A_360 : f32 to vector<16xf32>
        %min3A_641 = arith.minimumf %min3A_640, %get3A_633 : vector<16xf32>
        %sub3A_642 = arith.subf %min3A_639, %max3A_635 : vector<16xf32>
        %max3A_643 = arith.constant 0.000000e+00 : f32
        %max3A_644 = vector.broadcast %max3A_643 : f32 to vector<16xf32>
        %max3A_645 = arith.maximumf %sub3A_642, %max3A_644 : vector<16xf32>
        %sub3A_646 = arith.subf %min3A_641, %max3A_637 : vector<16xf32>
        %max3A_647 = arith.constant 0.000000e+00 : f32
        %max3A_648 = vector.broadcast %max3A_647 : f32 to vector<16xf32>
        %max3A_649 = arith.maximumf %sub3A_646, %max3A_648 : vector<16xf32>
        %mul3A_650 = arith.mulf %max3A_645, %max3A_649 : vector<16xf32>
        %sub3A_651 = arith.subf %get3A_631, %get3A_627 : vector<16xf32>
        %sub3A_652 = arith.subf %get3A_633, %get3A_629 : vector<16xf32>
        %mul3A_653 = arith.mulf %sub3A_651, %sub3A_652 : vector<16xf32>
        %add3A_654 = vector.broadcast %reduce_max3A_370 : f32 to vector<16xf32>
        %add3A_655 = arith.addf %add3A_654, %mul3A_653 : vector<16xf32>
        %sub3A_656 = arith.subf %add3A_655, %mul3A_650 : vector<16xf32>
        %add3A_657 = arith.constant 9.99999993E-9 : f32
        %add3A_658 = vector.broadcast %add3A_657 : f32 to vector<16xf32>
        %add3A_659 = arith.addf %sub3A_656, %add3A_658 : vector<16xf32>
        %add3A_660 = arith.addi %mul3A_61, %mul3A_623 : i32
        %add3A_661 = vector.broadcast %add3A_660 : i32 to vector<16xi32>
        %add3A_662 = arith.addi %add3A_661, %iota3A : vector<16xi32>
        %div3A_663 = arith.divf %mul3A_650, %add3A_659 : vector<16xf32>
        %gt3A_664 = arith.constant 5.000000e-01 : f32
        %gt3A_665 = vector.broadcast %gt3A_664 : f32 to vector<16xf32>
        %gt3A_666 = arith.cmpf ogt, %div3A_663, %gt3A_665 : vector<16xf32>
        %jit3A_667 = arith.constant 0xFF800000 : f32
        %broadcast_in_dim3A_668 = vector.broadcast %jit3A_667 : f32 to vector<16xf32>
        %select_n3A_669 = arith.select %gt3A_666, %broadcast_in_dim3A_668, %get3A_625 : vector<16xi1>, vector<16xf32>
        %swap3A_670 = arith.index_cast %mul3A_623 : i32 to index
        %swap3A_671 = tpu.vector_load %arg13[%swap3A_670] {strides = array<i32>} : memref<5024xf32, #tpu.memory_space<vmem>>, vector<16xf32>,
        tpu.vector_store %arg13[%swap3A_670], %select_n3A_669 {strides = array<i32>} : memref<5024xf32, #tpu.memory_space<vmem>>, vector<16xf32>,
        %gt3A_672 = arith.cmpf ogt, %select_n3A_669, %select_n3A_618 : vector<16xf32>
        %select_n3A_673 = arith.select %gt3A_672, %select_n3A_669, %select_n3A_618 : vector<16xi1>, vector<16xf32>
        %select_n3A_674 = arith.select %gt3A_672, %add3A_662, %select_n3A_619 : vector<16xi1>, vector<16xi32>
        %scan3A_675 = arith.constant 3 : i32
        %scan3A_676 = arith.addi %scan3A_509, %scan3A_675 : i32
        %mul3A_677 = arith.constant 16 : i32
        %mul3A_678 = arith.muli %scan3A_676, %mul3A_677 : i32
        %get3A_679 = arith.index_cast %mul3A_678 : i32 to index
        %get3A_680 = tpu.vector_load %arg13[%get3A_679] {strides = array<i32>} : memref<5024xf32, #tpu.memory_space<vmem>>, vector<16xf32>,
        %get3A_681 = arith.index_cast %mul3A_678 : i32 to index
        %get3A_682 = tpu.vector_load %arg9[%get3A_681] {strides = array<i32>} : memref<5024xf32, #tpu.memory_space<vmem>>, vector<16xf32>,
        %get3A_683 = arith.index_cast %mul3A_678 : i32 to index
        %get3A_684 = tpu.vector_load %arg10[%get3A_683] {strides = array<i32>} : memref<5024xf32, #tpu.memory_space<vmem>>, vector<16xf32>,
        %get3A_685 = arith.index_cast %mul3A_678 : i32 to index
        %get3A_686 = tpu.vector_load %arg11[%get3A_685] {strides = array<i32>} : memref<5024xf32, #tpu.memory_space<vmem>>, vector<16xf32>,
        %get3A_687 = arith.index_cast %mul3A_678 : i32 to index
        %get3A_688 = tpu.vector_load %arg12[%get3A_687] {strides = array<i32>} : memref<5024xf32, #tpu.memory_space<vmem>>, vector<16xf32>,
        %max3A_689 = vector.broadcast %reduce_max3A_330 : f32 to vector<16xf32>
        %max3A_690 = arith.maximumf %max3A_689, %get3A_682 : vector<16xf32>
        %max3A_691 = vector.broadcast %reduce_max3A_340 : f32 to vector<16xf32>
        %max3A_692 = arith.maximumf %max3A_691, %get3A_684 : vector<16xf32>
        %min3A_693 = vector.broadcast %reduce_max3A_350 : f32 to vector<16xf32>
        %min3A_694 = arith.minimumf %min3A_693, %get3A_686 : vector<16xf32>
        %min3A_695 = vector.broadcast %reduce_max3A_360 : f32 to vector<16xf32>
        %min3A_696 = arith.minimumf %min3A_695, %get3A_688 : vector<16xf32>
        %sub3A_697 = arith.subf %min3A_694, %max3A_690 : vector<16xf32>
        %max3A_698 = arith.constant 0.000000e+00 : f32
        %max3A_699 = vector.broadcast %max3A_698 : f32 to vector<16xf32>
        %max3A_700 = arith.maximumf %sub3A_697, %max3A_699 : vector<16xf32>
        %sub3A_701 = arith.subf %min3A_696, %max3A_692 : vector<16xf32>
        %max3A_702 = arith.constant 0.000000e+00 : f32
        %max3A_703 = vector.broadcast %max3A_702 : f32 to vector<16xf32>
        %max3A_704 = arith.maximumf %sub3A_701, %max3A_703 : vector<16xf32>
        %mul3A_705 = arith.mulf %max3A_700, %max3A_704 : vector<16xf32>
        %sub3A_706 = arith.subf %get3A_686, %get3A_682 : vector<16xf32>
        %sub3A_707 = arith.subf %get3A_688, %get3A_684 : vector<16xf32>
        %mul3A_708 = arith.mulf %sub3A_706, %sub3A_707 : vector<16xf32>
        %add3A_709 = vector.broadcast %reduce_max3A_370 : f32 to vector<16xf32>
        %add3A_710 = arith.addf %add3A_709, %mul3A_708 : vector<16xf32>
        %sub3A_711 = arith.subf %add3A_710, %mul3A_705 : vector<16xf32>
        %add3A_712 = arith.constant 9.99999993E-9 : f32
        %add3A_713 = vector.broadcast %add3A_712 : f32 to vector<16xf32>
        %add3A_714 = arith.addf %sub3A_711, %add3A_713 : vector<16xf32>
        %add3A_715 = arith.addi %mul3A_61, %mul3A_678 : i32
        %add3A_716 = vector.broadcast %add3A_715 : i32 to vector<16xi32>
        %add3A_717 = arith.addi %add3A_716, %iota3A : vector<16xi32>
        %div3A_718 = arith.divf %mul3A_705, %add3A_714 : vector<16xf32>
        %gt3A_719 = arith.constant 5.000000e-01 : f32
        %gt3A_720 = vector.broadcast %gt3A_719 : f32 to vector<16xf32>
        %gt3A_721 = arith.cmpf ogt, %div3A_718, %gt3A_720 : vector<16xf32>
        %jit3A_722 = arith.constant 0xFF800000 : f32
        %broadcast_in_dim3A_723 = vector.broadcast %jit3A_722 : f32 to vector<16xf32>
        %select_n3A_724 = arith.select %gt3A_721, %broadcast_in_dim3A_723, %get3A_680 : vector<16xi1>, vector<16xf32>
        %swap3A_725 = arith.index_cast %mul3A_678 : i32 to index
        %swap3A_726 = tpu.vector_load %arg13[%swap3A_725] {strides = array<i32>} : memref<5024xf32, #tpu.memory_space<vmem>>, vector<16xf32>,
        tpu.vector_store %arg13[%swap3A_725], %select_n3A_724 {strides = array<i32>} : memref<5024xf32, #tpu.memory_space<vmem>>, vector<16xf32>,
        %gt3A_727 = arith.cmpf ogt, %select_n3A_724, %select_n3A_673 : vector<16xf32>
        %select_n3A_728 = arith.select %gt3A_727, %select_n3A_724, %select_n3A_673 : vector<16xi1>, vector<16xf32>
        %select_n3A_729 = arith.select %gt3A_727, %add3A_717, %select_n3A_674 : vector<16xi1>, vector<16xi32>
        %scan3A_730 = arith.constant 4 : i32
        %scan3A_731 = arith.addi %scan3A_509, %scan3A_730 : i32
        %mul3A_732 = arith.constant 16 : i32
        %mul3A_733 = arith.muli %scan3A_731, %mul3A_732 : i32
        %get3A_734 = arith.index_cast %mul3A_733 : i32 to index
        %get3A_735 = tpu.vector_load %arg13[%get3A_734] {strides = array<i32>} : memref<5024xf32, #tpu.memory_space<vmem>>, vector<16xf32>,
        %get3A_736 = arith.index_cast %mul3A_733 : i32 to index
        %get3A_737 = tpu.vector_load %arg9[%get3A_736] {strides = array<i32>} : memref<5024xf32, #tpu.memory_space<vmem>>, vector<16xf32>,
        %get3A_738 = arith.index_cast %mul3A_733 : i32 to index
        %get3A_739 = tpu.vector_load %arg10[%get3A_738] {strides = array<i32>} : memref<5024xf32, #tpu.memory_space<vmem>>, vector<16xf32>,
        %get3A_740 = arith.index_cast %mul3A_733 : i32 to index
        %get3A_741 = tpu.vector_load %arg11[%get3A_740] {strides = array<i32>} : memref<5024xf32, #tpu.memory_space<vmem>>, vector<16xf32>,
        %get3A_742 = arith.index_cast %mul3A_733 : i32 to index
        %get3A_743 = tpu.vector_load %arg12[%get3A_742] {strides = array<i32>} : memref<5024xf32, #tpu.memory_space<vmem>>, vector<16xf32>,
        %max3A_744 = vector.broadcast %reduce_max3A_330 : f32 to vector<16xf32>
        %max3A_745 = arith.maximumf %max3A_744, %get3A_737 : vector<16xf32>
        %max3A_746 = vector.broadcast %reduce_max3A_340 : f32 to vector<16xf32>
        %max3A_747 = arith.maximumf %max3A_746, %get3A_739 : vector<16xf32>
        %min3A_748 = vector.broadcast %reduce_max3A_350 : f32 to vector<16xf32>
        %min3A_749 = arith.minimumf %min3A_748, %get3A_741 : vector<16xf32>
        %min3A_750 = vector.broadcast %reduce_max3A_360 : f32 to vector<16xf32>
        %min3A_751 = arith.minimumf %min3A_750, %get3A_743 : vector<16xf32>
        %sub3A_752 = arith.subf %min3A_749, %max3A_745 : vector<16xf32>
        %max3A_753 = arith.constant 0.000000e+00 : f32
        %max3A_754 = vector.broadcast %max3A_753 : f32 to vector<16xf32>
        %max3A_755 = arith.maximumf %sub3A_752, %max3A_754 : vector<16xf32>
        %sub3A_756 = arith.subf %min3A_751, %max3A_747 : vector<16xf32>
        %max3A_757 = arith.constant 0.000000e+00 : f32
        %max3A_758 = vector.broadcast %max3A_757 : f32 to vector<16xf32>
        %max3A_759 = arith.maximumf %sub3A_756, %max3A_758 : vector<16xf32>
        %mul3A_760 = arith.mulf %max3A_755, %max3A_759 : vector<16xf32>
        %sub3A_761 = arith.subf %get3A_741, %get3A_737 : vector<16xf32>
        %sub3A_762 = arith.subf %get3A_743, %get3A_739 : vector<16xf32>
        %mul3A_763 = arith.mulf %sub3A_761, %sub3A_762 : vector<16xf32>
        %add3A_764 = vector.broadcast %reduce_max3A_370 : f32 to vector<16xf32>
        %add3A_765 = arith.addf %add3A_764, %mul3A_763 : vector<16xf32>
        %sub3A_766 = arith.subf %add3A_765, %mul3A_760 : vector<16xf32>
        %add3A_767 = arith.constant 9.99999993E-9 : f32
        %add3A_768 = vector.broadcast %add3A_767 : f32 to vector<16xf32>
        %add3A_769 = arith.addf %sub3A_766, %add3A_768 : vector<16xf32>
        %add3A_770 = arith.addi %mul3A_61, %mul3A_733 : i32
        %add3A_771 = vector.broadcast %add3A_770 : i32 to vector<16xi32>
        %add3A_772 = arith.addi %add3A_771, %iota3A : vector<16xi32>
        %div3A_773 = arith.divf %mul3A_760, %add3A_769 : vector<16xf32>
        %gt3A_774 = arith.constant 5.000000e-01 : f32
        %gt3A_775 = vector.broadcast %gt3A_774 : f32 to vector<16xf32>
        %gt3A_776 = arith.cmpf ogt, %div3A_773, %gt3A_775 : vector<16xf32>
        %jit3A_777 = arith.constant 0xFF800000 : f32
        %broadcast_in_dim3A_778 = vector.broadcast %jit3A_777 : f32 to vector<16xf32>
        %select_n3A_779 = arith.select %gt3A_776, %broadcast_in_dim3A_778, %get3A_735 : vector<16xi1>, vector<16xf32>
        %swap3A_780 = arith.index_cast %mul3A_733 : i32 to index
        %swap3A_781 = tpu.vector_load %arg13[%swap3A_780] {strides = array<i32>} : memref<5024xf32, #tpu.memory_space<vmem>>, vector<16xf32>,
        tpu.vector_store %arg13[%swap3A_780], %select_n3A_779 {strides = array<i32>} : memref<5024xf32, #tpu.memory_space<vmem>>, vector<16xf32>,
        %gt3A_782 = arith.cmpf ogt, %select_n3A_779, %select_n3A_728 : vector<16xf32>
        %select_n3A_783 = arith.select %gt3A_782, %select_n3A_779, %select_n3A_728 : vector<16xi1>, vector<16xf32>
        %select_n3A_784 = arith.select %gt3A_782, %add3A_772, %select_n3A_729 : vector<16xi1>, vector<16xi32>
        %scan3A_785 = arith.constant 5 : i32
        %scan3A_786 = arith.addi %scan3A_509, %scan3A_785 : i32
        %mul3A_787 = arith.constant 16 : i32
        %mul3A_788 = arith.muli %scan3A_786, %mul3A_787 : i32
        %get3A_789 = arith.index_cast %mul3A_788 : i32 to index
        %get3A_790 = tpu.vector_load %arg13[%get3A_789] {strides = array<i32>} : memref<5024xf32, #tpu.memory_space<vmem>>, vector<16xf32>,
        %get3A_791 = arith.index_cast %mul3A_788 : i32 to index
        %get3A_792 = tpu.vector_load %arg9[%get3A_791] {strides = array<i32>} : memref<5024xf32, #tpu.memory_space<vmem>>, vector<16xf32>,
        %get3A_793 = arith.index_cast %mul3A_788 : i32 to index
        %get3A_794 = tpu.vector_load %arg10[%get3A_793] {strides = array<i32>} : memref<5024xf32, #tpu.memory_space<vmem>>, vector<16xf32>,
        %get3A_795 = arith.index_cast %mul3A_788 : i32 to index
        %get3A_796 = tpu.vector_load %arg11[%get3A_795] {strides = array<i32>} : memref<5024xf32, #tpu.memory_space<vmem>>, vector<16xf32>,
        %get3A_797 = arith.index_cast %mul3A_788 : i32 to index
        %get3A_798 = tpu.vector_load %arg12[%get3A_797] {strides = array<i32>} : memref<5024xf32, #tpu.memory_space<vmem>>, vector<16xf32>,
        %max3A_799 = vector.broadcast %reduce_max3A_330 : f32 to vector<16xf32>
        %max3A_800 = arith.maximumf %max3A_799, %get3A_792 : vector<16xf32>
        %max3A_801 = vector.broadcast %reduce_max3A_340 : f32 to vector<16xf32>
        %max3A_802 = arith.maximumf %max3A_801, %get3A_794 : vector<16xf32>
        %min3A_803 = vector.broadcast %reduce_max3A_350 : f32 to vector<16xf32>
        %min3A_804 = arith.minimumf %min3A_803, %get3A_796 : vector<16xf32>
        %min3A_805 = vector.broadcast %reduce_max3A_360 : f32 to vector<16xf32>
        %min3A_806 = arith.minimumf %min3A_805, %get3A_798 : vector<16xf32>
        %sub3A_807 = arith.subf %min3A_804, %max3A_800 : vector<16xf32>
        %max3A_808 = arith.constant 0.000000e+00 : f32
        %max3A_809 = vector.broadcast %max3A_808 : f32 to vector<16xf32>
        %max3A_810 = arith.maximumf %sub3A_807, %max3A_809 : vector<16xf32>
        %sub3A_811 = arith.subf %min3A_806, %max3A_802 : vector<16xf32>
        %max3A_812 = arith.constant 0.000000e+00 : f32
        %max3A_813 = vector.broadcast %max3A_812 : f32 to vector<16xf32>
        %max3A_814 = arith.maximumf %sub3A_811, %max3A_813 : vector<16xf32>
        %mul3A_815 = arith.mulf %max3A_810, %max3A_814 : vector<16xf32>
        %sub3A_816 = arith.subf %get3A_796, %get3A_792 : vector<16xf32>
        %sub3A_817 = arith.subf %get3A_798, %get3A_794 : vector<16xf32>
        %mul3A_818 = arith.mulf %sub3A_816, %sub3A_817 : vector<16xf32>
        %add3A_819 = vector.broadcast %reduce_max3A_370 : f32 to vector<16xf32>
        %add3A_820 = arith.addf %add3A_819, %mul3A_818 : vector<16xf32>
        %sub3A_821 = arith.subf %add3A_820, %mul3A_815 : vector<16xf32>
        %add3A_822 = arith.constant 9.99999993E-9 : f32
        %add3A_823 = vector.broadcast %add3A_822 : f32 to vector<16xf32>
        %add3A_824 = arith.addf %sub3A_821, %add3A_823 : vector<16xf32>
        %add3A_825 = arith.addi %mul3A_61, %mul3A_788 : i32
        %add3A_826 = vector.broadcast %add3A_825 : i32 to vector<16xi32>
        %add3A_827 = arith.addi %add3A_826, %iota3A : vector<16xi32>
        %div3A_828 = arith.divf %mul3A_815, %add3A_824 : vector<16xf32>
        %gt3A_829 = arith.constant 5.000000e-01 : f32
        %gt3A_830 = vector.broadcast %gt3A_829 : f32 to vector<16xf32>
        %gt3A_831 = arith.cmpf ogt, %div3A_828, %gt3A_830 : vector<16xf32>
        %jit3A_832 = arith.constant 0xFF800000 : f32
        %broadcast_in_dim3A_833 = vector.broadcast %jit3A_832 : f32 to vector<16xf32>
        %select_n3A_834 = arith.select %gt3A_831, %broadcast_in_dim3A_833, %get3A_790 : vector<16xi1>, vector<16xf32>
        %swap3A_835 = arith.index_cast %mul3A_788 : i32 to index
        %swap3A_836 = tpu.vector_load %arg13[%swap3A_835] {strides = array<i32>} : memref<5024xf32, #tpu.memory_space<vmem>>, vector<16xf32>,
        tpu.vector_store %arg13[%swap3A_835], %select_n3A_834 {strides = array<i32>} : memref<5024xf32, #tpu.memory_space<vmem>>, vector<16xf32>,
        %gt3A_837 = arith.cmpf ogt, %select_n3A_834, %select_n3A_783 : vector<16xf32>
        %select_n3A_838 = arith.select %gt3A_837, %select_n3A_834, %select_n3A_783 : vector<16xi1>, vector<16xf32>
        %select_n3A_839 = arith.select %gt3A_837, %add3A_827, %select_n3A_784 : vector<16xi1>, vector<16xi32>
        %scan3A_840 = arith.constant 6 : i32
        %scan3A_841 = arith.addi %scan3A_509, %scan3A_840 : i32
        %mul3A_842 = arith.constant 16 : i32
        %mul3A_843 = arith.muli %scan3A_841, %mul3A_842 : i32
        %get3A_844 = arith.index_cast %mul3A_843 : i32 to index
        %get3A_845 = tpu.vector_load %arg13[%get3A_844] {strides = array<i32>} : memref<5024xf32, #tpu.memory_space<vmem>>, vector<16xf32>,
        %get3A_846 = arith.index_cast %mul3A_843 : i32 to index
        %get3A_847 = tpu.vector_load %arg9[%get3A_846] {strides = array<i32>} : memref<5024xf32, #tpu.memory_space<vmem>>, vector<16xf32>,
        %get3A_848 = arith.index_cast %mul3A_843 : i32 to index
        %get3A_849 = tpu.vector_load %arg10[%get3A_848] {strides = array<i32>} : memref<5024xf32, #tpu.memory_space<vmem>>, vector<16xf32>,
        %get3A_850 = arith.index_cast %mul3A_843 : i32 to index
        %get3A_851 = tpu.vector_load %arg11[%get3A_850] {strides = array<i32>} : memref<5024xf32, #tpu.memory_space<vmem>>, vector<16xf32>,
        %get3A_852 = arith.index_cast %mul3A_843 : i32 to index
        %get3A_853 = tpu.vector_load %arg12[%get3A_852] {strides = array<i32>} : memref<5024xf32, #tpu.memory_space<vmem>>, vector<16xf32>,
        %max3A_854 = vector.broadcast %reduce_max3A_330 : f32 to vector<16xf32>
        %max3A_855 = arith.maximumf %max3A_854, %get3A_847 : vector<16xf32>
        %max3A_856 = vector.broadcast %reduce_max3A_340 : f32 to vector<16xf32>
        %max3A_857 = arith.maximumf %max3A_856, %get3A_849 : vector<16xf32>
        %min3A_858 = vector.broadcast %reduce_max3A_350 : f32 to vector<16xf32>
        %min3A_859 = arith.minimumf %min3A_858, %get3A_851 : vector<16xf32>
        %min3A_860 = vector.broadcast %reduce_max3A_360 : f32 to vector<16xf32>
        %min3A_861 = arith.minimumf %min3A_860, %get3A_853 : vector<16xf32>
        %sub3A_862 = arith.subf %min3A_859, %max3A_855 : vector<16xf32>
        %max3A_863 = arith.constant 0.000000e+00 : f32
        %max3A_864 = vector.broadcast %max3A_863 : f32 to vector<16xf32>
        %max3A_865 = arith.maximumf %sub3A_862, %max3A_864 : vector<16xf32>
        %sub3A_866 = arith.subf %min3A_861, %max3A_857 : vector<16xf32>
        %max3A_867 = arith.constant 0.000000e+00 : f32
        %max3A_868 = vector.broadcast %max3A_867 : f32 to vector<16xf32>
        %max3A_869 = arith.maximumf %sub3A_866, %max3A_868 : vector<16xf32>
        %mul3A_870 = arith.mulf %max3A_865, %max3A_869 : vector<16xf32>
        %sub3A_871 = arith.subf %get3A_851, %get3A_847 : vector<16xf32>
        %sub3A_872 = arith.subf %get3A_853, %get3A_849 : vector<16xf32>
        %mul3A_873 = arith.mulf %sub3A_871, %sub3A_872 : vector<16xf32>
        %add3A_874 = vector.broadcast %reduce_max3A_370 : f32 to vector<16xf32>
        %add3A_875 = arith.addf %add3A_874, %mul3A_873 : vector<16xf32>
        %sub3A_876 = arith.subf %add3A_875, %mul3A_870 : vector<16xf32>
        %add3A_877 = arith.constant 9.99999993E-9 : f32
        %add3A_878 = vector.broadcast %add3A_877 : f32 to vector<16xf32>
        %add3A_879 = arith.addf %sub3A_876, %add3A_878 : vector<16xf32>
        %add3A_880 = arith.addi %mul3A_61, %mul3A_843 : i32
        %add3A_881 = vector.broadcast %add3A_880 : i32 to vector<16xi32>
        %add3A_882 = arith.addi %add3A_881, %iota3A : vector<16xi32>
        %div3A_883 = arith.divf %mul3A_870, %add3A_879 : vector<16xf32>
        %gt3A_884 = arith.constant 5.000000e-01 : f32
        %gt3A_885 = vector.broadcast %gt3A_884 : f32 to vector<16xf32>
        %gt3A_886 = arith.cmpf ogt, %div3A_883, %gt3A_885 : vector<16xf32>
        %jit3A_887 = arith.constant 0xFF800000 : f32
        %broadcast_in_dim3A_888 = vector.broadcast %jit3A_887 : f32 to vector<16xf32>
        %select_n3A_889 = arith.select %gt3A_886, %broadcast_in_dim3A_888, %get3A_845 : vector<16xi1>, vector<16xf32>
        %swap3A_890 = arith.index_cast %mul3A_843 : i32 to index
        %swap3A_891 = tpu.vector_load %arg13[%swap3A_890] {strides = array<i32>} : memref<5024xf32, #tpu.memory_space<vmem>>, vector<16xf32>,
        tpu.vector_store %arg13[%swap3A_890], %select_n3A_889 {strides = array<i32>} : memref<5024xf32, #tpu.memory_space<vmem>>, vector<16xf32>,
        %gt3A_892 = arith.cmpf ogt, %select_n3A_889, %select_n3A_838 : vector<16xf32>
        %select_n3A_893 = arith.select %gt3A_892, %select_n3A_889, %select_n3A_838 : vector<16xi1>, vector<16xf32>
        %select_n3A_894 = arith.select %gt3A_892, %add3A_882, %select_n3A_839 : vector<16xi1>, vector<16xi32>
        %scan3A_895 = arith.constant 7 : i32
        %scan3A_896 = arith.addi %scan3A_509, %scan3A_895 : i32
        %mul3A_897 = arith.constant 16 : i32
        %mul3A_898 = arith.muli %scan3A_896, %mul3A_897 : i32
        %get3A_899 = arith.index_cast %mul3A_898 : i32 to index
        %get3A_900 = tpu.vector_load %arg13[%get3A_899] {strides = array<i32>} : memref<5024xf32, #tpu.memory_space<vmem>>, vector<16xf32>,
        %get3A_901 = arith.index_cast %mul3A_898 : i32 to index
        %get3A_902 = tpu.vector_load %arg9[%get3A_901] {strides = array<i32>} : memref<5024xf32, #tpu.memory_space<vmem>>, vector<16xf32>,
        %get3A_903 = arith.index_cast %mul3A_898 : i32 to index
        %get3A_904 = tpu.vector_load %arg10[%get3A_903] {strides = array<i32>} : memref<5024xf32, #tpu.memory_space<vmem>>, vector<16xf32>,
        %get3A_905 = arith.index_cast %mul3A_898 : i32 to index
        %get3A_906 = tpu.vector_load %arg11[%get3A_905] {strides = array<i32>} : memref<5024xf32, #tpu.memory_space<vmem>>, vector<16xf32>,
        %get3A_907 = arith.index_cast %mul3A_898 : i32 to index
        %get3A_908 = tpu.vector_load %arg12[%get3A_907] {strides = array<i32>} : memref<5024xf32, #tpu.memory_space<vmem>>, vector<16xf32>,
        %max3A_909 = vector.broadcast %reduce_max3A_330 : f32 to vector<16xf32>
        %max3A_910 = arith.maximumf %max3A_909, %get3A_902 : vector<16xf32>
        %max3A_911 = vector.broadcast %reduce_max3A_340 : f32 to vector<16xf32>
        %max3A_912 = arith.maximumf %max3A_911, %get3A_904 : vector<16xf32>
        %min3A_913 = vector.broadcast %reduce_max3A_350 : f32 to vector<16xf32>
        %min3A_914 = arith.minimumf %min3A_913, %get3A_906 : vector<16xf32>
        %min3A_915 = vector.broadcast %reduce_max3A_360 : f32 to vector<16xf32>
        %min3A_916 = arith.minimumf %min3A_915, %get3A_908 : vector<16xf32>
        %sub3A_917 = arith.subf %min3A_914, %max3A_910 : vector<16xf32>
        %max3A_918 = arith.constant 0.000000e+00 : f32
        %max3A_919 = vector.broadcast %max3A_918 : f32 to vector<16xf32>
        %max3A_920 = arith.maximumf %sub3A_917, %max3A_919 : vector<16xf32>
        %sub3A_921 = arith.subf %min3A_916, %max3A_912 : vector<16xf32>
        %max3A_922 = arith.constant 0.000000e+00 : f32
        %max3A_923 = vector.broadcast %max3A_922 : f32 to vector<16xf32>
        %max3A_924 = arith.maximumf %sub3A_921, %max3A_923 : vector<16xf32>
        %mul3A_925 = arith.mulf %max3A_920, %max3A_924 : vector<16xf32>
        %sub3A_926 = arith.subf %get3A_906, %get3A_902 : vector<16xf32>
        %sub3A_927 = arith.subf %get3A_908, %get3A_904 : vector<16xf32>
        %mul3A_928 = arith.mulf %sub3A_926, %sub3A_927 : vector<16xf32>
        %add3A_929 = vector.broadcast %reduce_max3A_370 : f32 to vector<16xf32>
        %add3A_930 = arith.addf %add3A_929, %mul3A_928 : vector<16xf32>
        %sub3A_931 = arith.subf %add3A_930, %mul3A_925 : vector<16xf32>
        %add3A_932 = arith.constant 9.99999993E-9 : f32
        %add3A_933 = vector.broadcast %add3A_932 : f32 to vector<16xf32>
        %add3A_934 = arith.addf %sub3A_931, %add3A_933 : vector<16xf32>
        %add3A_935 = arith.addi %mul3A_61, %mul3A_898 : i32
        %add3A_936 = vector.broadcast %add3A_935 : i32 to vector<16xi32>
        %add3A_937 = arith.addi %add3A_936, %iota3A : vector<16xi32>
        %div3A_938 = arith.divf %mul3A_925, %add3A_934 : vector<16xf32>
        %gt3A_939 = arith.constant 5.000000e-01 : f32
        %gt3A_940 = vector.broadcast %gt3A_939 : f32 to vector<16xf32>
        %gt3A_941 = arith.cmpf ogt, %div3A_938, %gt3A_940 : vector<16xf32>
        %jit3A_942 = arith.constant 0xFF800000 : f32
        %broadcast_in_dim3A_943 = vector.broadcast %jit3A_942 : f32 to vector<16xf32>
        %select_n3A_944 = arith.select %gt3A_941, %broadcast_in_dim3A_943, %get3A_900 : vector<16xi1>, vector<16xf32>
        %swap3A_945 = arith.index_cast %mul3A_898 : i32 to index
        %swap3A_946 = tpu.vector_load %arg13[%swap3A_945] {strides = array<i32>} : memref<5024xf32, #tpu.memory_space<vmem>>, vector<16xf32>,
        tpu.vector_store %arg13[%swap3A_945], %select_n3A_944 {strides = array<i32>} : memref<5024xf32, #tpu.memory_space<vmem>>, vector<16xf32>,
        %gt3A_947 = arith.cmpf ogt, %select_n3A_944, %select_n3A_893 : vector<16xf32>
        %select_n3A_948 = arith.select %gt3A_947, %select_n3A_944, %select_n3A_893 : vector<16xi1>, vector<16xf32>
        %select_n3A_949 = arith.select %gt3A_947, %add3A_937, %select_n3A_894 : vector<16xi1>, vector<16xi32>
        scf.yield %select_n3A_948, %select_n3A_949 : vector<16xf32>, vector<16xi32>
      }
      %scan3A_383 = arith.constant 312 : i32
      %scan3A_384 = arith.addi %scan3A_378, %scan3A_383 : i32
      %mul3A_385 = arith.constant 16 : i32
      %mul3A_386 = arith.muli %scan3A_384, %mul3A_385 : i32
      %get3A_387 = arith.index_cast %mul3A_386 : i32 to index
      %get3A_388 = tpu.vector_load %arg13[%get3A_387] {strides = array<i32>} : memref<5024xf32, #tpu.memory_space<vmem>>, vector<16xf32>,
      %get3A_389 = arith.index_cast %mul3A_386 : i32 to index
      %get3A_390 = tpu.vector_load %arg9[%get3A_389] {strides = array<i32>} : memref<5024xf32, #tpu.memory_space<vmem>>, vector<16xf32>,
      %get3A_391 = arith.index_cast %mul3A_386 : i32 to index
      %get3A_392 = tpu.vector_load %arg10[%get3A_391] {strides = array<i32>} : memref<5024xf32, #tpu.memory_space<vmem>>, vector<16xf32>,
      %get3A_393 = arith.index_cast %mul3A_386 : i32 to index
      %get3A_394 = tpu.vector_load %arg11[%get3A_393] {strides = array<i32>} : memref<5024xf32, #tpu.memory_space<vmem>>, vector<16xf32>,
      %get3A_395 = arith.index_cast %mul3A_386 : i32 to index
      %get3A_396 = tpu.vector_load %arg12[%get3A_395] {strides = array<i32>} : memref<5024xf32, #tpu.memory_space<vmem>>, vector<16xf32>,
      %max3A = vector.broadcast %reduce_max3A_330 : f32 to vector<16xf32>
      %max3A_397 = arith.maximumf %max3A, %get3A_390 : vector<16xf32>
      %max3A_398 = vector.broadcast %reduce_max3A_340 : f32 to vector<16xf32>
      %max3A_399 = arith.maximumf %max3A_398, %get3A_392 : vector<16xf32>
      %min3A = vector.broadcast %reduce_max3A_350 : f32 to vector<16xf32>
      %min3A_400 = arith.minimumf %min3A, %get3A_394 : vector<16xf32>
      %min3A_401 = vector.broadcast %reduce_max3A_360 : f32 to vector<16xf32>
      %min3A_402 = arith.minimumf %min3A_401, %get3A_396 : vector<16xf32>
      %sub3A_403 = arith.subf %min3A_400, %max3A_397 : vector<16xf32>
      %max3A_404 = arith.constant 0.000000e+00 : f32
      %max3A_405 = vector.broadcast %max3A_404 : f32 to vector<16xf32>
      %max3A_406 = arith.maximumf %sub3A_403, %max3A_405 : vector<16xf32>
      %sub3A_407 = arith.subf %min3A_402, %max3A_399 : vector<16xf32>
      %max3A_408 = arith.constant 0.000000e+00 : f32
      %max3A_409 = vector.broadcast %max3A_408 : f32 to vector<16xf32>
      %max3A_410 = arith.maximumf %sub3A_407, %max3A_409 : vector<16xf32>
      %mul3A_411 = arith.mulf %max3A_406, %max3A_410 : vector<16xf32>
      %sub3A_412 = arith.subf %get3A_394, %get3A_390 : vector<16xf32>
      %sub3A_413 = arith.subf %get3A_396, %get3A_392 : vector<16xf32>
      %mul3A_414 = arith.mulf %sub3A_412, %sub3A_413 : vector<16xf32>
      %add3A_415 = vector.broadcast %reduce_max3A_370 : f32 to vector<16xf32>
      %add3A_416 = arith.addf %add3A_415, %mul3A_414 : vector<16xf32>
      %sub3A_417 = arith.subf %add3A_416, %mul3A_411 : vector<16xf32>
      %add3A_418 = arith.constant 9.99999993E-9 : f32
      %add3A_419 = vector.broadcast %add3A_418 : f32 to vector<16xf32>
      %add3A_420 = arith.addf %sub3A_417, %add3A_419 : vector<16xf32>
      %add3A_421 = arith.addi %mul3A_61, %mul3A_386 : i32
      %add3A_422 = vector.broadcast %add3A_421 : i32 to vector<16xi32>
      %add3A_423 = arith.addi %add3A_422, %iota3A : vector<16xi32>
      %div3A_424 = arith.divf %mul3A_411, %add3A_420 : vector<16xf32>
      %gt3A_425 = arith.constant 5.000000e-01 : f32
      %gt3A_426 = vector.broadcast %gt3A_425 : f32 to vector<16xf32>
      %gt3A_427 = arith.cmpf ogt, %div3A_424, %gt3A_426 : vector<16xf32>
      %jit3A_428 = arith.constant 0xFF800000 : f32
      %broadcast_in_dim3A_429 = vector.broadcast %jit3A_428 : f32 to vector<16xf32>
      %select_n3A_430 = arith.select %gt3A_427, %broadcast_in_dim3A_429, %get3A_388 : vector<16xi1>, vector<16xf32>
      %swap3A_431 = arith.index_cast %mul3A_386 : i32 to index
      %swap3A_432 = tpu.vector_load %arg13[%swap3A_431] {strides = array<i32>} : memref<5024xf32, #tpu.memory_space<vmem>>, vector<16xf32>,
      tpu.vector_store %arg13[%swap3A_431], %select_n3A_430 {strides = array<i32>} : memref<5024xf32, #tpu.memory_space<vmem>>, vector<16xf32>,
      %gt3A_433 = arith.cmpf ogt, %select_n3A_430, %scan3A_382#0 : vector<16xf32>
      %select_n3A_434 = arith.select %gt3A_433, %select_n3A_430, %scan3A_382#0 : vector<16xi1>, vector<16xf32>
      %select_n3A_435 = arith.select %gt3A_433, %add3A_423, %scan3A_382#1 : vector<16xi1>, vector<16xi32>
      %scan3A_436 = arith.constant 313 : i32
      %scan3A_437 = arith.addi %scan3A_378, %scan3A_436 : i32
      %mul3A_438 = arith.constant 16 : i32
      %mul3A_439 = arith.muli %scan3A_437, %mul3A_438 : i32
      %get3A_440 = arith.index_cast %mul3A_439 : i32 to index
      %get3A_441 = tpu.vector_load %arg13[%get3A_440] {strides = array<i32>} : memref<5024xf32, #tpu.memory_space<vmem>>, vector<16xf32>,
      %get3A_442 = arith.index_cast %mul3A_439 : i32 to index
      %get3A_443 = tpu.vector_load %arg9[%get3A_442] {strides = array<i32>} : memref<5024xf32, #tpu.memory_space<vmem>>, vector<16xf32>,
      %get3A_444 = arith.index_cast %mul3A_439 : i32 to index
      %get3A_445 = tpu.vector_load %arg10[%get3A_444] {strides = array<i32>} : memref<5024xf32, #tpu.memory_space<vmem>>, vector<16xf32>,
      %get3A_446 = arith.index_cast %mul3A_439 : i32 to index
      %get3A_447 = tpu.vector_load %arg11[%get3A_446] {strides = array<i32>} : memref<5024xf32, #tpu.memory_space<vmem>>, vector<16xf32>,
      %get3A_448 = arith.index_cast %mul3A_439 : i32 to index
      %get3A_449 = tpu.vector_load %arg12[%get3A_448] {strides = array<i32>} : memref<5024xf32, #tpu.memory_space<vmem>>, vector<16xf32>,
      %max3A_450 = vector.broadcast %reduce_max3A_330 : f32 to vector<16xf32>
      %max3A_451 = arith.maximumf %max3A_450, %get3A_443 : vector<16xf32>
      %max3A_452 = vector.broadcast %reduce_max3A_340 : f32 to vector<16xf32>
      %max3A_453 = arith.maximumf %max3A_452, %get3A_445 : vector<16xf32>
      %min3A_454 = vector.broadcast %reduce_max3A_350 : f32 to vector<16xf32>
      %min3A_455 = arith.minimumf %min3A_454, %get3A_447 : vector<16xf32>
      %min3A_456 = vector.broadcast %reduce_max3A_360 : f32 to vector<16xf32>
      %min3A_457 = arith.minimumf %min3A_456, %get3A_449 : vector<16xf32>
      %sub3A_458 = arith.subf %min3A_455, %max3A_451 : vector<16xf32>
      %max3A_459 = arith.constant 0.000000e+00 : f32
      %max3A_460 = vector.broadcast %max3A_459 : f32 to vector<16xf32>
      %max3A_461 = arith.maximumf %sub3A_458, %max3A_460 : vector<16xf32>
      %sub3A_462 = arith.subf %min3A_457, %max3A_453 : vector<16xf32>
      %max3A_463 = arith.constant 0.000000e+00 : f32
      %max3A_464 = vector.broadcast %max3A_463 : f32 to vector<16xf32>
      %max3A_465 = arith.maximumf %sub3A_462, %max3A_464 : vector<16xf32>
      %mul3A_466 = arith.mulf %max3A_461, %max3A_465 : vector<16xf32>
      %sub3A_467 = arith.subf %get3A_447, %get3A_443 : vector<16xf32>
      %sub3A_468 = arith.subf %get3A_449, %get3A_445 : vector<16xf32>
      %mul3A_469 = arith.mulf %sub3A_467, %sub3A_468 : vector<16xf32>
      %add3A_470 = vector.broadcast %reduce_max3A_370 : f32 to vector<16xf32>
      %add3A_471 = arith.addf %add3A_470, %mul3A_469 : vector<16xf32>
      %sub3A_472 = arith.subf %add3A_471, %mul3A_466 : vector<16xf32>
      %add3A_473 = arith.constant 9.99999993E-9 : f32
      %add3A_474 = vector.broadcast %add3A_473 : f32 to vector<16xf32>
      %add3A_475 = arith.addf %sub3A_472, %add3A_474 : vector<16xf32>
      %add3A_476 = arith.addi %mul3A_61, %mul3A_439 : i32
      %add3A_477 = vector.broadcast %add3A_476 : i32 to vector<16xi32>
      %add3A_478 = arith.addi %add3A_477, %iota3A : vector<16xi32>
      %div3A_479 = arith.divf %mul3A_466, %add3A_475 : vector<16xf32>
      %gt3A_480 = arith.constant 5.000000e-01 : f32
      %gt3A_481 = vector.broadcast %gt3A_480 : f32 to vector<16xf32>
      %gt3A_482 = arith.cmpf ogt, %div3A_479, %gt3A_481 : vector<16xf32>
      %jit3A_483 = arith.constant 0xFF800000 : f32
      %broadcast_in_dim3A_484 = vector.broadcast %jit3A_483 : f32 to vector<16xf32>
      %select_n3A_485 = arith.select %gt3A_482, %broadcast_in_dim3A_484, %get3A_441 : vector<16xi1>, vector<16xf32>
      %swap3A_486 = arith.index_cast %mul3A_439 : i32 to index
      %swap3A_487 = tpu.vector_load %arg13[%swap3A_486] {strides = array<i32>} : memref<5024xf32, #tpu.memory_space<vmem>>, vector<16xf32>,
      tpu.vector_store %arg13[%swap3A_486], %select_n3A_485 {strides = array<i32>} : memref<5024xf32, #tpu.memory_space<vmem>>, vector<16xf32>,
      %gt3A_488 = arith.cmpf ogt, %select_n3A_485, %select_n3A_434 : vector<16xf32>
      %select_n3A_489 = arith.select %gt3A_488, %select_n3A_485, %select_n3A_434 : vector<16xi1>, vector<16xf32>
      %select_n3A_490 = arith.select %gt3A_488, %add3A_478, %select_n3A_435 : vector<16xi1>, vector<16xi32>
      %scan3A_491 = arith.constant 314 : i32
      %reduce_max3A_492 = arith.constant true
      %reduce_max3A_493 = vector.broadcast %reduce_max3A_492 : i1 to vector<16xi1>
      %reduce_max3A_494 = tpu.scan <max>, %select_n3A_489 masked %reduce_max3A_493 : vector<16xf32>, vector<16xi1> -> vector<16xf32>
      %reduce_max3A_495 = vector.extract %reduce_max3A_494[15] : f32 from vector<16xf32>
      %eq3A_496 = vector.broadcast %reduce_max3A_495 : f32 to vector<16xf32>
      %eq3A_497 = arith.cmpf oeq, %select_n3A_489, %eq3A_496 : vector<16xf32>
      %jit3A_498 = arith.constant 1073741824 : i32
      %broadcast_in_dim3A_499 = vector.broadcast %jit3A_498 : i32 to vector<16xi32>
      %select_n3A_500 = arith.select %eq3A_497, %select_n3A_490, %broadcast_in_dim3A_499 : vector<16xi1>, vector<16xi32>
      %reduce_min3A_501 = arith.constant true
      %reduce_min3A_502 = vector.broadcast %reduce_min3A_501 : i1 to vector<16xi1>
      %reduce_min3A_503 = arith.constant -2147483648 : i32
      %reduce_min3A_504 = vector.broadcast %reduce_min3A_503 : i32 to vector<16xi32>
      %reduce_min3A_505 = arith.xori %select_n3A_500, %reduce_min3A_504 : vector<16xi32>
      %reduce_min3A_506 = tpu.scan <min>, %reduce_min3A_505 masked %reduce_min3A_502 : vector<16xi32>, vector<16xi1> -> vector<16xi32>
      %reduce_min3A_507 = arith.xori %reduce_min3A_506, %reduce_min3A_504 : vector<16xi32>
      %reduce_min3A_508 = vector.extract %reduce_min3A_507[15] : i32 from vector<16xi32>
      scf.yield %reduce_min3A_508, %reduce_max3A_495 : i32, f32
    }
    %scan3A_151 = arith.constant 100 : i32
    %eq3A_152 = arith.constant 0 : i32
    %eq3A_153 = arith.cmpi eq, %select_n3A_33, %eq3A_152 : i32
    %convert_element_type3A_154 = arith.extui %eq3A_153 : i1 to i32
    %cond3A_155 = arith.constant 0 : i32
    %cond3A_156 = arith.cmpi ne, %convert_element_type3A_154, %cond3A_155 : i32
    scf.if %cond3A_156 {
      %mul3A_157 = arith.constant 128 : i32
      %mul3A_158 = arith.muli %add3A, %mul3A_157 : i32
      "tpu.region"() ({
        %run_scoped3A = tpu.sem_alloc : memref<!tpu.dma_semaphore, #tpu.memory_space<semaphore_mem>>
        %dma_start3A = tpu.memref_slice %arg7[%mul3A_158] : memref<1024xf32, #tpu.memory_space<hbm>> -> memref<128xf32, #tpu.memory_space<hbm>>
        %dma_start3A_161 = tpu.memref_slice %arg7[%mul3A_158] : memref<1024xf32, #tpu.memory_space<hbm>> -> memref<128xf32, #tpu.memory_space<hbm>>
        tpu.enqueue_dma source(%arg14 : memref<128xf32, #tpu.memory_space<vmem>>) target(%dma_start3A_161 : memref<128xf32, #tpu.memory_space<hbm>>) target_semaphore(%run_scoped3A : memref<!tpu.dma_semaphore, #tpu.memory_space<semaphore_mem>>)
        %dma_wait3A = tpu.memref_slice %arg7[%mul3A_158] : memref<1024xf32, #tpu.memory_space<hbm>> -> memref<128xf32, #tpu.memory_space<hbm>>
        %dma_wait3A_162 = tpu.memref_slice %arg7[%mul3A_158] : memref<1024xf32, #tpu.memory_space<hbm>> -> memref<128xf32, #tpu.memory_space<hbm>>
        tpu.wait_dma2 semaphore(%run_scoped3A : memref<!tpu.dma_semaphore, #tpu.memory_space<semaphore_mem>>) src(%arg14 : memref<128xf32, #tpu.memory_space<vmem>>) dst(%dma_wait3A_162 : memref<128xf32, #tpu.memory_space<hbm>>)
        tpu.yield
      }) : () -> ()
      %mul3A_159 = arith.constant 128 : i32
      %mul3A_160 = arith.muli %add3A, %mul3A_159 : i32
      "tpu.region"() ({
        %run_scoped3A = tpu.sem_alloc : memref<!tpu.dma_semaphore, #tpu.memory_space<semaphore_mem>>
        %dma_start3A = tpu.memref_slice %arg8[%mul3A_160] : memref<1024xi32, #tpu.memory_space<hbm>> -> memref<128xi32, #tpu.memory_space<hbm>>
        %dma_start3A_161 = tpu.memref_slice %arg8[%mul3A_160] : memref<1024xi32, #tpu.memory_space<hbm>> -> memref<128xi32, #tpu.memory_space<hbm>>
        tpu.enqueue_dma source(%arg15 : memref<128xi32, #tpu.memory_space<vmem>>) target(%dma_start3A_161 : memref<128xi32, #tpu.memory_space<hbm>>) target_semaphore(%run_scoped3A : memref<!tpu.dma_semaphore, #tpu.memory_space<semaphore_mem>>)
        %dma_wait3A = tpu.memref_slice %arg8[%mul3A_160] : memref<1024xi32, #tpu.memory_space<hbm>> -> memref<128xi32, #tpu.memory_space<hbm>>
        %dma_wait3A_162 = tpu.memref_slice %arg8[%mul3A_160] : memref<1024xi32, #tpu.memory_space<hbm>> -> memref<128xi32, #tpu.memory_space<hbm>>
        tpu.wait_dma2 semaphore(%run_scoped3A : memref<!tpu.dma_semaphore, #tpu.memory_space<semaphore_mem>>) src(%arg15 : memref<128xi32, #tpu.memory_space<vmem>>) dst(%dma_wait3A_162 : memref<128xi32, #tpu.memory_space<hbm>>)
        tpu.yield
      }) : () -> ()
    } else {
    }
    return
  }
}

#map = affine_map<(d0, d1) -> (0)>
module attributes {stable_mosaic.version = 14 : i64} {
  func.func @_merge_body(%arg0: i32, %arg1: i32, %arg2: memref<1024xf32, #tpu.memory_space<hbm>>, %arg3: memref<1024xi32, #tpu.memory_space<hbm>>, %arg4: memref<20000xf32, #tpu.memory_space<hbm>>, %arg5: memref<20000xf32, #tpu.memory_space<hbm>>, %arg6: memref<20000xf32, #tpu.memory_space<hbm>>, %arg7: memref<20000xf32, #tpu.memory_space<hbm>>, %arg8: memref<20000xf32, #tpu.memory_space<hbm>>, %arg9: memref<20000xf32, #tpu.memory_space<hbm>>, %arg10: memref<20000xf32, #tpu.memory_space<hbm>>, %arg11: memref<20000xf32, #tpu.memory_space<hbm>>, %arg12: memref<20000xf32, #tpu.memory_space<hbm>>, %arg13: memref<20000xf32, #tpu.memory_space<hbm>>, %arg14: memref<512xf32, #tpu.memory_space<hbm>>, %arg15: memref<128xf32, #tpu.memory_space<hbm>>, %arg16: memref<128xi32, #tpu.memory_space<hbm>>, %arg17: memref<384xf32, #tpu.memory_space<hbm>>, %arg18: memref<384xf32, #tpu.memory_space<hbm>>, %arg19: memref<20000xf32, #tpu.memory_space<vmem>>, %arg20: memref<20000xf32, #tpu.memory_space<vmem>>, %arg21: memref<20000xf32, #tpu.memory_space<vmem>>, %arg22: memref<20000xf32, #tpu.memory_space<vmem>>, %arg23: memref<1024xf32, #tpu.memory_space<vmem>>, %arg24: memref<1024xi32, #tpu.memory_space<vmem>>, %arg25: memref<128xf32, #tpu.memory_space<vmem>>, %arg26: memref<128xi32, #tpu.memory_space<vmem>>, %arg27: memref<128xi32, #tpu.memory_space<vmem>>, %arg28: memref<128xf32, #tpu.memory_space<vmem>>, %arg29: memref<128xi32, #tpu.memory_space<vmem>>, %arg30: memref<128xf32, #tpu.memory_space<vmem>>, %arg31: memref<512xf32, #tpu.memory_space<vmem>>, %arg32: memref<128xf32, #tpu.memory_space<vmem_shared>>, %arg33: memref<128xi32, #tpu.memory_space<vmem_shared>>) attributes {dimension_semantics = [#tpu.dimension_semantics<core_parallel>, #tpu.dimension_semantics<subcore_parallel>], iteration_bounds = array<i64: 2, 16>, scalar_prefetch = 0 : i64, scratch_operands = 15 : i64, tpu.core_type = #tpu.core_type<sc_vector_subcore>, window_params = [{transform_indices = #map}, {transform_indices = #map}, {transform_indices = #map}, {transform_indices = #map}, {transform_indices = #map}, {transform_indices = #map}, {transform_indices = #map}, {transform_indices = #map}, {transform_indices = #map}, {transform_indices = #map}, {transform_indices = #map}, {transform_indices = #map}, {transform_indices = #map}, {transform_indices = #map}, {transform_indices = #map}, {transform_indices = #map}, {transform_indices = #map}]} {
    %iota3A = tpu.iota {dimensions = array<i32: 0>} : vector<16xi32>
    %eq3A = arith.constant 0 : i32
    %eq3A_0 = vector.broadcast %eq3A : i32 to vector<16xi32>
    %eq3A_1 = arith.cmpi eq, %iota3A, %eq3A_0 : vector<16xi32>
    %eq3A_2 = arith.constant 0 : i32
    %eq3A_3 = arith.cmpi eq, %arg0, %eq3A_2 : i32
    %eq3A_4 = arith.constant 1 : i32
    %eq3A_5 = arith.cmpi eq, %arg1, %eq3A_4 : i32
    %and3A = arith.andi %eq3A_3, %eq3A_5 : i1
    %convert_element_type3A = arith.extui %and3A : i1 to i32
    %cond3A = arith.constant 0 : i32
    %cond3A_6 = arith.cmpi ne, %convert_element_type3A, %cond3A : i32
    scf.if %cond3A_6 {
      "tpu.region"() ({
        %run_scoped3A = tpu.sem_alloc : memref<!tpu.dma_semaphore, #tpu.memory_space<semaphore_mem>>
        tpu.enqueue_dma source(%arg4 : memref<20000xf32, #tpu.memory_space<hbm>>) target(%arg19 : memref<20000xf32, #tpu.memory_space<vmem>>) target_semaphore(%run_scoped3A : memref<!tpu.dma_semaphore, #tpu.memory_space<semaphore_mem>>)
        tpu.wait_dma2 semaphore(%run_scoped3A : memref<!tpu.dma_semaphore, #tpu.memory_space<semaphore_mem>>) src(%arg4 : memref<20000xf32, #tpu.memory_space<hbm>>) dst(%arg19 : memref<20000xf32, #tpu.memory_space<vmem>>)
        tpu.yield
      }) : () -> ()
      "tpu.region"() ({
        %run_scoped3A = tpu.sem_alloc : memref<!tpu.dma_semaphore, #tpu.memory_space<semaphore_mem>>
        tpu.enqueue_dma source(%arg5 : memref<20000xf32, #tpu.memory_space<hbm>>) target(%arg20 : memref<20000xf32, #tpu.memory_space<vmem>>) target_semaphore(%run_scoped3A : memref<!tpu.dma_semaphore, #tpu.memory_space<semaphore_mem>>)
        tpu.wait_dma2 semaphore(%run_scoped3A : memref<!tpu.dma_semaphore, #tpu.memory_space<semaphore_mem>>) src(%arg5 : memref<20000xf32, #tpu.memory_space<hbm>>) dst(%arg20 : memref<20000xf32, #tpu.memory_space<vmem>>)
        tpu.yield
      }) : () -> ()
      "tpu.region"() ({
        %run_scoped3A = tpu.sem_alloc : memref<!tpu.dma_semaphore, #tpu.memory_space<semaphore_mem>>
        tpu.enqueue_dma source(%arg6 : memref<20000xf32, #tpu.memory_space<hbm>>) target(%arg21 : memref<20000xf32, #tpu.memory_space<vmem>>) target_semaphore(%run_scoped3A : memref<!tpu.dma_semaphore, #tpu.memory_space<semaphore_mem>>)
        tpu.wait_dma2 semaphore(%run_scoped3A : memref<!tpu.dma_semaphore, #tpu.memory_space<semaphore_mem>>) src(%arg6 : memref<20000xf32, #tpu.memory_space<hbm>>) dst(%arg21 : memref<20000xf32, #tpu.memory_space<vmem>>)
        tpu.yield
      }) : () -> ()
      "tpu.region"() ({
        %run_scoped3A = tpu.sem_alloc : memref<!tpu.dma_semaphore, #tpu.memory_space<semaphore_mem>>
        tpu.enqueue_dma source(%arg7 : memref<20000xf32, #tpu.memory_space<hbm>>) target(%arg22 : memref<20000xf32, #tpu.memory_space<vmem>>) target_semaphore(%run_scoped3A : memref<!tpu.dma_semaphore, #tpu.memory_space<semaphore_mem>>)
        tpu.wait_dma2 semaphore(%run_scoped3A : memref<!tpu.dma_semaphore, #tpu.memory_space<semaphore_mem>>) src(%arg7 : memref<20000xf32, #tpu.memory_space<hbm>>) dst(%arg22 : memref<20000xf32, #tpu.memory_space<vmem>>)
        tpu.yield
      }) : () -> ()
    } else {
    }
    %eq3A_7 = arith.constant 0 : i32
    %eq3A_8 = arith.cmpi eq, %arg0, %eq3A_7 : i32
    %eq3A_9 = arith.constant 2 : i32
    %eq3A_10 = arith.cmpi eq, %arg1, %eq3A_9 : i32
    %and3A_11 = arith.andi %eq3A_8, %eq3A_10 : i1
    %convert_element_type3A_12 = arith.extui %and3A_11 : i1 to i32
    %cond3A_13 = arith.constant 0 : i32
    %cond3A_14 = arith.cmpi ne, %convert_element_type3A_12, %cond3A_13 : i32
    scf.if %cond3A_14 {
      "tpu.region"() ({
        %run_scoped3A = tpu.sem_alloc : memref<!tpu.dma_semaphore, #tpu.memory_space<semaphore_mem>>
        tpu.enqueue_dma source(%arg8 : memref<20000xf32, #tpu.memory_space<hbm>>) target(%arg19 : memref<20000xf32, #tpu.memory_space<vmem>>) target_semaphore(%run_scoped3A : memref<!tpu.dma_semaphore, #tpu.memory_space<semaphore_mem>>)
        tpu.wait_dma2 semaphore(%run_scoped3A : memref<!tpu.dma_semaphore, #tpu.memory_space<semaphore_mem>>) src(%arg8 : memref<20000xf32, #tpu.memory_space<hbm>>) dst(%arg19 : memref<20000xf32, #tpu.memory_space<vmem>>)
        tpu.yield
      }) : () -> ()
      "tpu.region"() ({
        %run_scoped3A = tpu.sem_alloc : memref<!tpu.dma_semaphore, #tpu.memory_space<semaphore_mem>>
        tpu.enqueue_dma source(%arg9 : memref<20000xf32, #tpu.memory_space<hbm>>) target(%arg20 : memref<20000xf32, #tpu.memory_space<vmem>>) target_semaphore(%run_scoped3A : memref<!tpu.dma_semaphore, #tpu.memory_space<semaphore_mem>>)
        tpu.wait_dma2 semaphore(%run_scoped3A : memref<!tpu.dma_semaphore, #tpu.memory_space<semaphore_mem>>) src(%arg9 : memref<20000xf32, #tpu.memory_space<hbm>>) dst(%arg20 : memref<20000xf32, #tpu.memory_space<vmem>>)
        tpu.yield
      }) : () -> ()
      "tpu.region"() ({
        %run_scoped3A = tpu.sem_alloc : memref<!tpu.dma_semaphore, #tpu.memory_space<semaphore_mem>>
        tpu.enqueue_dma source(%arg10 : memref<20000xf32, #tpu.memory_space<hbm>>) target(%arg21 : memref<20000xf32, #tpu.memory_space<vmem>>) target_semaphore(%run_scoped3A : memref<!tpu.dma_semaphore, #tpu.memory_space<semaphore_mem>>)
        tpu.wait_dma2 semaphore(%run_scoped3A : memref<!tpu.dma_semaphore, #tpu.memory_space<semaphore_mem>>) src(%arg10 : memref<20000xf32, #tpu.memory_space<hbm>>) dst(%arg21 : memref<20000xf32, #tpu.memory_space<vmem>>)
        tpu.yield
      }) : () -> ()
    } else {
    }
    %eq3A_15 = arith.constant 0 : i32
    %eq3A_16 = arith.cmpi eq, %arg0, %eq3A_15 : i32
    %eq3A_17 = arith.constant 3 : i32
    %eq3A_18 = arith.cmpi eq, %arg1, %eq3A_17 : i32
    %and3A_19 = arith.andi %eq3A_16, %eq3A_18 : i1
    %convert_element_type3A_20 = arith.extui %and3A_19 : i1 to i32
    %cond3A_21 = arith.constant 0 : i32
    %cond3A_22 = arith.cmpi ne, %convert_element_type3A_20, %cond3A_21 : i32
    scf.if %cond3A_22 {
      "tpu.region"() ({
        %run_scoped3A = tpu.sem_alloc : memref<!tpu.dma_semaphore, #tpu.memory_space<semaphore_mem>>
        tpu.enqueue_dma source(%arg11 : memref<20000xf32, #tpu.memory_space<hbm>>) target(%arg19 : memref<20000xf32, #tpu.memory_space<vmem>>) target_semaphore(%run_scoped3A : memref<!tpu.dma_semaphore, #tpu.memory_space<semaphore_mem>>)
        tpu.wait_dma2 semaphore(%run_scoped3A : memref<!tpu.dma_semaphore, #tpu.memory_space<semaphore_mem>>) src(%arg11 : memref<20000xf32, #tpu.memory_space<hbm>>) dst(%arg19 : memref<20000xf32, #tpu.memory_space<vmem>>)
        tpu.yield
      }) : () -> ()
      "tpu.region"() ({
        %run_scoped3A = tpu.sem_alloc : memref<!tpu.dma_semaphore, #tpu.memory_space<semaphore_mem>>
        tpu.enqueue_dma source(%arg12 : memref<20000xf32, #tpu.memory_space<hbm>>) target(%arg20 : memref<20000xf32, #tpu.memory_space<vmem>>) target_semaphore(%run_scoped3A : memref<!tpu.dma_semaphore, #tpu.memory_space<semaphore_mem>>)
        tpu.wait_dma2 semaphore(%run_scoped3A : memref<!tpu.dma_semaphore, #tpu.memory_space<semaphore_mem>>) src(%arg12 : memref<20000xf32, #tpu.memory_space<hbm>>) dst(%arg20 : memref<20000xf32, #tpu.memory_space<vmem>>)
        tpu.yield
      }) : () -> ()
      "tpu.region"() ({
        %run_scoped3A = tpu.sem_alloc : memref<!tpu.dma_semaphore, #tpu.memory_space<semaphore_mem>>
        tpu.enqueue_dma source(%arg13 : memref<20000xf32, #tpu.memory_space<hbm>>) target(%arg21 : memref<20000xf32, #tpu.memory_space<vmem>>) target_semaphore(%run_scoped3A : memref<!tpu.dma_semaphore, #tpu.memory_space<semaphore_mem>>)
        tpu.wait_dma2 semaphore(%run_scoped3A : memref<!tpu.dma_semaphore, #tpu.memory_space<semaphore_mem>>) src(%arg13 : memref<20000xf32, #tpu.memory_space<hbm>>) dst(%arg21 : memref<20000xf32, #tpu.memory_space<vmem>>)
        tpu.yield
      }) : () -> ()
    } else {
    }
    %eq3A_23 = arith.constant 0 : i32
    %eq3A_24 = arith.cmpi eq, %arg0, %eq3A_23 : i32
    %eq3A_25 = arith.constant 0 : i32
    %eq3A_26 = arith.cmpi eq, %arg1, %eq3A_25 : i32
    %and3A_27 = arith.andi %eq3A_24, %eq3A_26 : i1
    %convert_element_type3A_28 = arith.extui %and3A_27 : i1 to i32
    %cond3A_29 = arith.constant 0 : i32
    %cond3A_30 = arith.cmpi ne, %convert_element_type3A_28, %cond3A_29 : i32
    scf.if %cond3A_30 {
      "tpu.region"() ({
        %run_scoped3A = tpu.sem_alloc : memref<!tpu.dma_semaphore, #tpu.memory_space<semaphore_mem>>
        tpu.enqueue_dma source(%arg2 : memref<1024xf32, #tpu.memory_space<hbm>>) target(%arg23 : memref<1024xf32, #tpu.memory_space<vmem>>) target_semaphore(%run_scoped3A : memref<!tpu.dma_semaphore, #tpu.memory_space<semaphore_mem>>)
        tpu.wait_dma2 semaphore(%run_scoped3A : memref<!tpu.dma_semaphore, #tpu.memory_space<semaphore_mem>>) src(%arg2 : memref<1024xf32, #tpu.memory_space<hbm>>) dst(%arg23 : memref<1024xf32, #tpu.memory_space<vmem>>)
        tpu.yield
      }) : () -> ()
      "tpu.region"() ({
        %run_scoped3A = tpu.sem_alloc : memref<!tpu.dma_semaphore, #tpu.memory_space<semaphore_mem>>
        tpu.enqueue_dma source(%arg3 : memref<1024xi32, #tpu.memory_space<hbm>>) target(%arg24 : memref<1024xi32, #tpu.memory_space<vmem>>) target_semaphore(%run_scoped3A : memref<!tpu.dma_semaphore, #tpu.memory_space<semaphore_mem>>)
        tpu.wait_dma2 semaphore(%run_scoped3A : memref<!tpu.dma_semaphore, #tpu.memory_space<semaphore_mem>>) src(%arg3 : memref<1024xi32, #tpu.memory_space<hbm>>) dst(%arg24 : memref<1024xi32, #tpu.memory_space<vmem>>)
        tpu.yield
      }) : () -> ()
      %min3A = arith.constant 7 : i32
      %min3A_55 = vector.broadcast %min3A : i32 to vector<16xi32>
      %min3A_56 = arith.minsi %iota3A, %min3A_55 : vector<16xi32>
      %scan3A = arith.constant 0 : i32
      %scan3A_57 = arith.constant 0 : i32
      %scan3A_58 = arith.constant 8 : i32
      %scan3A_59 = arith.addi %scan3A_57, %scan3A_58 : i32
      %scan3A_60 = arith.constant 1 : i32
      scf.for %scan3A_75 = %scan3A_57 to %scan3A_59 step %scan3A_60  : i32 {
        %broadcast_in_dim3A_76 = arith.constant 0xFF800000 : f32
        %broadcast_in_dim3A_77 = vector.broadcast %broadcast_in_dim3A_76 : f32 to vector<16xf32>
        %mul3A = arith.constant 16 : i32
        %mul3A_78 = arith.muli %scan3A_75, %mul3A : i32
        %swap3A = arith.index_cast %mul3A_78 : i32 to index
        %swap3A_79 = tpu.vector_load %arg25[%swap3A] {strides = array<i32>} : memref<128xf32, #tpu.memory_space<vmem>>, vector<16xf32>,
        tpu.vector_store %arg25[%swap3A], %broadcast_in_dim3A_77 {strides = array<i32>} : memref<128xf32, #tpu.memory_space<vmem>>, vector<16xf32>,
        %broadcast_in_dim3A_80 = arith.constant 0 : i32
        %broadcast_in_dim3A_81 = vector.broadcast %broadcast_in_dim3A_80 : i32 to vector<16xi32>
        %mul3A_82 = arith.constant 16 : i32
        %mul3A_83 = arith.muli %scan3A_75, %mul3A_82 : i32
        %swap3A_84 = arith.index_cast %mul3A_83 : i32 to index
        %swap3A_85 = tpu.vector_load %arg26[%swap3A_84] {strides = array<i32>} : memref<128xi32, #tpu.memory_space<vmem>>, vector<16xi32>,
        tpu.vector_store %arg26[%swap3A_84], %broadcast_in_dim3A_81 {strides = array<i32>} : memref<128xi32, #tpu.memory_space<vmem>>, vector<16xi32>,
        %broadcast_in_dim3A_86 = arith.constant 0 : i32
        %broadcast_in_dim3A_87 = vector.broadcast %broadcast_in_dim3A_86 : i32 to vector<16xi32>
        %mul3A_88 = arith.constant 16 : i32
        %mul3A_89 = arith.muli %scan3A_75, %mul3A_88 : i32
        %swap3A_90 = arith.index_cast %mul3A_89 : i32 to index
        %swap3A_91 = tpu.vector_load %arg27[%swap3A_90] {strides = array<i32>} : memref<128xi32, #tpu.memory_space<vmem>>, vector<16xi32>,
        tpu.vector_store %arg27[%swap3A_90], %broadcast_in_dim3A_87 {strides = array<i32>} : memref<128xi32, #tpu.memory_space<vmem>>, vector<16xi32>,
      }
      %scan3A_61 = arith.constant 8 : i32
      %broadcast_in_dim3A = arith.constant 0 : i32
      %broadcast_in_dim3A_62 = vector.broadcast %broadcast_in_dim3A : i32 to vector<16xi32>
      %scan3A_63 = arith.constant 0 : i32
      %scan3A_64 = arith.constant 100 : i32
      %scan3A_65 = arith.addi %scan3A_63, %scan3A_64 : i32
      %scan3A_66 = arith.constant 1 : i32
      %scan3A_67 = scf.for %scan3A_75 = %scan3A_63 to %scan3A_65 step %scan3A_66 iter_args(%scan3A_76 = %broadcast_in_dim3A_62) -> (vector<16xi32>)  : i32 {
        %lt3A = arith.constant 8 : i32
        %lt3A_77 = vector.broadcast %lt3A : i32 to vector<16xi32>
        %lt3A_78 = arith.cmpi slt, %iota3A, %lt3A_77 : vector<16xi32>
        %min3A_79 = arith.constant 127 : i32
        %min3A_80 = vector.broadcast %min3A_79 : i32 to vector<16xi32>
        %min3A_81 = arith.minsi %scan3A_76, %min3A_80 : vector<16xi32>
        %jit3A = arith.constant 127 : i32
        %broadcast_in_dim3A_82 = vector.broadcast %jit3A : i32 to vector<16xi32>
        %select_n3A = arith.select %lt3A_78, %min3A_81, %broadcast_in_dim3A_82 : vector<16xi1>, vector<16xi32>
        %mul3A = arith.constant 128 : i32
        %mul3A_83 = vector.broadcast %mul3A : i32 to vector<16xi32>
        %mul3A_84 = arith.muli %min3A_56, %mul3A_83 : vector<16xi32>
        %add3A = arith.addi %mul3A_84, %select_n3A : vector<16xi32>
        %gather3A = tpu.vector_load_idx %arg23[%add3A] : memref<1024xf32, #tpu.memory_space<vmem>>[vector<16xi32>], vector<16xf32>,
        %reduce_max3A = arith.constant true
        %reduce_max3A_85 = vector.broadcast %reduce_max3A : i1 to vector<16xi1>
        %reduce_max3A_86 = tpu.scan <max>, %gather3A masked %reduce_max3A_85 : vector<16xf32>, vector<16xi1> -> vector<16xf32>
        %reduce_max3A_87 = vector.extract %reduce_max3A_86[15] : f32 from vector<16xf32>
        %eq3A_88 = vector.broadcast %reduce_max3A_87 : f32 to vector<16xf32>
        %eq3A_89 = arith.cmpf oeq, %gather3A, %eq3A_88 : vector<16xf32>
        %jit3A_90 = arith.constant 99 : i32
        %broadcast_in_dim3A_91 = vector.broadcast %jit3A_90 : i32 to vector<16xi32>
        %select_n3A_92 = arith.select %eq3A_89, %iota3A, %broadcast_in_dim3A_91 : vector<16xi1>, vector<16xi32>
        %reduce_min3A = arith.constant true
        %reduce_min3A_93 = vector.broadcast %reduce_min3A : i1 to vector<16xi1>
        %reduce_min3A_94 = arith.constant -2147483648 : i32
        %reduce_min3A_95 = vector.broadcast %reduce_min3A_94 : i32 to vector<16xi32>
        %reduce_min3A_96 = arith.xori %select_n3A_92, %reduce_min3A_95 : vector<16xi32>
        %reduce_min3A_97 = tpu.scan <min>, %reduce_min3A_96 masked %reduce_min3A_93 : vector<16xi32>, vector<16xi1> -> vector<16xi32>
        %reduce_min3A_98 = arith.xori %reduce_min3A_97, %reduce_min3A_95 : vector<16xi32>
        %reduce_min3A_99 = vector.extract %reduce_min3A_98[15] : i32 from vector<16xi32>
        %gather3A_100 = tpu.vector_load_idx %arg24[%add3A] : memref<1024xi32, #tpu.memory_space<vmem>>[vector<16xi32>], vector<16xi32>,
        %eq3A_101 = vector.broadcast %reduce_min3A_99 : i32 to vector<16xi32>
        %eq3A_102 = arith.cmpi eq, %iota3A, %eq3A_101 : vector<16xi32>
        %jit3A_103 = arith.constant -2147483648 : i32
        %broadcast_in_dim3A_104 = vector.broadcast %jit3A_103 : i32 to vector<16xi32>
        %select_n3A_105 = arith.select %eq3A_102, %gather3A_100, %broadcast_in_dim3A_104 : vector<16xi1>, vector<16xi32>
        %reduce_max3A_106 = arith.constant true
        %reduce_max3A_107 = vector.broadcast %reduce_max3A_106 : i1 to vector<16xi1>
        %reduce_max3A_108 = arith.constant -2147483648 : i32
        %reduce_max3A_109 = vector.broadcast %reduce_max3A_108 : i32 to vector<16xi32>
        %reduce_max3A_110 = arith.xori %select_n3A_105, %reduce_max3A_109 : vector<16xi32>
        %reduce_max3A_111 = tpu.scan <max>, %reduce_max3A_110 masked %reduce_max3A_107 : vector<16xi32>, vector<16xi1> -> vector<16xi32>
        %reduce_max3A_112 = arith.xori %reduce_max3A_111, %reduce_max3A_109 : vector<16xi32>
        %reduce_max3A_113 = vector.extract %reduce_max3A_112[15] : i32 from vector<16xi32>
        %broadcast_in_dim3A_114 = vector.broadcast %scan3A_75 : i32 to vector<16xi32>
        %broadcast_in_dim3A_115 = vector.broadcast %reduce_max3A_87 : f32 to vector<16xf32>
        tpu.vector_store_idx %arg25[%broadcast_in_dim3A_114], %broadcast_in_dim3A_115 masked %eq3A_1 : memref<128xf32, #tpu.memory_space<vmem>>[vector<16xi32>], vector<16xf32>, vector<16xi1>
        %broadcast_in_dim3A_116 = vector.broadcast %scan3A_75 : i32 to vector<16xi32>
        %broadcast_in_dim3A_117 = vector.broadcast %reduce_min3A_99 : i32 to vector<16xi32>
        tpu.vector_store_idx %arg26[%broadcast_in_dim3A_116], %broadcast_in_dim3A_117 masked %eq3A_1 : memref<128xi32, #tpu.memory_space<vmem>>[vector<16xi32>], vector<16xi32>, vector<16xi1>
        %broadcast_in_dim3A_118 = vector.broadcast %scan3A_75 : i32 to vector<16xi32>
        %broadcast_in_dim3A_119 = vector.broadcast %reduce_max3A_113 : i32 to vector<16xi32>
        tpu.vector_store_idx %arg27[%broadcast_in_dim3A_118], %broadcast_in_dim3A_119 masked %eq3A_1 : memref<128xi32, #tpu.memory_space<vmem>>[vector<16xi32>], vector<16xi32>, vector<16xi1>
        %eq3A_120 = vector.broadcast %reduce_min3A_99 : i32 to vector<16xi32>
        %eq3A_121 = arith.cmpi eq, %iota3A, %eq3A_120 : vector<16xi32>
        %add3A_122 = arith.constant 1 : i32
        %add3A_123 = vector.broadcast %add3A_122 : i32 to vector<16xi32>
        %add3A_124 = arith.addi %scan3A_76, %add3A_123 : vector<16xi32>
        %select_n3A_125 = arith.select %eq3A_121, %add3A_124, %scan3A_76 : vector<16xi1>, vector<16xi32>
        scf.yield %select_n3A_125 : vector<16xi32>
      }
      %scan3A_68 = arith.constant 100 : i32
      %scan3A_69 = arith.constant 0 : i32
      %scan3A_70 = arith.constant 0 : i32
      %scan3A_71 = arith.constant 8 : i32
      %scan3A_72 = arith.addi %scan3A_70, %scan3A_71 : i32
      %scan3A_73 = arith.constant 1 : i32
      scf.for %scan3A_75 = %scan3A_70 to %scan3A_72 step %scan3A_73  : i32 {
        %mul3A = arith.constant 16 : i32
        %mul3A_76 = arith.muli %scan3A_75, %mul3A : i32
        %get3A = arith.index_cast %mul3A_76 : i32 to index
        %get3A_77 = tpu.vector_load %arg25[%get3A] {strides = array<i32>} : memref<128xf32, #tpu.memory_space<vmem>>, vector<16xf32>,
        %gt3A = arith.constant 0xFF800000 : f32
        %gt3A_78 = vector.broadcast %gt3A : f32 to vector<16xf32>
        %gt3A_79 = arith.cmpf ogt, %get3A_77, %gt3A_78 : vector<16xf32>
        %jit3A = arith.constant -1.000000e+00 : f32
        %broadcast_in_dim3A_80 = vector.broadcast %jit3A : f32 to vector<16xf32>
        %select_n3A = arith.select %gt3A_79, %get3A_77, %broadcast_in_dim3A_80 : vector<16xi1>, vector<16xf32>
        %swap3A = arith.index_cast %mul3A_76 : i32 to index
        %swap3A_81 = tpu.vector_load %arg25[%swap3A] {strides = array<i32>} : memref<128xf32, #tpu.memory_space<vmem>>, vector<16xf32>,
        tpu.vector_store %arg25[%swap3A], %select_n3A {strides = array<i32>} : memref<128xf32, #tpu.memory_space<vmem>>, vector<16xf32>,
        %get3A_82 = arith.index_cast %mul3A_76 : i32 to index
        %get3A_83 = tpu.vector_load %arg26[%get3A_82] {strides = array<i32>} : memref<128xi32, #tpu.memory_space<vmem>>, vector<16xi32>,
        %jit3A_84 = arith.constant -1 : i32
        %broadcast_in_dim3A_85 = vector.broadcast %jit3A_84 : i32 to vector<16xi32>
        %select_n3A_86 = arith.select %gt3A_79, %get3A_83, %broadcast_in_dim3A_85 : vector<16xi1>, vector<16xi32>
        %swap3A_87 = arith.index_cast %mul3A_76 : i32 to index
        %swap3A_88 = tpu.vector_load %arg26[%swap3A_87] {strides = array<i32>} : memref<128xi32, #tpu.memory_space<vmem>>, vector<16xi32>,
        tpu.vector_store %arg26[%swap3A_87], %select_n3A_86 {strides = array<i32>} : memref<128xi32, #tpu.memory_space<vmem>>, vector<16xi32>,
        %jit3A_89 = arith.constant 1.000000e+00 : f32
        %jit3A_90 = arith.constant 0.000000e+00 : f32
        %broadcast_in_dim3A_91 = vector.broadcast %jit3A_89 : f32 to vector<16xf32>
        %broadcast_in_dim3A_92 = vector.broadcast %jit3A_90 : f32 to vector<16xf32>
        %select_n3A_93 = arith.select %gt3A_79, %broadcast_in_dim3A_91, %broadcast_in_dim3A_92 : vector<16xi1>, vector<16xf32>
        %swap3A_94 = arith.index_cast %mul3A_76 : i32 to index
        %swap3A_95 = tpu.vector_load %arg28[%swap3A_94] {strides = array<i32>} : memref<128xf32, #tpu.memory_space<vmem>>, vector<16xf32>,
        tpu.vector_store %arg28[%swap3A_94], %select_n3A_93 {strides = array<i32>} : memref<128xf32, #tpu.memory_space<vmem>>, vector<16xf32>,
      }
      %scan3A_74 = arith.constant 8 : i32
      "tpu.region"() ({
        %run_scoped3A = tpu.sem_alloc : memref<!tpu.dma_semaphore, #tpu.memory_space<semaphore_mem>>
        tpu.enqueue_dma source(%arg25 : memref<128xf32, #tpu.memory_space<vmem>>) target(%arg15 : memref<128xf32, #tpu.memory_space<hbm>>) target_semaphore(%run_scoped3A : memref<!tpu.dma_semaphore, #tpu.memory_space<semaphore_mem>>)
        tpu.wait_dma2 semaphore(%run_scoped3A : memref<!tpu.dma_semaphore, #tpu.memory_space<semaphore_mem>>) src(%arg25 : memref<128xf32, #tpu.memory_space<vmem>>) dst(%arg15 : memref<128xf32, #tpu.memory_space<hbm>>)
        tpu.yield
      }) : () -> ()
      "tpu.region"() ({
        %run_scoped3A = tpu.sem_alloc : memref<!tpu.dma_semaphore, #tpu.memory_space<semaphore_mem>>
        tpu.enqueue_dma source(%arg26 : memref<128xi32, #tpu.memory_space<vmem>>) target(%arg16 : memref<128xi32, #tpu.memory_space<hbm>>) target_semaphore(%run_scoped3A : memref<!tpu.dma_semaphore, #tpu.memory_space<semaphore_mem>>)
        tpu.wait_dma2 semaphore(%run_scoped3A : memref<!tpu.dma_semaphore, #tpu.memory_space<semaphore_mem>>) src(%arg26 : memref<128xi32, #tpu.memory_space<vmem>>) dst(%arg16 : memref<128xi32, #tpu.memory_space<hbm>>)
        tpu.yield
      }) : () -> ()
      "tpu.region"() ({
        %run_scoped3A = tpu.sem_alloc : memref<!tpu.dma_semaphore, #tpu.memory_space<semaphore_mem>>
        tpu.enqueue_dma source(%arg27 : memref<128xi32, #tpu.memory_space<vmem>>) target(%arg33 : memref<128xi32, #tpu.memory_space<vmem_shared>>) target_semaphore(%run_scoped3A : memref<!tpu.dma_semaphore, #tpu.memory_space<semaphore_mem>>)
        tpu.wait_dma2 semaphore(%run_scoped3A : memref<!tpu.dma_semaphore, #tpu.memory_space<semaphore_mem>>) src(%arg27 : memref<128xi32, #tpu.memory_space<vmem>>) dst(%arg33 : memref<128xi32, #tpu.memory_space<vmem_shared>>)
        tpu.yield
      }) : () -> ()
      "tpu.region"() ({
        %run_scoped3A = tpu.sem_alloc : memref<!tpu.dma_semaphore, #tpu.memory_space<semaphore_mem>>
        tpu.enqueue_dma source(%arg28 : memref<128xf32, #tpu.memory_space<vmem>>) target(%arg32 : memref<128xf32, #tpu.memory_space<vmem_shared>>) target_semaphore(%run_scoped3A : memref<!tpu.dma_semaphore, #tpu.memory_space<semaphore_mem>>)
        tpu.wait_dma2 semaphore(%run_scoped3A : memref<!tpu.dma_semaphore, #tpu.memory_space<semaphore_mem>>) src(%arg28 : memref<128xf32, #tpu.memory_space<vmem>>) dst(%arg32 : memref<128xf32, #tpu.memory_space<vmem_shared>>)
        tpu.yield
      }) : () -> ()
    } else {
    }
    %barrier3A = arith.constant 0 : index
    tpu.barrier barrier_id(%barrier3A)
    %eq3A_31 = arith.constant 0 : i32
    %eq3A_32 = arith.cmpi eq, %arg0, %eq3A_31 : i32
    %eq3A_33 = arith.constant 1 : i32
    %eq3A_34 = arith.cmpi eq, %arg1, %eq3A_33 : i32
    %and3A_35 = arith.andi %eq3A_32, %eq3A_34 : i1
    %convert_element_type3A_36 = arith.extui %and3A_35 : i1 to i32
    %cond3A_37 = arith.constant 0 : i32
    %cond3A_38 = arith.cmpi ne, %convert_element_type3A_36, %cond3A_37 : i32
    scf.if %cond3A_38 {
      "tpu.region"() ({
        %run_scoped3A = tpu.sem_alloc : memref<!tpu.dma_semaphore, #tpu.memory_space<semaphore_mem>>
        tpu.enqueue_dma source(%arg33 : memref<128xi32, #tpu.memory_space<vmem_shared>>) target(%arg29 : memref<128xi32, #tpu.memory_space<vmem>>) target_semaphore(%run_scoped3A : memref<!tpu.dma_semaphore, #tpu.memory_space<semaphore_mem>>)
        tpu.wait_dma2 semaphore(%run_scoped3A : memref<!tpu.dma_semaphore, #tpu.memory_space<semaphore_mem>>) src(%arg33 : memref<128xi32, #tpu.memory_space<vmem_shared>>) dst(%arg29 : memref<128xi32, #tpu.memory_space<vmem>>)
        tpu.yield
      }) : () -> ()
      "tpu.region"() ({
        %run_scoped3A = tpu.sem_alloc : memref<!tpu.dma_semaphore, #tpu.memory_space<semaphore_mem>>
        tpu.enqueue_dma source(%arg32 : memref<128xf32, #tpu.memory_space<vmem_shared>>) target(%arg30 : memref<128xf32, #tpu.memory_space<vmem>>) target_semaphore(%run_scoped3A : memref<!tpu.dma_semaphore, #tpu.memory_space<semaphore_mem>>)
        tpu.wait_dma2 semaphore(%run_scoped3A : memref<!tpu.dma_semaphore, #tpu.memory_space<semaphore_mem>>) src(%arg32 : memref<128xf32, #tpu.memory_space<vmem_shared>>) dst(%arg30 : memref<128xf32, #tpu.memory_space<vmem>>)
        tpu.yield
      }) : () -> ()
      %scan3A = arith.constant 0 : i32
      %scan3A_55 = arith.constant 0 : i32
      %scan3A_56 = arith.constant 8 : i32
      %scan3A_57 = arith.addi %scan3A_55, %scan3A_56 : i32
      %scan3A_58 = arith.constant 1 : i32
      scf.for %scan3A_78 = %scan3A_55 to %scan3A_57 step %scan3A_58  : i32 {
        %mul3A = arith.constant 16 : i32
        %mul3A_79 = arith.muli %scan3A_78, %mul3A : i32
        %get3A = arith.index_cast %mul3A_79 : i32 to index
        %get3A_80 = tpu.vector_load %arg29[%get3A] {strides = array<i32>} : memref<128xi32, #tpu.memory_space<vmem>>, vector<16xi32>,
        %gather3A = tpu.vector_load_idx %arg19[%get3A_80] : memref<20000xf32, #tpu.memory_space<vmem>>[vector<16xi32>], vector<16xf32>,
        %get3A_81 = arith.index_cast %mul3A_79 : i32 to index
        %get3A_82 = tpu.vector_load %arg30[%get3A_81] {strides = array<i32>} : memref<128xf32, #tpu.memory_space<vmem>>, vector<16xf32>,
        %gt3A = arith.constant 0.000000e+00 : f32
        %gt3A_83 = vector.broadcast %gt3A : f32 to vector<16xf32>
        %gt3A_84 = arith.cmpf ogt, %get3A_82, %gt3A_83 : vector<16xf32>
        %jit3A = arith.constant -1.000000e+00 : f32
        %broadcast_in_dim3A = vector.broadcast %jit3A : f32 to vector<16xf32>
        %select_n3A = arith.select %gt3A_84, %gather3A, %broadcast_in_dim3A : vector<16xi1>, vector<16xf32>
        %add3A = arith.constant 0 : i32
        %add3A_85 = arith.addi %add3A, %mul3A_79 : i32
        %swap3A = arith.index_cast %add3A_85 : i32 to index
        %swap3A_86 = tpu.vector_load %arg31[%swap3A] {strides = array<i32>} : memref<512xf32, #tpu.memory_space<vmem>>, vector<16xf32>,
        tpu.vector_store %arg31[%swap3A], %select_n3A {strides = array<i32>} : memref<512xf32, #tpu.memory_space<vmem>>, vector<16xf32>,
      }
      %scan3A_59 = arith.constant 8 : i32
      %scan3A_60 = arith.constant 0 : i32
      %scan3A_61 = arith.constant 0 : i32
      %scan3A_62 = arith.constant 8 : i32
      %scan3A_63 = arith.addi %scan3A_61, %scan3A_62 : i32
      %scan3A_64 = arith.constant 1 : i32
      scf.for %scan3A_78 = %scan3A_61 to %scan3A_63 step %scan3A_64  : i32 {
        %mul3A = arith.constant 16 : i32
        %mul3A_79 = arith.muli %scan3A_78, %mul3A : i32
        %get3A = arith.index_cast %mul3A_79 : i32 to index
        %get3A_80 = tpu.vector_load %arg29[%get3A] {strides = array<i32>} : memref<128xi32, #tpu.memory_space<vmem>>, vector<16xi32>,
        %gather3A = tpu.vector_load_idx %arg20[%get3A_80] : memref<20000xf32, #tpu.memory_space<vmem>>[vector<16xi32>], vector<16xf32>,
        %get3A_81 = arith.index_cast %mul3A_79 : i32 to index
        %get3A_82 = tpu.vector_load %arg30[%get3A_81] {strides = array<i32>} : memref<128xf32, #tpu.memory_space<vmem>>, vector<16xf32>,
        %gt3A = arith.constant 0.000000e+00 : f32
        %gt3A_83 = vector.broadcast %gt3A : f32 to vector<16xf32>
        %gt3A_84 = arith.cmpf ogt, %get3A_82, %gt3A_83 : vector<16xf32>
        %jit3A = arith.constant -1.000000e+00 : f32
        %broadcast_in_dim3A = vector.broadcast %jit3A : f32 to vector<16xf32>
        %select_n3A = arith.select %gt3A_84, %gather3A, %broadcast_in_dim3A : vector<16xi1>, vector<16xf32>
        %add3A = arith.constant 128 : i32
        %add3A_85 = arith.addi %add3A, %mul3A_79 : i32
        %swap3A = arith.index_cast %add3A_85 : i32 to index
        %swap3A_86 = tpu.vector_load %arg31[%swap3A] {strides = array<i32>} : memref<512xf32, #tpu.memory_space<vmem>>, vector<16xf32>,
        tpu.vector_store %arg31[%swap3A], %select_n3A {strides = array<i32>} : memref<512xf32, #tpu.memory_space<vmem>>, vector<16xf32>,
      }
      %scan3A_65 = arith.constant 8 : i32
      %scan3A_66 = arith.constant 0 : i32
      %scan3A_67 = arith.constant 0 : i32
      %scan3A_68 = arith.constant 8 : i32
      %scan3A_69 = arith.addi %scan3A_67, %scan3A_68 : i32
      %scan3A_70 = arith.constant 1 : i32
      scf.for %scan3A_78 = %scan3A_67 to %scan3A_69 step %scan3A_70  : i32 {
        %mul3A = arith.constant 16 : i32
        %mul3A_79 = arith.muli %scan3A_78, %mul3A : i32
        %get3A = arith.index_cast %mul3A_79 : i32 to index
        %get3A_80 = tpu.vector_load %arg29[%get3A] {strides = array<i32>} : memref<128xi32, #tpu.memory_space<vmem>>, vector<16xi32>,
        %gather3A = tpu.vector_load_idx %arg21[%get3A_80] : memref<20000xf32, #tpu.memory_space<vmem>>[vector<16xi32>], vector<16xf32>,
        %get3A_81 = arith.index_cast %mul3A_79 : i32 to index
        %get3A_82 = tpu.vector_load %arg30[%get3A_81] {strides = array<i32>} : memref<128xf32, #tpu.memory_space<vmem>>, vector<16xf32>,
        %gt3A = arith.constant 0.000000e+00 : f32
        %gt3A_83 = vector.broadcast %gt3A : f32 to vector<16xf32>
        %gt3A_84 = arith.cmpf ogt, %get3A_82, %gt3A_83 : vector<16xf32>
        %jit3A = arith.constant -1.000000e+00 : f32
        %broadcast_in_dim3A = vector.broadcast %jit3A : f32 to vector<16xf32>
        %select_n3A = arith.select %gt3A_84, %gather3A, %broadcast_in_dim3A : vector<16xi1>, vector<16xf32>
        %add3A = arith.constant 256 : i32
        %add3A_85 = arith.addi %add3A, %mul3A_79 : i32
        %swap3A = arith.index_cast %add3A_85 : i32 to index
        %swap3A_86 = tpu.vector_load %arg31[%swap3A] {strides = array<i32>} : memref<512xf32, #tpu.memory_space<vmem>>, vector<16xf32>,
        tpu.vector_store %arg31[%swap3A], %select_n3A {strides = array<i32>} : memref<512xf32, #tpu.memory_space<vmem>>, vector<16xf32>,
      }
      %scan3A_71 = arith.constant 8 : i32
      %scan3A_72 = arith.constant 0 : i32
      %scan3A_73 = arith.constant 0 : i32
      %scan3A_74 = arith.constant 8 : i32
      %scan3A_75 = arith.addi %scan3A_73, %scan3A_74 : i32
      %scan3A_76 = arith.constant 1 : i32
      scf.for %scan3A_78 = %scan3A_73 to %scan3A_75 step %scan3A_76  : i32 {
        %mul3A = arith.constant 16 : i32
        %mul3A_79 = arith.muli %scan3A_78, %mul3A : i32
        %get3A = arith.index_cast %mul3A_79 : i32 to index
        %get3A_80 = tpu.vector_load %arg29[%get3A] {strides = array<i32>} : memref<128xi32, #tpu.memory_space<vmem>>, vector<16xi32>,
        %gather3A = tpu.vector_load_idx %arg22[%get3A_80] : memref<20000xf32, #tpu.memory_space<vmem>>[vector<16xi32>], vector<16xf32>,
        %get3A_81 = arith.index_cast %mul3A_79 : i32 to index
        %get3A_82 = tpu.vector_load %arg30[%get3A_81] {strides = array<i32>} : memref<128xf32, #tpu.memory_space<vmem>>, vector<16xf32>,
        %gt3A = arith.constant 0.000000e+00 : f32
        %gt3A_83 = vector.broadcast %gt3A : f32 to vector<16xf32>
        %gt3A_84 = arith.cmpf ogt, %get3A_82, %gt3A_83 : vector<16xf32>
        %jit3A = arith.constant -1.000000e+00 : f32
        %broadcast_in_dim3A = vector.broadcast %jit3A : f32 to vector<16xf32>
        %select_n3A = arith.select %gt3A_84, %gather3A, %broadcast_in_dim3A : vector<16xi1>, vector<16xf32>
        %add3A = arith.constant 384 : i32
        %add3A_85 = arith.addi %add3A, %mul3A_79 : i32
        %swap3A = arith.index_cast %add3A_85 : i32 to index
        %swap3A_86 = tpu.vector_load %arg31[%swap3A] {strides = array<i32>} : memref<512xf32, #tpu.memory_space<vmem>>, vector<16xf32>,
        tpu.vector_store %arg31[%swap3A], %select_n3A {strides = array<i32>} : memref<512xf32, #tpu.memory_space<vmem>>, vector<16xf32>,
      }
      %scan3A_77 = arith.constant 8 : i32
      "tpu.region"() ({
        %run_scoped3A = tpu.sem_alloc : memref<!tpu.dma_semaphore, #tpu.memory_space<semaphore_mem>>
        %dma_start3A = arith.constant 0 : i32
        %dma_start3A_78 = tpu.memref_slice %arg31[%dma_start3A] : memref<512xf32, #tpu.memory_space<vmem>> -> memref<512xf32, #tpu.memory_space<vmem>>
        %dma_start3A_79 = arith.constant 0 : i32
        %dma_start3A_80 = tpu.memref_slice %arg31[%dma_start3A_79] : memref<512xf32, #tpu.memory_space<vmem>> -> memref<512xf32, #tpu.memory_space<vmem>>
        tpu.enqueue_dma source(%dma_start3A_80 : memref<512xf32, #tpu.memory_space<vmem>>) target(%arg14 : memref<512xf32, #tpu.memory_space<hbm>>) target_semaphore(%run_scoped3A : memref<!tpu.dma_semaphore, #tpu.memory_space<semaphore_mem>>)
        %dma_wait3A = arith.constant 0 : i32
        %dma_wait3A_81 = tpu.memref_slice %arg31[%dma_wait3A] : memref<512xf32, #tpu.memory_space<vmem>> -> memref<512xf32, #tpu.memory_space<vmem>>
        %dma_wait3A_82 = arith.constant 0 : i32
        %dma_wait3A_83 = tpu.memref_slice %arg31[%dma_wait3A_82] : memref<512xf32, #tpu.memory_space<vmem>> -> memref<512xf32, #tpu.memory_space<vmem>>
        tpu.wait_dma2 semaphore(%run_scoped3A : memref<!tpu.dma_semaphore, #tpu.memory_space<semaphore_mem>>) src(%dma_wait3A_83 : memref<512xf32, #tpu.memory_space<vmem>>) dst(%arg14 : memref<512xf32, #tpu.memory_space<hbm>>)
        tpu.yield
      }) : () -> ()
    } else {
    }
    %eq3A_39 = arith.constant 0 : i32
    %eq3A_40 = arith.cmpi eq, %arg0, %eq3A_39 : i32
    %eq3A_41 = arith.constant 2 : i32
    %eq3A_42 = arith.cmpi eq, %arg1, %eq3A_41 : i32
    %and3A_43 = arith.andi %eq3A_40, %eq3A_42 : i1
    %convert_element_type3A_44 = arith.extui %and3A_43 : i1 to i32
    %cond3A_45 = arith.constant 0 : i32
    %cond3A_46 = arith.cmpi ne, %convert_element_type3A_44, %cond3A_45 : i32
    scf.if %cond3A_46 {
      "tpu.region"() ({
        %run_scoped3A = tpu.sem_alloc : memref<!tpu.dma_semaphore, #tpu.memory_space<semaphore_mem>>
        tpu.enqueue_dma source(%arg33 : memref<128xi32, #tpu.memory_space<vmem_shared>>) target(%arg29 : memref<128xi32, #tpu.memory_space<vmem>>) target_semaphore(%run_scoped3A : memref<!tpu.dma_semaphore, #tpu.memory_space<semaphore_mem>>)
        tpu.wait_dma2 semaphore(%run_scoped3A : memref<!tpu.dma_semaphore, #tpu.memory_space<semaphore_mem>>) src(%arg33 : memref<128xi32, #tpu.memory_space<vmem_shared>>) dst(%arg29 : memref<128xi32, #tpu.memory_space<vmem>>)
        tpu.yield
      }) : () -> ()
      "tpu.region"() ({
        %run_scoped3A = tpu.sem_alloc : memref<!tpu.dma_semaphore, #tpu.memory_space<semaphore_mem>>
        tpu.enqueue_dma source(%arg32 : memref<128xf32, #tpu.memory_space<vmem_shared>>) target(%arg30 : memref<128xf32, #tpu.memory_space<vmem>>) target_semaphore(%run_scoped3A : memref<!tpu.dma_semaphore, #tpu.memory_space<semaphore_mem>>)
        tpu.wait_dma2 semaphore(%run_scoped3A : memref<!tpu.dma_semaphore, #tpu.memory_space<semaphore_mem>>) src(%arg32 : memref<128xf32, #tpu.memory_space<vmem_shared>>) dst(%arg30 : memref<128xf32, #tpu.memory_space<vmem>>)
        tpu.yield
      }) : () -> ()
      %scan3A = arith.constant 0 : i32
      %scan3A_55 = arith.constant 0 : i32
      %scan3A_56 = arith.constant 8 : i32
      %scan3A_57 = arith.addi %scan3A_55, %scan3A_56 : i32
      %scan3A_58 = arith.constant 1 : i32
      scf.for %scan3A_72 = %scan3A_55 to %scan3A_57 step %scan3A_58  : i32 {
        %mul3A = arith.constant 16 : i32
        %mul3A_73 = arith.muli %scan3A_72, %mul3A : i32
        %get3A = arith.index_cast %mul3A_73 : i32 to index
        %get3A_74 = tpu.vector_load %arg29[%get3A] {strides = array<i32>} : memref<128xi32, #tpu.memory_space<vmem>>, vector<16xi32>,
        %gather3A = tpu.vector_load_idx %arg19[%get3A_74] : memref<20000xf32, #tpu.memory_space<vmem>>[vector<16xi32>], vector<16xf32>,
        %get3A_75 = arith.index_cast %mul3A_73 : i32 to index
        %get3A_76 = tpu.vector_load %arg30[%get3A_75] {strides = array<i32>} : memref<128xf32, #tpu.memory_space<vmem>>, vector<16xf32>,
        %gt3A = arith.constant 0.000000e+00 : f32
        %gt3A_77 = vector.broadcast %gt3A : f32 to vector<16xf32>
        %gt3A_78 = arith.cmpf ogt, %get3A_76, %gt3A_77 : vector<16xf32>
        %jit3A = arith.constant -1.000000e+00 : f32
        %broadcast_in_dim3A = vector.broadcast %jit3A : f32 to vector<16xf32>
        %select_n3A = arith.select %gt3A_78, %gather3A, %broadcast_in_dim3A : vector<16xi1>, vector<16xf32>
        %add3A = arith.constant 0 : i32
        %add3A_79 = arith.addi %add3A, %mul3A_73 : i32
        %swap3A = arith.index_cast %add3A_79 : i32 to index
        %swap3A_80 = tpu.vector_load %arg31[%swap3A] {strides = array<i32>} : memref<512xf32, #tpu.memory_space<vmem>>, vector<16xf32>,
        tpu.vector_store %arg31[%swap3A], %select_n3A {strides = array<i32>} : memref<512xf32, #tpu.memory_space<vmem>>, vector<16xf32>,
      }
      %scan3A_59 = arith.constant 8 : i32
      %scan3A_60 = arith.constant 0 : i32
      %scan3A_61 = arith.constant 0 : i32
      %scan3A_62 = arith.constant 8 : i32
      %scan3A_63 = arith.addi %scan3A_61, %scan3A_62 : i32
      %scan3A_64 = arith.constant 1 : i32
      scf.for %scan3A_72 = %scan3A_61 to %scan3A_63 step %scan3A_64  : i32 {
        %mul3A = arith.constant 16 : i32
        %mul3A_73 = arith.muli %scan3A_72, %mul3A : i32
        %get3A = arith.index_cast %mul3A_73 : i32 to index
        %get3A_74 = tpu.vector_load %arg29[%get3A] {strides = array<i32>} : memref<128xi32, #tpu.memory_space<vmem>>, vector<16xi32>,
        %gather3A = tpu.vector_load_idx %arg20[%get3A_74] : memref<20000xf32, #tpu.memory_space<vmem>>[vector<16xi32>], vector<16xf32>,
        %get3A_75 = arith.index_cast %mul3A_73 : i32 to index
        %get3A_76 = tpu.vector_load %arg30[%get3A_75] {strides = array<i32>} : memref<128xf32, #tpu.memory_space<vmem>>, vector<16xf32>,
        %gt3A = arith.constant 0.000000e+00 : f32
        %gt3A_77 = vector.broadcast %gt3A : f32 to vector<16xf32>
        %gt3A_78 = arith.cmpf ogt, %get3A_76, %gt3A_77 : vector<16xf32>
        %jit3A = arith.constant -1.000000e+00 : f32
        %broadcast_in_dim3A = vector.broadcast %jit3A : f32 to vector<16xf32>
        %select_n3A = arith.select %gt3A_78, %gather3A, %broadcast_in_dim3A : vector<16xi1>, vector<16xf32>
        %add3A = arith.constant 128 : i32
        %add3A_79 = arith.addi %add3A, %mul3A_73 : i32
        %swap3A = arith.index_cast %add3A_79 : i32 to index
        %swap3A_80 = tpu.vector_load %arg31[%swap3A] {strides = array<i32>} : memref<512xf32, #tpu.memory_space<vmem>>, vector<16xf32>,
        tpu.vector_store %arg31[%swap3A], %select_n3A {strides = array<i32>} : memref<512xf32, #tpu.memory_space<vmem>>, vector<16xf32>,
      }
      %scan3A_65 = arith.constant 8 : i32
      %scan3A_66 = arith.constant 0 : i32
      %scan3A_67 = arith.constant 0 : i32
      %scan3A_68 = arith.constant 8 : i32
      %scan3A_69 = arith.addi %scan3A_67, %scan3A_68 : i32
      %scan3A_70 = arith.constant 1 : i32
      scf.for %scan3A_72 = %scan3A_67 to %scan3A_69 step %scan3A_70  : i32 {
        %mul3A = arith.constant 16 : i32
        %mul3A_73 = arith.muli %scan3A_72, %mul3A : i32
        %get3A = arith.index_cast %mul3A_73 : i32 to index
        %get3A_74 = tpu.vector_load %arg29[%get3A] {strides = array<i32>} : memref<128xi32, #tpu.memory_space<vmem>>, vector<16xi32>,
        %gather3A = tpu.vector_load_idx %arg21[%get3A_74] : memref<20000xf32, #tpu.memory_space<vmem>>[vector<16xi32>], vector<16xf32>,
        %get3A_75 = arith.index_cast %mul3A_73 : i32 to index
        %get3A_76 = tpu.vector_load %arg30[%get3A_75] {strides = array<i32>} : memref<128xf32, #tpu.memory_space<vmem>>, vector<16xf32>,
        %gt3A = arith.constant 0.000000e+00 : f32
        %gt3A_77 = vector.broadcast %gt3A : f32 to vector<16xf32>
        %gt3A_78 = arith.cmpf ogt, %get3A_76, %gt3A_77 : vector<16xf32>
        %jit3A = arith.constant -1.000000e+00 : f32
        %broadcast_in_dim3A = vector.broadcast %jit3A : f32 to vector<16xf32>
        %select_n3A = arith.select %gt3A_78, %gather3A, %broadcast_in_dim3A : vector<16xi1>, vector<16xf32>
        %add3A = arith.constant 256 : i32
        %add3A_79 = arith.addi %add3A, %mul3A_73 : i32
        %swap3A = arith.index_cast %add3A_79 : i32 to index
        %swap3A_80 = tpu.vector_load %arg31[%swap3A] {strides = array<i32>} : memref<512xf32, #tpu.memory_space<vmem>>, vector<16xf32>,
        tpu.vector_store %arg31[%swap3A], %select_n3A {strides = array<i32>} : memref<512xf32, #tpu.memory_space<vmem>>, vector<16xf32>,
      }
      %scan3A_71 = arith.constant 8 : i32
      "tpu.region"() ({
        %run_scoped3A = tpu.sem_alloc : memref<!tpu.dma_semaphore, #tpu.memory_space<semaphore_mem>>
        %dma_start3A = arith.constant 0 : i32
        %dma_start3A_72 = tpu.memref_slice %arg31[%dma_start3A] : memref<512xf32, #tpu.memory_space<vmem>> -> memref<384xf32, #tpu.memory_space<vmem>>
        %dma_start3A_73 = arith.constant 0 : i32
        %dma_start3A_74 = tpu.memref_slice %arg31[%dma_start3A_73] : memref<512xf32, #tpu.memory_space<vmem>> -> memref<384xf32, #tpu.memory_space<vmem>>
        tpu.enqueue_dma source(%dma_start3A_74 : memref<384xf32, #tpu.memory_space<vmem>>) target(%arg18 : memref<384xf32, #tpu.memory_space<hbm>>) target_semaphore(%run_scoped3A : memref<!tpu.dma_semaphore, #tpu.memory_space<semaphore_mem>>)
        %dma_wait3A = arith.constant 0 : i32
        %dma_wait3A_75 = tpu.memref_slice %arg31[%dma_wait3A] : memref<512xf32, #tpu.memory_space<vmem>> -> memref<384xf32, #tpu.memory_space<vmem>>
        %dma_wait3A_76 = arith.constant 0 : i32
        %dma_wait3A_77 = tpu.memref_slice %arg31[%dma_wait3A_76] : memref<512xf32, #tpu.memory_space<vmem>> -> memref<384xf32, #tpu.memory_space<vmem>>
        tpu.wait_dma2 semaphore(%run_scoped3A : memref<!tpu.dma_semaphore, #tpu.memory_space<semaphore_mem>>) src(%dma_wait3A_77 : memref<384xf32, #tpu.memory_space<vmem>>) dst(%arg18 : memref<384xf32, #tpu.memory_space<hbm>>)
        tpu.yield
      }) : () -> ()
    } else {
    }
    %eq3A_47 = arith.constant 0 : i32
    %eq3A_48 = arith.cmpi eq, %arg0, %eq3A_47 : i32
    %eq3A_49 = arith.constant 3 : i32
    %eq3A_50 = arith.cmpi eq, %arg1, %eq3A_49 : i32
    %and3A_51 = arith.andi %eq3A_48, %eq3A_50 : i1
    %convert_element_type3A_52 = arith.extui %and3A_51 : i1 to i32
    %cond3A_53 = arith.constant 0 : i32
    %cond3A_54 = arith.cmpi ne, %convert_element_type3A_52, %cond3A_53 : i32
    scf.if %cond3A_54 {
      "tpu.region"() ({
        %run_scoped3A = tpu.sem_alloc : memref<!tpu.dma_semaphore, #tpu.memory_space<semaphore_mem>>
        tpu.enqueue_dma source(%arg33 : memref<128xi32, #tpu.memory_space<vmem_shared>>) target(%arg29 : memref<128xi32, #tpu.memory_space<vmem>>) target_semaphore(%run_scoped3A : memref<!tpu.dma_semaphore, #tpu.memory_space<semaphore_mem>>)
        tpu.wait_dma2 semaphore(%run_scoped3A : memref<!tpu.dma_semaphore, #tpu.memory_space<semaphore_mem>>) src(%arg33 : memref<128xi32, #tpu.memory_space<vmem_shared>>) dst(%arg29 : memref<128xi32, #tpu.memory_space<vmem>>)
        tpu.yield
      }) : () -> ()
      "tpu.region"() ({
        %run_scoped3A = tpu.sem_alloc : memref<!tpu.dma_semaphore, #tpu.memory_space<semaphore_mem>>
        tpu.enqueue_dma source(%arg32 : memref<128xf32, #tpu.memory_space<vmem_shared>>) target(%arg30 : memref<128xf32, #tpu.memory_space<vmem>>) target_semaphore(%run_scoped3A : memref<!tpu.dma_semaphore, #tpu.memory_space<semaphore_mem>>)
        tpu.wait_dma2 semaphore(%run_scoped3A : memref<!tpu.dma_semaphore, #tpu.memory_space<semaphore_mem>>) src(%arg32 : memref<128xf32, #tpu.memory_space<vmem_shared>>) dst(%arg30 : memref<128xf32, #tpu.memory_space<vmem>>)
        tpu.yield
      }) : () -> ()
      %scan3A = arith.constant 0 : i32
      %scan3A_55 = arith.constant 0 : i32
      %scan3A_56 = arith.constant 8 : i32
      %scan3A_57 = arith.addi %scan3A_55, %scan3A_56 : i32
      %scan3A_58 = arith.constant 1 : i32
      scf.for %scan3A_72 = %scan3A_55 to %scan3A_57 step %scan3A_58  : i32 {
        %mul3A = arith.constant 16 : i32
        %mul3A_73 = arith.muli %scan3A_72, %mul3A : i32
        %get3A = arith.index_cast %mul3A_73 : i32 to index
        %get3A_74 = tpu.vector_load %arg29[%get3A] {strides = array<i32>} : memref<128xi32, #tpu.memory_space<vmem>>, vector<16xi32>,
        %gather3A = tpu.vector_load_idx %arg19[%get3A_74] : memref<20000xf32, #tpu.memory_space<vmem>>[vector<16xi32>], vector<16xf32>,
        %get3A_75 = arith.index_cast %mul3A_73 : i32 to index
        %get3A_76 = tpu.vector_load %arg30[%get3A_75] {strides = array<i32>} : memref<128xf32, #tpu.memory_space<vmem>>, vector<16xf32>,
        %gt3A = arith.constant 0.000000e+00 : f32
        %gt3A_77 = vector.broadcast %gt3A : f32 to vector<16xf32>
        %gt3A_78 = arith.cmpf ogt, %get3A_76, %gt3A_77 : vector<16xf32>
        %jit3A = arith.constant -1.000000e+00 : f32
        %broadcast_in_dim3A = vector.broadcast %jit3A : f32 to vector<16xf32>
        %select_n3A = arith.select %gt3A_78, %gather3A, %broadcast_in_dim3A : vector<16xi1>, vector<16xf32>
        %add3A = arith.constant 0 : i32
        %add3A_79 = arith.addi %add3A, %mul3A_73 : i32
        %swap3A = arith.index_cast %add3A_79 : i32 to index
        %swap3A_80 = tpu.vector_load %arg31[%swap3A] {strides = array<i32>} : memref<512xf32, #tpu.memory_space<vmem>>, vector<16xf32>,
        tpu.vector_store %arg31[%swap3A], %select_n3A {strides = array<i32>} : memref<512xf32, #tpu.memory_space<vmem>>, vector<16xf32>,
      }
      %scan3A_59 = arith.constant 8 : i32
      %scan3A_60 = arith.constant 0 : i32
      %scan3A_61 = arith.constant 0 : i32
      %scan3A_62 = arith.constant 8 : i32
      %scan3A_63 = arith.addi %scan3A_61, %scan3A_62 : i32
      %scan3A_64 = arith.constant 1 : i32
      scf.for %scan3A_72 = %scan3A_61 to %scan3A_63 step %scan3A_64  : i32 {
        %mul3A = arith.constant 16 : i32
        %mul3A_73 = arith.muli %scan3A_72, %mul3A : i32
        %get3A = arith.index_cast %mul3A_73 : i32 to index
        %get3A_74 = tpu.vector_load %arg29[%get3A] {strides = array<i32>} : memref<128xi32, #tpu.memory_space<vmem>>, vector<16xi32>,
        %gather3A = tpu.vector_load_idx %arg20[%get3A_74] : memref<20000xf32, #tpu.memory_space<vmem>>[vector<16xi32>], vector<16xf32>,
        %get3A_75 = arith.index_cast %mul3A_73 : i32 to index
        %get3A_76 = tpu.vector_load %arg30[%get3A_75] {strides = array<i32>} : memref<128xf32, #tpu.memory_space<vmem>>, vector<16xf32>,
        %gt3A = arith.constant 0.000000e+00 : f32
        %gt3A_77 = vector.broadcast %gt3A : f32 to vector<16xf32>
        %gt3A_78 = arith.cmpf ogt, %get3A_76, %gt3A_77 : vector<16xf32>
        %jit3A = arith.constant -1.000000e+00 : f32
        %broadcast_in_dim3A = vector.broadcast %jit3A : f32 to vector<16xf32>
        %select_n3A = arith.select %gt3A_78, %gather3A, %broadcast_in_dim3A : vector<16xi1>, vector<16xf32>
        %add3A = arith.constant 128 : i32
        %add3A_79 = arith.addi %add3A, %mul3A_73 : i32
        %swap3A = arith.index_cast %add3A_79 : i32 to index
        %swap3A_80 = tpu.vector_load %arg31[%swap3A] {strides = array<i32>} : memref<512xf32, #tpu.memory_space<vmem>>, vector<16xf32>,
        tpu.vector_store %arg31[%swap3A], %select_n3A {strides = array<i32>} : memref<512xf32, #tpu.memory_space<vmem>>, vector<16xf32>,
      }
      %scan3A_65 = arith.constant 8 : i32
      %scan3A_66 = arith.constant 0 : i32
      %scan3A_67 = arith.constant 0 : i32
      %scan3A_68 = arith.constant 8 : i32
      %scan3A_69 = arith.addi %scan3A_67, %scan3A_68 : i32
      %scan3A_70 = arith.constant 1 : i32
      scf.for %scan3A_72 = %scan3A_67 to %scan3A_69 step %scan3A_70  : i32 {
        %mul3A = arith.constant 16 : i32
        %mul3A_73 = arith.muli %scan3A_72, %mul3A : i32
        %get3A = arith.index_cast %mul3A_73 : i32 to index
        %get3A_74 = tpu.vector_load %arg29[%get3A] {strides = array<i32>} : memref<128xi32, #tpu.memory_space<vmem>>, vector<16xi32>,
        %gather3A = tpu.vector_load_idx %arg21[%get3A_74] : memref<20000xf32, #tpu.memory_space<vmem>>[vector<16xi32>], vector<16xf32>,
        %get3A_75 = arith.index_cast %mul3A_73 : i32 to index
        %get3A_76 = tpu.vector_load %arg30[%get3A_75] {strides = array<i32>} : memref<128xf32, #tpu.memory_space<vmem>>, vector<16xf32>,
        %gt3A = arith.constant 0.000000e+00 : f32
        %gt3A_77 = vector.broadcast %gt3A : f32 to vector<16xf32>
        %gt3A_78 = arith.cmpf ogt, %get3A_76, %gt3A_77 : vector<16xf32>
        %jit3A = arith.constant -1.000000e+00 : f32
        %broadcast_in_dim3A = vector.broadcast %jit3A : f32 to vector<16xf32>
        %select_n3A = arith.select %gt3A_78, %gather3A, %broadcast_in_dim3A : vector<16xi1>, vector<16xf32>
        %add3A = arith.constant 256 : i32
        %add3A_79 = arith.addi %add3A, %mul3A_73 : i32
        %swap3A = arith.index_cast %add3A_79 : i32 to index
        %swap3A_80 = tpu.vector_load %arg31[%swap3A] {strides = array<i32>} : memref<512xf32, #tpu.memory_space<vmem>>, vector<16xf32>,
        tpu.vector_store %arg31[%swap3A], %select_n3A {strides = array<i32>} : memref<512xf32, #tpu.memory_space<vmem>>, vector<16xf32>,
      }
      %scan3A_71 = arith.constant 8 : i32
      "tpu.region"() ({
        %run_scoped3A = tpu.sem_alloc : memref<!tpu.dma_semaphore, #tpu.memory_space<semaphore_mem>>
        %dma_start3A = arith.constant 0 : i32
        %dma_start3A_72 = tpu.memref_slice %arg31[%dma_start3A] : memref<512xf32, #tpu.memory_space<vmem>> -> memref<384xf32, #tpu.memory_space<vmem>>
        %dma_start3A_73 = arith.constant 0 : i32
        %dma_start3A_74 = tpu.memref_slice %arg31[%dma_start3A_73] : memref<512xf32, #tpu.memory_space<vmem>> -> memref<384xf32, #tpu.memory_space<vmem>>
        tpu.enqueue_dma source(%dma_start3A_74 : memref<384xf32, #tpu.memory_space<vmem>>) target(%arg17 : memref<384xf32, #tpu.memory_space<hbm>>) target_semaphore(%run_scoped3A : memref<!tpu.dma_semaphore, #tpu.memory_space<semaphore_mem>>)
        %dma_wait3A = arith.constant 0 : i32
        %dma_wait3A_75 = tpu.memref_slice %arg31[%dma_wait3A] : memref<512xf32, #tpu.memory_space<vmem>> -> memref<384xf32, #tpu.memory_space<vmem>>
        %dma_wait3A_76 = arith.constant 0 : i32
        %dma_wait3A_77 = tpu.memref_slice %arg31[%dma_wait3A_76] : memref<512xf32, #tpu.memory_space<vmem>> -> memref<384xf32, #tpu.memory_space<vmem>>
        tpu.wait_dma2 semaphore(%run_scoped3A : memref<!tpu.dma_semaphore, #tpu.memory_space<semaphore_mem>>) src(%dma_wait3A_77 : memref<384xf32, #tpu.memory_space<vmem>>) dst(%arg17 : memref<384xf32, #tpu.memory_space<hbm>>)
        tpu.yield
      }) : () -> ()
    } else {
    }
    return
  }
}

</mosaic_0001>

<sc_bundles>
// kernel: _sc_filter.4.cloned.1.call-start
scs
__scs_entry_jumppad:
0x0: {  	(pc) =	sbr.rel $0x88, $3  }
0x1: {  	(tag) =	ssettag $0x0;
	lr =	simm.s32 $0x1  }
0x2: {  	[smem:$0x3F92] =	sst lr;
	_ =	strace $0xD0000000  }
0x3: {  	_ = 	snop  }
0x4: {  	_ = 	snop  }
0x5: {  	_ = 	snop  }
0x6: {  	_ = 	snop  }
0x7: {  	_ = 	snop  }
__scs_overlays_trampoline_lowered:
0x8: {  	[smem:$0x3FA1] =	sst s0  }
0x9: {  	[smem:$0x3FA2] =	sst s1  }
0xa: {  	[smem:$0x3FA3] =	sst s2  }
0xb: {  	[smem:$0x3FA4] =	sst s3  }
0xc: {  	[smem:$0x3FA5] =	sst s4  }
0xd: {  	[smem:$0x3FA6] =	sst s5  }
0xe: {  	[smem:$0x3FA7] =	sst s6  }
0xf: {  	[smem:$0x3FA8] =	sst s7  }
0x10: {  	[smem:$0x3FA9] =	sst s8  }
0x11: {  	[smem:$0x3FAA] =	sst s9;
	s0 =	simm.s32 @!p0 $0x0  }
0x12: {  	s1 =	sld [smem:$0x3F90];
	s0 =	simm.s32 @p0 $0x1  }
0x13: {  	[smem:$0x3FAB] =	sst s0;
	s0 =	simm.s32 @!p1 $0x0  }
0x14: {  	s2 =	sld [smem:$0x3F8F];
	s0 =	simm.s32 @p1 $0x1  }
0x15: {  	[smem:$0x3FAC] =	sst s0;
	s0 =	simm.s32 @!p2 $0x0  }
0x16: {  	s3 =	sld [smem:$0x3FDB];
	s0 =	simm.s32 @p2 $0x1  }
0x17: {  	s4 =	simm.s32 $0x1BF5;
	[smem:$0x3FAE] =	sst s0  }
0x18: {  	s0 =	sld [smem:$0x3F91];
	_ =	swait.ge [sflag:s4], $0x0  }
0x19: {  	s7 =	sld [smem:$0x3F92]  }
0x1a: {  	s8 =	sadd.s32 $0xFFFFE003, lr  }
0x1b: {  	s9 =	sadd.s32 $0xFFFFFEF7, lr;
	s5 =	simm.s32 $0xFFFFFFFF;
	p2 =	slt.u32 s8, $0xFFFFF086  }
0x1c: {  	p1 =	slt.u32 s9, $0xF7A;
	s5 =	simm.s32 @!p2 $0x0  }
0x1d: {  	s5 =	simm.s32 @p1 $0x1;
	p0 =	seq.s32 s7, s2  }
0x1e: {  	s7 =	smul.u32 @!p0 $0xF7A, s2;
	p2 =	seq.s32 @!p0 s5, $0x0  }
0x1f: {  	s9 =	smul.u32 $0xF7A, s1;
	s8 =	simm.s32 @!p0 $0x1BF5;
	p2 =	por !p2, p0  }
0x20: {  	[sflag:s8] =	ssyncset.s32 @!p0 $0xFFFFF086;
	s6 =	sadd.s32 @!p0 s3, s7;
	s7 =	simm.s32 @!p0 $0x108  }
0x21: {  	s3 =	sadd.s32 s3, s9;
	s6 =	sadd.s32 @!p0 $0x88, s6;
	s7 =	simm.s32 @p2 $0x1082  }
0x22: {  	[simem:s7], [sflag:s8] =	dma.local @!p0 [hbm:s6], $0xF7A  }
0x23: {  	s9 =	sor.u32 $0xD0000000, s2;
	s6 =	simm.s32 $0x108;
	_ =	swait.ge @!p0 [sflag:s8], $0x0  }
0x24: {  	s3 =	sadd.s32 $0x88, s3;
	s6 =	simm.s32 @!p1 $0x1082;
	[sflag:s4] =	ssyncset.s32 $0xFFFFF086  }
0x25: {  	[simem:s6], [sflag:s4] =	dma.local [hbm:s3], $0xF7A  }
0x26: {  	[smem:$0x3F92] =	sst s1;
	(tag) =	ssettag s2;
	_ =	strace s9  }
0x27: {  	s1 =	sld [smem:$0x3FA2]  }
0x28: {  	s2 =	sld [smem:$0x3FA3]  }
0x29: {  	s4 =	sld [smem:$0x3FA5]  }
0x2a: {  	p0 =	seq.s32 s5, $0x0;
	s5 =	sld [smem:$0x3FA6]  }
0x2b: {  	s6 =	sld [smem:$0x3FA7]  }
0x2c: {  	s7 =	sld [smem:$0x3FA8]  }
0x2d: {  	s3 =	simm.s32 $0x108;
	s8 =	sld [smem:$0x3FA9]  }
0x2e: {  	s3 =	simm.s32 @!p0 $0x1082;
	s9 =	sld [smem:$0x3FAA]  }
0x2f: {  	lr =	sadd.s32 s0, s3;
	s0 =	sld [smem:$0x3FA1]  }
0x30: {  	s3 =	sld [smem:$0x3FA4]  }
0x31: {  	[smem:$0x3FAD] =	sst s10  }
0x32: {  	s10 =	sld [smem:$0x3FAB];
	_ =	sdelay $0x3  }
0x33: {  	p0 =	seq.s32 s10, $0x1;
	s10 =	sld [smem:$0x3FAD];
	_ =	sdelay $0x3  }
0x34: {  	[smem:$0x3FAD] =	sst s10  }
0x35: {  	s10 =	sld [smem:$0x3FAC];
	_ =	sdelay $0x3  }
0x36: {  	p1 =	seq.s32 s10, $0x1;
	s10 =	sld [smem:$0x3FAD];
	_ =	sdelay $0x3  }
0x37: {  	[smem:$0x3FAD] =	sst s10  }
0x38: {  	s10 =	sld [smem:$0x3FAE]  }
0x39: {  	_ = 	snop;
	(pc) =	sbr.ind lr, $3  }
0x3a: {  	_ = 	snop  }
0x3b: {  	_ = 	snop  }
0x3c: {  	p2 =	seq.s32 s10, $0x1;
	s10 =	sld [smem:$0x3FAD]  }
0x3d: {  	_ =	shalt  }
0x3e: {  	_ =	shalt  }
0x3f: {  	_ =	shalt  }
0x40: {  	_ =	shalt  }
0x41: {  	_ =	shalt  }
0x42: {  	_ =	shalt  }
0x43: {  	_ =	shalt  }
0x44: {  	_ =	shalt  }
0x45: {  	_ =	shalt  }
0x46: {  	_ =	shalt  }
0x47: {  	_ =	shalt  }
0x48: {  	_ =	shalt  }
0x49: {  	_ =	shalt  }
0x4a: {  	_ =	shalt  }
0x4b: {  	_ =	shalt  }
0x4c: {  	_ =	shalt  }
0x4d: {  	_ =	shalt  }
0x4e: {  	_ =	shalt  }
0x4f: {  	_ =	shalt  }
0x50: {  	_ =	shalt  }
0x51: {  	_ =	shalt  }
0x52: {  	_ =	shalt  }
0x53: {  	_ =	shalt  }
0x54: {  	_ =	shalt  }
0x55: {  	_ =	shalt  }
0x56: {  	_ =	shalt  }
0x57: {  	_ =	shalt  }
0x58: {  	_ =	shalt  }
0x59: {  	_ =	shalt  }
0x5a: {  	_ =	shalt  }
0x5b: {  	_ =	shalt  }
0x5c: {  	_ =	shalt  }
0x5d: {  	_ =	shalt  }
0x5e: {  	_ =	shalt  }
0x5f: {  	_ =	shalt  }
0x60: {  	_ =	shalt  }
0x61: {  	_ =	shalt  }
0x62: {  	_ =	shalt  }
0x63: {  	_ =	shalt  }
0x64: {  	_ =	shalt  }
0x65: {  	_ =	shalt  }
0x66: {  	_ =	shalt  }
0x67: {  	_ =	shalt  }
0x68: {  	_ =	shalt  }
0x69: {  	_ =	shalt  }
0x6a: {  	_ =	shalt  }
0x6b: {  	_ =	shalt  }
0x6c: {  	_ =	shalt  }
0x6d: {  	_ =	shalt  }
0x6e: {  	_ =	shalt  }
0x6f: {  	_ =	shalt  }
0x70: {  	_ =	shalt  }
0x71: {  	_ =	shalt  }
0x72: {  	_ =	shalt  }
0x73: {  	_ =	shalt  }
0x74: {  	_ =	shalt  }
0x75: {  	_ =	shalt  }
0x76: {  	_ =	shalt  }
0x77: {  	_ =	shalt  }
0x78: {  	_ =	shalt  }
0x79: {  	_ =	shalt  }
0x7a: {  	_ =	shalt  }
0x7b: {  	_ =	shalt  }
0x7c: {  	_ =	shalt  }
0x7d: {  	_ =	shalt  }
0x7e: {  	_ =	shalt  }
0x7f: {  	_ =	shalt  }
0x80: {  	_ =	shalt  }
0x81: {  	_ =	shalt  }
0x82: {  	_ =	shalt  }
0x83: {  	_ =	shalt  }
0x84: {  	_ =	shalt  }
0x85: {  	_ =	shalt  }
0x86: {  	_ =	shalt  }
0x87: {  	_ =	shalt  }
.Lfunc_end0:
.L_simem_size_0:
called_computation_lowered:
.L_overlay_start_0:
0x88: {  	s2 =	sld [smem:$0x3FD9]  }
0x89: {  	s3 =	sld [smem:$0x3FFE];
	_ =	sdelay $0x1  }
0x8a: {  	s1 =	srdreg.scid  }
0x8b: {  	s0 =	sand.u32 $0x1, s1  }
0x8c: {  	s17 =	sshll.u32 s0, $0xA;
	s2 =	sadd.s32 s3, s2  }
0x8d: {  	s2 =	sadd.s32 s2, s17  }
0x8e: {  	[smem:$0x3FB9] =	sst s2  }
0x8f: {  	_ = 	snop  }
0x90: {  	s2 =	sld [smem:$0x3FC9]  }
0x91: {  	s18 =	sld [smem:$0x3FC8]  }
0x92: {  	s4 =	sld [smem:$0x3FC7]  }
0x93: {  	s5 =	sld [smem:$0x3FC6]  }
0x94: {  	s6 =	sld [smem:$0x3FC5];
	(tm) =	ssettm $0x1  }
0x95: {  	s7 =	sld [smem:$0x3FFB];
	_ =	sdelay $0x3  }
0x96: {  	_ =	strace s7  }
0x97: {  	s7 =	sld [smem:$0x3FFC];
	_ =	sdelay $0x3  }
0x98: {  	_ =	strace s7  }
0x99: {  	s7 =	sld [smem:$0x3FFD];
	_ =	sdelay $0x3  }
0x9a: {  	_ =	strace s7  }
0x9b: {  	_ =	strace $0x8FFFFFFF  }
0x9c: {  	s19 =	sld [smem:$0x3FDB];
	_ =	sdelay $0x1  }
0x9d: {  	s8 =	simm.s32 $_scs_section_size  }
0x9e: {  	s9 =	simm.s32 $_size__tile_overlayer_lowered;
	s10 =	simm.s32 $_tile_overlayer_lowered  }
0x9f: {  	s22 =	simm.s32 $0x1BFF;
	s21 =	sshll.u32 s10, $0x1;
	s7 =	sadd.s32 s8, s19  }
0xa0: {  	s11 =	simm.s32 $0x0;
	s20 =	sshll.u32 s9, $0x1;
	s9 =	sadd.s32 s21, s7  }
0xa1: {  	[timem:s11], [sflag:s22] =	dma.local [hbm:s9], s20  }
0xa2: {  	_ =	swait.ge [sflag:s22], s20  }
0xa3: {  	s8 =	ssub.s32 $0x0, s20;
	[sflag:s22] =	ssyncset.done $0x0  }
0xa4: {  	[sflag:s22] =	ssyncadd.s32 s8;
	_ =	sdelay $0x1  }
0xa5: {  	s23 =	simm.s32 $0x1B8B  }
0xa6: {  	_ =	swait.ge [sflag:s23], $0x1  }
0xa7: {  	[sflag:s23] =	ssyncset.done $0x0  }
0xa8: {  	s25 =	simm.s32 $0x1B8E;
	s24 =	sld [smem:$0x3FFE];
	[sflag:s23] =	ssyncadd.s32 $0xFFFFFFFF  }
0xa9: {  	s26 =	simm.s32 $execute0_lowered;
	[smem:$0x3FD2] =	sst s25  }
0xaa: {  	s9 =	sshll.u32 s26, $0x1;
	_ =	strace $0x80000046;
	[dreg:$0x1] =	wrdreg $0xFFFFFFFF  }
0xab: {  	s28 =	simm.s32 $_size_execute0_lowered;
	s7 =	sadd.s32 s7, s9;
	[dreg:$0x0] =	wrdreg $0x0  }
0xac: {  	s9 =	sshll.u32 s28, $0x1;
	[dreg:$0x2] =	wrdreg s7  }
0xad: {  	[dreg:$0x3] =	wrdreg s9  }
0xae: {  	[dreg:$0x4] =	wrdreg $0xC0  }
0xaf: {  	_ =	task [dreg:s11], $0x5FFFF  }
0xb0: {  	[dreg:$0x1] =	wrdreg $0xFFFFFFFF  }
0xb1: {  	[dreg:$0x0] =	wrdreg $0x60  }
0xb2: {  	[dreg:$0x2] =	wrdreg s2  }
0xb3: {  	[dreg:$0x3] =	wrdreg s18  }
0xb4: {  	[dreg:$0x4] =	wrdreg s4  }
0xb5: {  	[dreg:$0x5] =	wrdreg s5  }
0xb6: {  	[dreg:$0x6] =	wrdreg s6  }
0xb7: {  	[dreg:$0x7] =	wrdreg s24  }
0xb8: {  	[dreg:$0x8] =	wrdreg $0x66000  }
0xb9: {  	[dreg:$0x9] =	wrdreg $0x9  }
0xba: {  	_ =	task.clear_ibuf [dreg:s11], $0xAFFFF;
	_ =	strace $0x90000046  }
0xbb: {  	s29 =	simm.s32 $0x9;
	_ =	strace $0x80000048  }
0xbc: {  	_ =	swait.ge [sflag:s29], $0x1  }
0xbd: {  	[sflag:s29] =	ssyncadd.s32 $0xFFFFFFFF  }
0xbe: {  	_ =	strace $0x90000048  }
0xbf: {  	_ =	sfence  }
0xc0: {  	s30 =	sld [smem:$0x0];
	_ =	sdelay $0x2  }
0xc1: {  	s31 =	sshll.u32 s1, $0xD;
	s1 =	sshrl.u32 s1, $0x2  }
0xc2: {  	s3 =	sand.u32 $0x4000, s31;
	s1 =	sadd.s32 s1, s30  }
0xc3: {  	s0 =	sor.u32 s3, s0;
	s1 =	sshll.u32 s1, $0x11  }
0xc4: {  	s0 =	sor.u32 s1, s0  }
0xc5: {  	s0 =	sadd.s32 $0x8F2B, s0  }
0xc6: {  	[sflag:s0] =	ssyncadd.remote.s32 $0x1  }
0xc7: {  	_ =	sfence.sel $0xFFFF  }
0xc8: {  	[dreg:$0x0] =	wrdreg $0xFFFFFFFF;
	(pc) =	sbr.abs _section_cstart, $3  }
0xc9: {  	[dreg:$0x1] =	wrdreg $0xFFFFFFFF  }
0xca: {  	_ =	task.clear_ibuf [dreg:s11], $0x2FFFF;
	_ =	strace $0x9FFFFFFF  }
0xcb: {  	(tm) =	ssettm $0x7FFFFFFF  }
tec
execute0_lowered:
.L_overlay_start_1:
0x0: {  	(tag) =	ssettag $0x1  }
0x1: {  	s0 =	rddreg [dreg:$0x0]  }
0x2: {  	s5 =	rddreg [dreg:$0x1]  }
0x3: {  	s6 =	rddreg [dreg:$0x2]  }
0x4: {  	s7 =	rddreg [dreg:$0x3]  }
0x5: {  	s8 =	rddreg [dreg:$0x4]  }
0x6: {  	s9 =	rddreg [dreg:$0x5]  }
0x7: {  	s1 =	rddreg [dreg:$0x6];
	s3 =	simm.s32 $0x0  }
0x8: {  	s4 =	srdreg.scid;
	s2 =	stileid.u32;
	s17 =	simm.s32 $0x2800  }
0x9: {  	s18 =	simm.s32 $0x3C00;
	[smem:$0x7FF] =	sst s3;
	s4 =	sand.u32 $0x1, s4  }
0xa: {  	s11 =	sshrl.u32 s2, $0x2;
	s14 =	sand.u32 $0x3, s2;
	s2 =	simm.s32 $0x0  }
0xb: {  	s10 =	sshll.u32 s4, $0x2;
	s12 =	ssub.s32 $0x2, s4;
	s4 =	smul.u32 $0x13A0, s14  }
0xc: {  	_ =	strace $0x80000047;
	s26 =	sshll.u32 s11, $0x6;
	p0 =	sne.s32 s14, $0x0  }
0xd: {  	s10 =	sor.u32 s11, s10;
	s15 =	sshrl.u32 s12, $0x1;
	s20 =	sshrl.u32 s4, $0x3  }
0xe: {  	s13 =	sshll.u32 s10, $0x4;
	s10 =	smul.u32 $0x4E80, s10;
	s0 =	sadd.s32 s0, s20  }
0xf: {  	s12 =	ssub.s32 s12, s15;
	s21 =	sadd.s32 s5, s20;
	[dreg:$0x8] =	wrdreg s0  }
0x10: {  	s25 =	sadd.s32 $0x1380, s4;
	s23 =	sadd.s32 s6, s20;
	[dreg:$0x9] =	wrdreg s21  }
0x11: {  	s28 =	sadd.s32 $0x1390, s4;
	s24 =	sadd.s32 s7, s20;
	[dreg:$0xa] =	wrdreg s23  }
0x12: {  	s9 =	sadd.s32 s13, s9;
	s31 =	smax.u32 s12, $0x1;
	[dreg:$0xb] =	wrdreg s24  }
0x13: {  	v0 =	vlaneseq.u32;
	s22 =	sadd.s32 s4, s10;
	s29 =	sadd.s32 $0xE00, s9;
	[dreg:$0xf] =	wrdreg s31  }
0x14: {  	vm4 =	vmmov $0x1;
	vm5 =	vcmask $0x308;
	vm7 =	vcmask $0xB10;
	s30 =	sadd.s32 $0x1000, s9;
	s0 =	sshrl.u32 s22, $0x3;
	[dreg:$0xd] =	wrdreg s29  }
0x15: {  	vm8 =	vcmask $0xF14;
	vm9 =	vcmask $0x1318;
	vm10 =	vcmask $0x171C;
	s15 =	simm.s32 $0x1;
	[dreg:$0xe] =	wrdreg s30;
	s0 =	sadd.s32 s8, s0  }
0x16: {  	v1 =	vor.u32 s4, v0;
	v2 =	vor.u32 s25, v0;
	v3 =	vor.u32 s28, v0;
	s12 =	sadd.s32 $0x70, s4;
	s10 =	sadd.s32 s26, s1;
	[dreg:$0xc] =	wrdreg s0  }
.LBB2_1:
0x17: {  	s0 =	rddreg [dreg:$0x8]  }
0x18: {  	[tilespmem:s3], [sflag:$0x1] =	stream.linear.gather [hbm4b:s0+s3], $0x13A0, $0x38;
	[tilespmem:$0x6620] =	vst v63  }
0x19: {  	_ =	swait.ge [sflag:s15], $0x13A0  }
0x1a: {  	[sflag:s15] =	ssyncset.done $0x0  }
0x1b: {  	s1 =	simm.s32 $0x1400;
	s24 =	rddreg [dreg:$0x9];
	[sflag:s15] =	ssyncadd.s32 $0xFFFFEC60  }
0x1c: {  	[tilespmem:s1], [sflag:$0x1] =	stream.linear.gather [hbm4b:s24+s3], $0x13A0, $0x38;
	[tilespmem:$0x6620] =	vst v63  }
0x1d: {  	_ =	swait.ge [sflag:s15], $0x13A0  }
0x1e: {  	[sflag:s15] =	ssyncset.done $0x0  }
0x1f: {  	s25 =	rddreg [dreg:$0xa];
	[sflag:s15] =	ssyncadd.s32 $0xFFFFEC60  }
0x20: {  	[tilespmem:s17], [sflag:$0x1] =	stream.linear.gather [hbm4b:s25+s3], $0x13A0, $0x38;
	[tilespmem:$0x6620] =	vst v63  }
0x21: {  	_ =	swait.ge [sflag:s15], $0x13A0  }
0x22: {  	[sflag:s15] =	ssyncset.done $0x0  }
0x23: {  	s26 =	rddreg [dreg:$0xb];
	[sflag:s15] =	ssyncadd.s32 $0xFFFFEC60  }
0x24: {  	[tilespmem:s18], [sflag:$0x1] =	stream.linear.gather [hbm4b:s26+s3], $0x13A0, $0x38;
	[tilespmem:$0x6620] =	vst v63  }
0x25: {  	_ =	swait.ge [sflag:s15], $0x13A0  }
0x26: {  	[sflag:s15] =	ssyncset.done $0x0  }
0x27: {  	s29 =	simm.s32 $0x5000;
	s28 =	rddreg [dreg:$0xc];
	[sflag:s15] =	ssyncadd.s32 $0xFFFFEC60  }
0x28: {  	[tilespmem:s29], [sflag:$0x1] =	stream.linear.gather [hbm4b:s28+s3], $0x13A0, $0x38;
	[tilespmem:$0x6620] =	vst v63  }
0x29: {  	_ =	swait.ge [sflag:s15], $0x13A0  }
0x2a: {  	[sflag:s15] =	ssyncset.done $0x0  }
0x2b: {  	v4 =	vimm.f32 @!p0 $-Inf;
	[sflag:s15] =	ssyncadd.s32 $0xFFFFEC60  }
0x2c: {  	v5 =	vimm.s32 @!p0 $0x0;
	[tilespmem:$0x6400] =	vst @!p0 v4  }
0x2d: {  	[tilespmem:$0x6480] =	vst @!p0 v5  }
0x2e: {  	[tilespmem:$0x6410] =	vst @!p0 v4  }
0x2f: {  	[tilespmem:$0x6490] =	vst @!p0 v5  }
0x30: {  	[tilespmem:$0x6420] =	vst @!p0 v4  }
0x31: {  	[tilespmem:$0x64A0] =	vst @!p0 v5  }
0x32: {  	[tilespmem:$0x6430] =	vst @!p0 v4  }
0x33: {  	[tilespmem:$0x64B0] =	vst @!p0 v5  }
0x34: {  	[tilespmem:$0x6440] =	vst @!p0 v4  }
0x35: {  	[tilespmem:$0x64C0] =	vst @!p0 v5  }
0x36: {  	[tilespmem:$0x6450] =	vst @!p0 v4  }
0x37: {  	[tilespmem:$0x64D0] =	vst @!p0 v5  }
0x38: {  	[tilespmem:$0x6460] =	vst @!p0 v4  }
0x39: {  	[tilespmem:$0x64E0] =	vst @!p0 v5  }
0x3a: {  	[tilespmem:$0x6470] =	vst @!p0 v4  }
0x3b: {  	s5 =	simm.s32 $0x5020;
	[tilespmem:$0x64F0] =	vst @!p0 v5  }
0x3c: {  	v4 =	vld [tilespmem:s5+$0xFFFFFFF0]  }
0x3d: {  	v5 =	vld [tilespmem:s5+$0xFFFFFFE0];
	_ =	sdelay $0x3  }
0x3e: {  	v6 =	vld [tilespmem:s5+$0x10];
	v4 =	vsub.f32 $0.0e+00, v4  }
0x3f: {  	v7 =	vld [tilespmem:s5+$0x0];
	v5 =	vsub.f32 $0.0e+00, v5  }
0x40: {  	v4 =	vmul.f32 $1.442695020e+00, v4  }
0x41: {  	v5 =	vmul.f32 $1.442695020e+00, v5  }
0x42: {  	(erf) = vpow2.f32 v4  }
0x43: {  	v6 =	vsub.f32 $0.0e+00, v6;
	(erf) = vpow2.f32 v5  }
0x44: {  	v4 =	vsub.f32 $0.0e+00, v7  }
0x45: {  	v6 =	vmul.f32 $1.442695020e+00, v6  }
0x46: {  	v4 =	vmul.f32 $1.442695020e+00, v4  }
0x47: {  	(erf) = vpow2.f32 v6  }
0x48: {  	(erf) = vpow2.f32 v4;
	_ =	sdelay $0x2  }
0x49: {  	v4 =	vpop (erf)  }
0x4a: {  	v5 =	vpop (erf)  }
0x4b: {  	v5 =	vadd.f32 $1.000000000e+00, v5  }
0x4c: {  	v4 =	vadd.f32 $1.000000000e+00, v4;
	_ =	sdelay $0x1  }
0x4d: {  	v6 =	vpop (erf);
	(erf) = vrcp.f32 v4  }
0x4e: {  	v4 =	vadd.f32 $1.000000000e+00, v6;
	(erf) = vrcp.f32 v5;
	v5 =	vpop (erf)  }
0x4f: {  	v5 =	vadd.f32 $1.000000000e+00, v5  }
0x50: {  	(erf) = vrcp.f32 v4  }
0x51: {  	(erf) = vrcp.f32 v5;
	_ =	sdelay $0x5  }
0x52: {  	v4 =	vpop (erf)  }
0x53: {  	v5 =	vpop (erf)  }
0x54: {  	vm0 =	vgt.f32 v5, $9.999999770e-03;
	v6 =	vpop (erf)  }
0x55: {  	s0 =	simm.s32 $0x5060;
	v5 =	vnsel vm0, $0xFF800000, v5;
	vm15 =	vgt.f32 v6, $9.999999770e-03;
	v8 =	vpop (erf)  }
0x56: {  	v7 =	vld [tilespmem:s0+$0xFFFFFFF0];
	[tilespmem:s5+$0xFFFFFFE0] =	vst v5;
	v6 =	vnsel vm15, $0xFF800000, v6;
	vm12 =	vgt.f32 v8, $9.999999770e-03  }
0x57: {  	v9 =	vld [tilespmem:s0+$0xFFFFFFE0];
	[tilespmem:s5+$0x10] =	vst v6;
	v8 =	vnsel vm12, $0xFF800000, v8  }
0x58: {  	v10 =	vld [tilespmem:s0+$0x10];
	[tilespmem:s5+$0x0] =	vst v8  }
0x59: {  	v11 =	vld [tilespmem:s0+$0x0];
	_ =	sdelay $0x1  }
0x5a: {  	v7 =	vsub.f32 $0.0e+00, v7  }
0x5b: {  	v9 =	vsub.f32 $0.0e+00, v9  }
0x5c: {  	v7 =	vmul.f32 $1.442695020e+00, v7;
	v10 =	vsub.f32 $0.0e+00, v10  }
0x5d: {  	v9 =	vmul.f32 $1.442695020e+00, v9;
	v11 =	vsub.f32 $0.0e+00, v11  }
0x5e: {  	(erf) = vpow2.f32 v7;
	v10 =	vmul.f32 $1.442695020e+00, v10  }
0x5f: {  	(erf) = vpow2.f32 v9;
	v7 =	vmul.f32 $1.442695020e+00, v11  }
0x60: {  	(erf) = vpow2.f32 v10  }
0x61: {  	(erf) = vpow2.f32 v7;
	_ =	sdelay $0x2  }
0x62: {  	s6 =	sadd.s32 $0x10, s4  }
0x63: {  	s30 =	sadd.s32 $0x20, s4;
	v56 =	vor.u32 s6, v0;
	v7 =	vimm.f32 $-Inf  }
0x64: {  	s31 =	sadd.s32 $0x30, s4;
	v60 =	vor.u32 s30, v0;
	vm13 =	vgt.f32 v4, $9.999999770e-03;
	vm1 =	vgt.f32 v5, v7  }
0x65: {  	v63 =	vor.u32 s31, v0;
	v4 =	vnsel vm13, $0xFF800000, v4;
	v57 =	vpop (erf);
	v5 =	vsel vm1, v5, v7  }
0x66: {  	v58 =	vadd.f32 $1.000000000e+00, v57;
	v7 =	vsel vm1, v1, v1;
	vm0 =	vgt.f32 v4, v5;
	v59 =	vpop (erf)  }
0x67: {  	v5 =	vsel vm0, v4, v5;
	v7 =	vsel vm0, v56, v7;
	v10 =	vadd.f32 $1.000000000e+00, v59;
	v12 =	vpop (erf)  }
0x68: {  	(erf) = vrcp.f32 v58;
	vm14 =	vgt.f32 v8, v5;
	v61 =	vadd.f32 $1.000000000e+00, v12;
	v62 =	vpop (erf)  }
0x69: {  	v5 =	vsel vm14, v8, v5;
	(erf) = vrcp.f32 v10;
	v9 =	vadd.f32 $1.000000000e+00, v62  }
0x6a: {  	v7 =	vsel vm14, v60, v7;
	vm15 =	vgt.f32 v6, v5;
	(erf) = vrcp.f32 v61  }
0x6b: {  	s7 =	simm.s32 $0x4;
	s6 =	simm.s32 $0x5060;
	[tilespmem:s5+$0xFFFFFFF0] =	vst v4;
	s5 =	smov.u32 s4;
	v5 =	vsel vm15, v6, v5;
	v4 =	vsel vm15, v63, v7;
	(erf) = vrcp.f32 v9  }
.LBB2_2:
0x6c: {  	_ =	sdelay $0x4  }
0x6d: {  	s7 =	sadd.s32 $0x4, s7;
	v6 =	vpop (erf)  }
0x6e: {  	s5 =	sadd.s32 $0x40, s5;
	p1 =	slt.u32 s7, $0x134;
	v7 =	vpop (erf)  }
0x6f: {  	s0 =	sadd.s32 $0x40, s0;
	v8 =	vor.u32 s5, v0;
	vm1 =	vgt.f32 v6, $9.999999770e-03;
	vm0 =	vgt.f32 v7, $9.999999770e-03;
	v9 =	vpop (erf)  }
0x70: {  	v6 =	vnsel vm1, $0xFF800000, v6;
	v10 =	vld [tilespmem:s0+$0xFFFFFFF0];
	v7 =	vnsel vm0, $0xFF800000, v7;
	vm0 =	vgt.f32 v9, $9.999999770e-03;
	v11 =	vpop (erf)  }
0x71: {  	[tilespmem:s6+$0xFFFFFFE0] =	vst v7;
	vm1 =	vgt.f32 v7, v5;
	vm11 =	vgt.f32 v11, $9.999999770e-03;
	v9 =	vnsel vm0, $0xFF800000, v9  }
0x72: {  	s8 =	sadd.s32 $0x10, s5;
	v12 =	vld [tilespmem:s0+$0xFFFFFFE0];
	v5 =	vsel vm1, v7, v5;
	v4 =	vsel vm1, v8, v4;
	v7 =	vnsel vm11, $0xFF800000, v11;
	[tilespmem:s6+$0x10] =	vst v9  }
0x73: {  	v11 =	vor.u32 s8, v0;
	v8 =	vld [tilespmem:s0+$0x10];
	vm0 =	vgt.f32 v6, v5;
	[tilespmem:s6+$0x0] =	vst v7  }
0x74: {  	s8 =	sadd.s32 $0x20, s5;
	v13 =	vld [tilespmem:s0+$0x0];
	[tilespmem:s6+$0xFFFFFFF0] =	vst v6;
	v5 =	vsel vm0, v6, v5;
	v4 =	vsel vm0, v11, v4;
	s6 =	smov.u32 s0  }
0x75: {  	v6 =	vsub.f32 $0.0e+00, v10;
	v10 =	vor.u32 s8, v0;
	vm0 =	vgt.f32 v7, v5;
	s8 =	sadd.s32 $0x30, s5  }
0x76: {  	v5 =	vsel vm0, v7, v5;
	v4 =	vsel vm0, v10, v4;
	v7 =	vor.u32 s8, v0  }
0x77: {  	v10 =	vsub.f32 $0.0e+00, v12;
	v6 =	vmul.f32 $1.442695020e+00, v6;
	vm0 =	vgt.f32 v9, v5  }
0x78: {  	v8 =	vsub.f32 $0.0e+00, v8;
	v5 =	vsel vm0, v9, v5;
	v4 =	vsel vm0, v7, v4  }
0x79: {  	v7 =	vmul.f32 $1.442695020e+00, v10;
	v9 =	vsub.f32 $0.0e+00, v13  }
0x7a: {  	v8 =	vmul.f32 $1.442695020e+00, v8;
	(erf) = vpow2.f32 v6  }
0x7b: {  	v6 =	vmul.f32 $1.442695020e+00, v9;
	(erf) = vpow2.f32 v7  }
0x7c: {  	(erf) = vpow2.f32 v8  }
0x7d: {  	(erf) = vpow2.f32 v6;
	_ =	sdelay $0x5  }
0x7e: {  	v6 =	vpop (erf)  }
0x7f: {  	v9 =	vadd.f32 $1.000000000e+00, v6;
	v7 =	vpop (erf)  }
.Ltmp0:
0x80: {  	v7 =	vadd.f32 $1.000000000e+00, v7;
	v8 =	vpop (erf);
	(pc) =	sbr.rel @p1 .LBB2_2-.Ltmp0, $4  }
0x81: {  	v8 =	vadd.f32 $1.000000000e+00, v8;
	(erf) = vrcp.f32 v9;
	v6 =	vpop (erf)  }
0x82: {  	v6 =	vadd.f32 $1.000000000e+00, v6;
	(erf) = vrcp.f32 v7  }
0x83: {  	(erf) = vrcp.f32 v8  }
0x84: {  	(erf) = vrcp.f32 v6  }
0x85: {  	_ =	sdelay $0x4  }
0x86: {  	v6 =	vpop (erf)  }
0x87: {  	v7 =	vpop (erf);
	vm14 =	vgt.f32 v6, $9.999999770e-03  }
0x88: {  	vm0 =	vgt.f32 v7, $9.999999770e-03;
	v8 =	vpop (erf);
	v6 =	vnsel vm14, $0xFF800000, v6  }
0x89: {  	v7 =	vnsel vm0, $0xFF800000, v7;
	vm13 =	vgt.f32 v8, $9.999999770e-03;
	v9 =	vpop (erf);
	[tilespmem:s6+$0xFFFFFFF0] =	vst v6  }
0x8a: {  	[tilespmem:s6+$0xFFFFFFE0] =	vst v7;
	vm1 =	vgt.f32 v9, $9.999999770e-03;
	v8 =	vnsel vm13, $0xFF800000, v8  }
0x8b: {  	v9 =	vnsel vm1, $0xFF800000, v9;
	[tilespmem:s6+$0x10] =	vst v8  }
0x8c: {  	[tilespmem:s6+$0x0] =	vst v9  }
0x8d: {  	v10 =	vld [tilespmem:$0x6380];
	_ =	sdelay $0x4  }
0x8e: {  	v10 =	vsub.f32 $0.0e+00, v10;
	_ =	sdelay $0x1  }
0x8f: {  	v10 =	vmul.f32 $1.442695020e+00, v10;
	_ =	sdelay $0x1  }
0x90: {  	(erf) = vpow2.f32 v10;
	_ =	sdelay $0x3  }
0x91: {  	v53 =	vld [tilespmem:$0x6390];
	_ =	sdelay $0x4  }
0x92: {  	v10 =	vsub.f32 $0.0e+00, v53;
	v11 =	vpop (erf)  }
0x93: {  	v11 =	vadd.f32 $1.000000000e+00, v11  }
0x94: {  	v10 =	vmul.f32 $1.442695020e+00, v10  }
0x95: {  	(erf) = vrcp.f32 v11  }
0x96: {  	(erf) = vpow2.f32 v10;
	_ =	sdelay $0x7  }
0x97: {  	v54 =	vpop (erf)  }
0x98: {  	v55 =	vpop (erf)  }
0x99: {  	v11 =	vadd.f32 $1.000000000e+00, v55;
	_ =	sdelay $0x1  }
0x9a: {  	(erf) = vrcp.f32 v11;
	_ =	sdelay $0x1  }
0x9b: {  	vm0 =	vgt.f32 v7, v5  }
0x9c: {  	v5 =	vsel vm0, v7, v5  }
0x9d: {  	vm1 =	vgt.f32 v6, v5  }
0x9e: {  	v5 =	vsel vm1, v6, v5  }
0x9f: {  	vm11 =	vgt.f32 v9, v5  }
0xa0: {  	v5 =	vsel vm11, v9, v5  }
0xa1: {  	vm12 =	vgt.f32 v8, v5;
	vm13 =	vgt.f32 v54, $9.999999770e-03  }
0xa2: {  	v5 =	vsel vm12, v8, v5;
	v56 =	vnsel vm13, $0xFF800000, v54;
	v57 =	vpop (erf)  }
0xa3: {  	vm13 =	vgt.f32 v56, v5;
	vm14 =	vgt.f32 v57, $9.999999770e-03  }
0xa4: {  	v5 =	vsel vm13, v56, v5;
	v7 =	vnsel vm14, $0xFF800000, v57  }
0xa5: {  	vm14 =	vgt.f32 v7, v5  }
0xa6: {  	v5 =	vsel vm14, v7, v5  }
0xa7: {  	(xrf0) =	vmax.scan.msk.f32 $0xffff, v5  }
0xa8: {  	s0 =	sadd.s32 $0x40, s5  }
0xa9: {  	v58 =	vor.u32 s0, v0;
	s5 =	sadd.s32 $0x10, s0  }
0xaa: {  	s31 =	sadd.s32 $0x20, s0;
	v59 =	vor.u32 s5, v0;
	v4 =	vsel vm0, v58, v4  }
0xab: {  	s0 =	sadd.s32 $0x30, s0;
	v60 =	vor.u32 s31, v0;
	v4 =	vsel vm1, v59, v4  }
0xac: {  	v61 =	vor.u32 s0, v0;
	v4 =	vsel vm11, v60, v4  }
0xad: {  	v4 =	vsel vm12, v61, v4;
	v62, _, _ =	vpop (xrf0)  }
0xae: {  	v4 =	vsel vm13, v2, v4;
	v63 =	vbroadcast v62, $0xF  }
0xaf: {  	v4 =	vsel vm14, v3, v4  }
0xb0: {  	v4 =	vxor.u32 $0x80000000, v4;
	vm15 =	veq.f32 v5, v63  }
0xb1: {  	v4 =	vnsel vm15, $0xC0000000, v4  }
0xb2: {  	(xrf0) =	vmin.scan.msk.u32 $0xffff, v4;
	_ =	sdelay $0x5  }
0xb3: {  	(v2sf) =	vpush v62, $0xF;
	v4, _, _ =	vpop (xrf0)  }
0xb4: {  	(v2sf) =	vpush v4, $0xF;
	_ =	sdelay $0xd  }
0xb5: {  	[tilespmem:$0x6380] =	vst v56;
	s0 =	spop (v2sf)  }
0xb6: {  	[dreg:$0x10] =	wrdreg s2;
	s23 =	simm.s32 $0x0;
	[tilespmem:$0x6390] =	vst v7;
	s5 =	spop (v2sf)  }
.LBB2_4:
0xb7: {  	s5 =	sxor.u32 $0x80000000, s5  }
0xb8: {  	s6 =	ssub.s32 s5, s4  }
0xb9: {  	v4 =	vmov s6;
	_ =	sdelay $0x4  }
0xba: {  	s1 =	simm.s32 $0x1400;
	v5 =	vld.idx.msk [tilespmem:v4+s3+$0x0], $0xffff  }
0xbb: {  	v6 =	vld.idx.msk [tilespmem:v4+s1+$0x0], $0xffff  }
0xbc: {  	v7 =	vld.idx.msk [tilespmem:v4+s17+$0x0], $0xffff  }
0xbd: {  	v4 =	vld.idx.msk [tilespmem:v4+s18+$0x0], $0xffff;
	_ =	sdelay $0x4  }
0xbe: {  	v8 =	vsub.f32 v7, v5;
	v9 =	vsub.f32 v4, v6;
	_ =	sdelay $0x1  }
0xbf: {  	v8 =	vmul.f32 v9, v8  }
0xc0: {  	vm0 =	vcmask $0x3F18  }
0xc1: {  	v4 =	vsel vm0, v8, v4;
	vm0 =	vcmask $0x3F14  }
0xc2: {  	v4 =	vsel vm0, v4, v7;
	vm0 =	vcmask $0x3F10  }
0xc3: {  	s11 =	sshll.u32 s23, $0x4;
	v4 =	vsel vm0, v4, v6;
	vm0 =	vcmask $0x3F0C  }
0xc4: {  	s13 =	stileid.u32;
	s5 =	scvt.s32.f32 s5;
	s6 =	sand.u32 $0x10, s11;
	v4 =	vsel vm0, v4, v5;
	vm0 =	veq.s32 v0, $0x0  }
0xc5: {  	v4 =	vsel vm0, s0, v4;
	vm0 =	veq.s32 v0, $0x1;
	s0 =	sor.u32 s13, s6  }
0xc6: {  	s14 =	rddreg [dreg:$0x6];
	v4 =	vsel vm0, s5, v4;
	s0 =	sshll.u32 s0, $0x4  }
0xc7: {  	s16 =	simm.s32 $0x6500;
	[tilespmem:$0x6500] =	vst v4;
	s0 =	sadd.s32 s0, s14  }
0xc8: {  	[spmem:s0] =	stream.linear.scatter [tilespmem:s16], [sflag:$0x1], $0x10, $0x38;
	[tilespmem:$0x6620] =	vst v63  }
0xc9: {  	_ =	swait.ge [sflag:s15], $0x10  }
0xca: {  	[sflag:s15] =	ssyncset.done $0x0  }
0xcb: {  	s19 =	sshll.u32 s6, $0x4;
	[sflag:s15] =	ssyncadd.s32 $0xFFFFFFF0  }
0xcc: {  	s20 =	simm.s32 $0x6580;
	s0 =	sadd.s32 s19, s10;
	[bflag:$0x0] =	sbarrier.arrive $0xFFFF  }
0xcd: {  	[tilespmem:s20], [sflag:$0x1] =	stream.linear.gather [spmem:s0], $0x40, $0x38;
	[tilespmem:$0x6620] =	vst v63  }
0xce: {  	_ =	swait.ge [sflag:s15], $0x40  }
0xcf: {  	[sflag:s15] =	ssyncset.done $0x0  }
0xd0: {  	[sflag:s15] =	ssyncadd.s32 $0xFFFFFFC0  }
0xd1: {  	[bflag:$0x0] =	sbarrier.arrive $0xFFFF  }
0xd2: {  	v4 =	vld [tilespmem:$0x6580];
	_ =	sdelay $0x1  }
0xd3: {  	v5 =	vld [tilespmem:$0x6590];
	_ =	sdelay $0x2  }
0xd4: {  	v6 =	vnsel vm4, $0xFF800000, v4  }
0xd5: {  	(xrf0) =	vmax.scan.msk.f32 $0xffff, v6;
	v6 =	vsel vm5, $0xFF800000, v4  }
0xd6: {  	v7 =	vld [tilespmem:$0x65A0];
	(xrf0) =	vmax.scan.msk.f32 $0xffff, v6;
	v6 =	vnsel vm4, $0xFF800000, v5  }
0xd7: {  	(xrf0) =	vmax.scan.msk.f32 $0xffff, v6  }
0xd8: {  	v6 =	vsel vm5, $0xFF800000, v5  }
0xd9: {  	(xrf0) =	vmax.scan.msk.f32 $0xffff, v6;
	_ =	sdelay $0x1  }
0xda: {  	v8 =	vnsel vm4, $0xFF800000, v7;
	v6, _, _ =	vpop (xrf0)  }
0xdb: {  	(v2sf) =	vpush v6, $0xF;
	v6, _, _ =	vpop (xrf0);
	(xrf0) =	vmax.scan.msk.f32 $0xffff, v8;
	v8 =	vsel vm5, $0xFF800000, v7  }
0xdc: {  	(v2sf) =	vpush v6, $0xF;
	v6, _, _ =	vpop (xrf0);
	(xrf0) =	vmax.scan.msk.f32 $0xffff, v8  }
0xdd: {  	v8 =	vld [tilespmem:$0x65B0]  }
0xde: {  	(v2sf) =	vpush v6, $0xF;
	v6, _, _ =	vpop (xrf0)  }
0xdf: {  	(v2sf) =	vpush v6, $0xF;
	_ =	sdelay $0x1  }
0xe0: {  	v6, _, _ =	vpop (xrf0)  }
0xe1: {  	v9 =	vnsel vm4, $0xFF800000, v8;
	(v2sf) =	vpush v6, $0xF;
	v6, _, _ =	vpop (xrf0)  }
0xe2: {  	(xrf0) =	vmax.scan.msk.f32 $0xffff, v9;
	(v2sf) =	vpush v6, $0xF;
	v6 =	vsel vm5, $0xFF800000, v8  }
0xe3: {  	(xrf0) =	vmax.scan.msk.f32 $0xffff, v6;
	_ =	sdelay $0x4  }
0xe4: {  	v6, _, _ =	vpop (xrf0)  }
0xe5: {  	s0 =	spop (v2sf);
	(v2sf) =	vpush v6, $0xF;
	v6, _, _ =	vpop (xrf0)  }
0xe6: {  	s5 =	spop (v2sf);
	(v2sf) =	vpush v6, $0xF;
	_ =	sdelay $0x1  }
0xe7: {  	s6 =	spop (v2sf)  }
0xe8: {  	s7 =	spop (v2sf)  }
0xe9: {  	p1 =	seq.f32 s6, s0;
	p2 =	slt.f32 s7, s5  }
0xea: {  	_ = 	snop  }
0xeb: {  	p3 =	sgt.f32 s6, s0;
	p1 =	por !p1, !p2  }
0xec: {  	p1 =	por !p1, !p1  }
0xed: {  	s8 =	spop (v2sf);
	p1 =	por p3, p1  }
0xee: {  	s9 =	spop (v2sf);
	s0 =	smov.u32 @p1 s6;
	s5 =	smov.u32 @p1 s7  }
0xef: {  	p5 =	seq.f32 s8, s0;
	p6 =	slt.f32 s9, s5  }
0xf0: {  	_ = 	snop  }
0xf1: {  	p4 =	sgt.f32 s8, s0;
	p2 =	por !p5, !p6  }
0xf2: {  	p2 =	por !p2, !p2  }
0xf3: {  	p2 =	por p4, p2;
	s6 =	spop (v2sf)  }
0xf4: {  	s0 =	smov.u32 @p2 s8;
	s5 =	smov.u32 @p2 s9;
	s7 =	spop (v2sf)  }
0xf5: {  	p5 =	seq.f32 s6, s0;
	p6 =	slt.f32 s7, s5  }
0xf6: {  	_ = 	snop  }
0xf7: {  	p3 =	por !p5, !p6;
	p5 =	sgt.f32 s6, s0  }
0xf8: {  	v4 =	vpsel p1, v5, v4;
	p6 =	por !p3, !p3  }
0xf9: {  	v4 =	vpsel p2, v7, v4;
	p1 =	por p5, p6  }
0xfa: {  	vm0 =	vcmask $0x70C;
	v5 =	vmov @!p0 s23;
	v4 =	vpsel p1, v8, v4  }
0xfb: {  	p1 =	por !p1, p0;
	v6 =	vsel vm0, $0xFF800000, v4  }
0xfc: {  	s7 =	smov.u32 @p1 s5;
	(xrf0) =	vmax.scan.msk.f32 $0xffff, v6;
	v6 =	vsel vm7, $0xFF800000, v4  }
0xfd: {  	s6 =	smov.u32 @p1 s0;
	s5 =	scvt.f32.s32 @!p0 s7;
	(xrf0) =	vmax.scan.msk.f32 $0xffff, v6;
	v6 =	vsel vm8, $0xFF800000, v4  }
0xfe: {  	s0 =	simm.s32 @!p0 $0x6400;
	v7 =	vmov @!p0 s6;
	(xrf0) =	vmax.scan.msk.f32 $0xffff, v6;
	v6 =	vsel vm9, $0xFF800000, v4  }
0xff: {  	[tilespmem:v5+s0+$0x0] =	vst.idx.msk @!p0 $0x1, v7;
	s0 =	simm.s32 @!p0 $0x6480;
	(xrf0) =	vmax.scan.msk.f32 $0xffff, v6;
	v6 =	vmov @!p0 s5  }
0x100: {  	s21 =	simm.s32 $0x3C40;
	[tilespmem:v5+s0+$0x0] =	vst.idx.msk @!p0 $0x1, v6  }
0x101: {  	s25 =	simm.s32 $0x1440;
	v5 =	vld [tilespmem:s21+$0xFFFFFFC0]  }
0x102: {  	s26 =	simm.s32 $0x40;
	v10 =	vld [tilespmem:s25+$0xFFFFFFC0]  }
0x103: {  	s22 =	simm.s32 $0x2840;
	v4 =	vsel vm10, $0xFF800000, v4;
	v11 =	vld [tilespmem:s26+$0xFFFFFFC0];
	v8, _, _ =	vpop (xrf0)  }
0x104: {  	v9 =	vld [tilespmem:s22+$0xFFFFFFC0];
	(xrf0) =	vmax.scan.msk.f32 $0xffff, v4;
	v6, _, _ =	vpop (xrf0)  }
0x105: {  	v7, _, _ =	vpop (xrf0)  }
0x106: {  	v8 =	vbroadcast v8, $0xF;
	v4 =	vbroadcast v6, $0xF;
	v12, _, _ =	vpop (xrf0)  }
0x107: {  	v7 =	vbroadcast v7, $0xF;
	v6 =	vbroadcast v12, $0xF  }
0x108: {  	v12 =	vmax.f32 v4, v10;
	v15 =	vmax.f32 v8, v11;
	v10 =	vsub.f32 v5, v10  }
0x109: {  	v13 =	vmin.f32 v7, v9;
	v9 =	vsub.f32 v9, v11;
	v14 =	vmin.f32 v6, v5  }
0x10a: {  	v5, _, _ =	vpop (xrf0);
	v11 =	vsub.f32 v13, v15;
	v12 =	vsub.f32 v14, v12  }
0x10b: {  	v5 =	vbroadcast v5, $0xF;
	v9 =	vmul.f32 v10, v9  }
0x10c: {  	v10 =	vmax.f32 v11, $0.0e+00;
	v11 =	vmax.f32 v12, $0.0e+00  }
0x10d: {  	v9 =	vadd.f32 v9, v5;
	v10 =	vmul.f32 v11, v10;
	_ =	sdelay $0x1  }
0x10e: {  	v9 =	vsub.f32 v9, v10;
	_ =	sdelay $0x1  }
0x10f: {  	v9 =	vadd.f32 $9.999999930e-09, v9;
	_ =	sdelay $0x1  }
0x110: {  	(erf) = vrcp.f32 v9;
	_ =	sdelay $0x6  }
0x111: {  	s24 =	simm.s32 $0x5040  }
0x112: {  	v9 =	vld [tilespmem:s24+$0xFFFFFFC0]  }
0x113: {  	v11 =	vpop (erf)  }
0x114: {  	v10 =	vmul.f32 v11, v10;
	_ =	sdelay $0x1  }
0x115: {  	vm0 =	vgt.f32 v10, $5.000000000e-01  }
0x116: {  	v9 =	vsel vm0, $0xFF800000, v9  }
0x117: {  	[tilespmem:s24+$0xFFFFFFC0] =	vst v9  }
0x118: {  	v10 =	vld [tilespmem:s21+$0xFFFFFFD0]  }
0x119: {  	v11 =	vld [tilespmem:s22+$0xFFFFFFD0]  }
0x11a: {  	v12 =	vld [tilespmem:s25+$0xFFFFFFD0]  }
0x11b: {  	v13 =	vld [tilespmem:s26+$0xFFFFFFD0];
	_ =	sdelay $0x3  }
0x11c: {  	v14 =	vmin.f32 v7, v11;
	v15 =	vmax.f32 v4, v12;
	v16 =	vmin.f32 v6, v10  }
0x11d: {  	v10 =	vsub.f32 v10, v12;
	v12 =	vmax.f32 v8, v13;
	v11 =	vsub.f32 v11, v13  }
0x11e: {  	v13 =	vsub.f32 v16, v15;
	v12 =	vsub.f32 v14, v12  }
0x11f: {  	v10 =	vmul.f32 v10, v11  }
0x120: {  	v11 =	vmax.f32 v13, $0.0e+00;
	v12 =	vmax.f32 v12, $0.0e+00  }
0x121: {  	v11 =	vmul.f32 v11, v12;
	v10 =	vadd.f32 v10, v5;
	_ =	sdelay $0x1  }
0x122: {  	v10 =	vsub.f32 v10, v11;
	_ =	sdelay $0x1  }
0x123: {  	v10 =	vadd.f32 $9.999999930e-09, v10;
	_ =	sdelay $0x1  }
0x124: {  	(erf) = vrcp.f32 v10;
	_ =	sdelay $0x7  }
0x125: {  	v10 =	vld [tilespmem:s24+$0xFFFFFFD0]  }
0x126: {  	v12 =	vpop (erf)  }
0x127: {  	v11 =	vmul.f32 v12, v11;
	_ =	sdelay $0x1  }
0x128: {  	vm0 =	vgt.f32 v11, $5.000000000e-01  }
0x129: {  	v11 =	vsel vm0, $0xFF800000, v10  }
0x12a: {  	[tilespmem:s24+$0xFFFFFFD0] =	vst v11  }
0x12b: {  	v10 =	vld [tilespmem:s21+$0xFFFFFFE0]  }
0x12c: {  	v12 =	vld [tilespmem:s25+$0xFFFFFFE0]  }
0x12d: {  	v13 =	vld [tilespmem:s26+$0xFFFFFFE0]  }
0x12e: {  	v14 =	vld [tilespmem:s22+$0xFFFFFFE0];
	_ =	sdelay $0x3  }
0x12f: {  	v15 =	vmax.f32 v4, v12;
	v37 =	vmin.f32 v6, v10;
	v10 =	vsub.f32 v10, v12  }
0x130: {  	v12 =	vmax.f32 v8, v13;
	v17 =	vmin.f32 v7, v14;
	v13 =	vsub.f32 v14, v13  }
0x131: {  	v14 =	vsub.f32 v37, v15;
	v12 =	vsub.f32 v17, v12  }
0x132: {  	v10 =	vmul.f32 v10, v13  }
0x133: {  	v13 =	vmax.f32 v14, $0.0e+00;
	v12 =	vmax.f32 v12, $0.0e+00  }
0x134: {  	v12 =	vmul.f32 v13, v12;
	v10 =	vadd.f32 v10, v5;
	_ =	sdelay $0x1  }
0x135: {  	v10 =	vsub.f32 v10, v12;
	_ =	sdelay $0x1  }
0x136: {  	v10 =	vadd.f32 $9.999999930e-09, v10;
	_ =	sdelay $0x1  }
0x137: {  	(erf) = vrcp.f32 v10;
	_ =	sdelay $0x7  }
0x138: {  	v10 =	vld [tilespmem:s24+$0xFFFFFFE0]  }
0x139: {  	v13 =	vpop (erf)  }
0x13a: {  	v12 =	vmul.f32 v13, v12;
	_ =	sdelay $0x1  }
0x13b: {  	vm0 =	vgt.f32 v12, $5.000000000e-01  }
0x13c: {  	v12 =	vsel vm0, $0xFF800000, v10  }
0x13d: {  	[tilespmem:s24+$0xFFFFFFE0] =	vst v12  }
0x13e: {  	v10 =	vld [tilespmem:s22+$0xFFFFFFF0]  }
0x13f: {  	v13 =	vld [tilespmem:s25+$0xFFFFFFF0]  }
0x140: {  	v14 =	vld [tilespmem:s26+$0xFFFFFFF0]  }
0x141: {  	v15 =	vld [tilespmem:s21+$0xFFFFFFF0];
	_ =	sdelay $0x3  }
0x142: {  	v38 =	vmax.f32 v4, v13;
	v39 =	vmax.f32 v8, v14;
	v18 =	vmin.f32 v7, v10  }
0x143: {  	v10 =	vsub.f32 v10, v14;
	v14 =	vmin.f32 v6, v15;
	v13 =	vsub.f32 v15, v13  }
0x144: {  	v15 =	vsub.f32 v18, v39;
	v14 =	vsub.f32 v14, v38  }
0x145: {  	v10 =	vmul.f32 v13, v10  }
0x146: {  	v13 =	vmax.f32 v15, $0.0e+00;
	v14 =	vmax.f32 v14, $0.0e+00  }
0x147: {  	v13 =	vmul.f32 v14, v13;
	v10 =	vadd.f32 v10, v5;
	_ =	sdelay $0x1  }
0x148: {  	v10 =	vsub.f32 v10, v13;
	_ =	sdelay $0x1  }
0x149: {  	v10 =	vadd.f32 $9.999999930e-09, v10;
	_ =	sdelay $0x1  }
0x14a: {  	(erf) = vrcp.f32 v10;
	_ =	sdelay $0x7  }
0x14b: {  	v10 =	vld [tilespmem:s24+$0xFFFFFFF0]  }
0x14c: {  	v14 =	vpop (erf)  }
0x14d: {  	v13 =	vmul.f32 v14, v13;
	_ =	sdelay $0x1  }
0x14e: {  	vm0 =	vgt.f32 v13, $5.000000000e-01  }
0x14f: {  	v13 =	vsel vm0, $0xFF800000, v10  }
0x150: {  	[tilespmem:s24+$0xFFFFFFF0] =	vst v13  }
0x151: {  	v10 =	vld [tilespmem:s22+$0x0]  }
0x152: {  	v14 =	vld [tilespmem:s25+$0x0]  }
0x153: {  	v15 =	vld [tilespmem:s21+$0x0]  }
0x154: {  	v40 =	vld [tilespmem:s26+$0x0];
	_ =	sdelay $0x3  }
0x155: {  	v41 =	vmax.f32 v4, v14;
	v42 =	vmin.f32 v7, v10;
	v14 =	vsub.f32 v15, v14  }
0x156: {  	v19 =	vmax.f32 v8, v40;
	v15 =	vmin.f32 v6, v15;
	v10 =	vsub.f32 v10, v40  }
0x157: {  	v43 =	vsub.f32 v42, v19;
	v15 =	vsub.f32 v15, v41  }
0x158: {  	v10 =	vmul.f32 v14, v10  }
0x159: {  	v14 =	vmax.f32 v43, $0.0e+00;
	v15 =	vmax.f32 v15, $0.0e+00  }
0x15a: {  	v14 =	vmul.f32 v15, v14;
	v10 =	vadd.f32 v10, v5;
	_ =	sdelay $0x1  }
0x15b: {  	v10 =	vsub.f32 v10, v14;
	_ =	sdelay $0x1  }
0x15c: {  	v10 =	vadd.f32 $9.999999930e-09, v10;
	_ =	sdelay $0x1  }
0x15d: {  	(erf) = vrcp.f32 v10;
	_ =	sdelay $0x7  }
0x15e: {  	v10 =	vld [tilespmem:s24+$0x0]  }
0x15f: {  	v15 =	vpop (erf)  }
0x160: {  	v14 =	vmul.f32 v15, v14;
	_ =	sdelay $0x1  }
0x161: {  	vm0 =	vgt.f32 v14, $5.000000000e-01  }
0x162: {  	v14 =	vsel vm0, $0xFF800000, v10  }
0x163: {  	[tilespmem:s24+$0x0] =	vst v14  }
0x164: {  	v10 =	vld [tilespmem:s26+$0x10]  }
0x165: {  	v15 =	vld [tilespmem:s21+$0x10]  }
0x166: {  	v44 =	vld [tilespmem:s25+$0x10]  }
0x167: {  	v45 =	vld [tilespmem:s22+$0x10];
	_ =	sdelay $0x3  }
0x168: {  	v46 =	vmin.f32 v6, v15;
	v47 =	vmax.f32 v8, v10;
	v20 =	vmax.f32 v4, v44  }
0x169: {  	v15 =	vsub.f32 v15, v44;
	v48 =	vmin.f32 v7, v45;
	v10 =	vsub.f32 v45, v10  }
0x16a: {  	v49 =	vsub.f32 v46, v20;
	v16 =	vsub.f32 v48, v47  }
0x16b: {  	v10 =	vmul.f32 v15, v10  }
0x16c: {  	v15 =	vmax.f32 v16, $0.0e+00;
	v50 =	vmax.f32 v49, $0.0e+00  }
0x16d: {  	v15 =	vmul.f32 v50, v15;
	v10 =	vadd.f32 v10, v5;
	_ =	sdelay $0x1  }
0x16e: {  	v10 =	vsub.f32 v10, v15;
	_ =	sdelay $0x1  }
0x16f: {  	v10 =	vadd.f32 $9.999999930e-09, v10;
	_ =	sdelay $0x1  }
0x170: {  	(erf) = vrcp.f32 v10;
	_ =	sdelay $0x7  }
0x171: {  	v10 =	vld [tilespmem:s24+$0x10]  }
0x172: {  	v51 =	vpop (erf)  }
0x173: {  	v15 =	vmul.f32 v51, v15;
	_ =	sdelay $0x1  }
0x174: {  	vm0 =	vgt.f32 v15, $5.000000000e-01  }
0x175: {  	v15 =	vsel vm0, $0xFF800000, v10  }
0x176: {  	[tilespmem:s24+$0x10] =	vst v15  }
0x177: {  	v10 =	vld [tilespmem:s26+$0x20]  }
0x178: {  	v52 =	vld [tilespmem:s25+$0x20]  }
0x179: {  	v53 =	vld [tilespmem:s21+$0x20]  }
0x17a: {  	v54 =	vld [tilespmem:s22+$0x20];
	_ =	sdelay $0x3  }
0x17b: {  	v55 =	vmax.f32 v4, v52;
	v56 =	vmax.f32 v8, v10;
	v16 =	vsub.f32 v53, v52  }
0x17c: {  	v10 =	vsub.f32 v54, v10;
	v18 =	vmin.f32 v7, v54;
	v17 =	vmin.f32 v6, v53  }
0x17d: {  	v18 =	vsub.f32 v18, v56;
	v17 =	vsub.f32 v17, v55  }
0x17e: {  	v10 =	vmul.f32 v16, v10  }
0x17f: {  	v57 =	vmax.f32 v18, $0.0e+00;
	v17 =	vmax.f32 v17, $0.0e+00  }
0x180: {  	v16 =	vmul.f32 v17, v57;
	v10 =	vadd.f32 v10, v5;
	_ =	sdelay $0x1  }
0x181: {  	v10 =	vsub.f32 v10, v16;
	_ =	sdelay $0x1  }
0x182: {  	v10 =	vadd.f32 $9.999999930e-09, v10;
	_ =	sdelay $0x1  }
0x183: {  	(erf) = vrcp.f32 v10;
	_ =	sdelay $0x7  }
0x184: {  	v10 =	vld [tilespmem:s24+$0x20]  }
0x185: {  	v58 =	vpop (erf)  }
0x186: {  	v59 =	vimm.f32 $-Inf;
	v16 =	vmul.f32 v58, v16  }
0x187: {  	vm11 =	vgt.f32 v9, v59  }
0x188: {  	v9 =	vsel vm11, v9, v59;
	vm0 =	vgt.f32 v16, $5.000000000e-01  }
0x189: {  	vm12 =	vgt.f32 v11, v9;
	v10 =	vsel vm0, $0xFF800000, v10  }
0x18a: {  	v9 =	vsel vm12, v11, v9;
	[tilespmem:s24+$0x20] =	vst v10  }
0x18b: {  	vm13 =	vgt.f32 v12, v9;
	v11 =	vld [tilespmem:s26+$0x30]  }
0x18c: {  	v9 =	vsel vm13, v12, v9;
	v12 =	vld [tilespmem:s25+$0x30]  }
0x18d: {  	vm14 =	vgt.f32 v13, v9;
	v60 =	vld [tilespmem:s22+$0x30]  }
0x18e: {  	v9 =	vsel vm14, v13, v9;
	v13 =	vld [tilespmem:s21+$0x30];
	_ =	sdelay $0x1  }
0x18f: {  	vm15 =	vgt.f32 v14, v9  }
0x190: {  	v9 =	vsel vm15, v14, v9  }
0x191: {  	vm0 =	vgt.f32 v15, v9;
	v14 =	vmax.f32 v8, v11  }
0x192: {  	s30 =	sadd.s32 $0xFFFFFFA0, s12;
	s29 =	sadd.s32 $0xFFFFFFC0, s12;
	s28 =	sadd.s32 $0xFFFFFFD0, s12;
	v16 =	vsub.f32 v60, v11;
	v11 =	vsel vm0, v15, v9;
	v9 =	vsub.f32 v13, v12  }
0x193: {  	s31 =	sadd.s32 $0xFFFFFFF0, s12;
	s11 =	simm.s32 $0x28C0;
	s14 =	smov.u32 s12;
	v61 =	vmin.f32 v7, v60;
	v62 =	vmax.f32 v4, v12;
	v63 =	vmin.f32 v6, v13  }
0x194: {  	s19 =	smov.u32 s12;
	s8 =	simm.s32 $0xC0;
	s9 =	simm.s32 $0x14C0;
	v14 =	vsub.f32 v61, v14;
	v15 =	vsub.f32 v63, v62  }
0x195: {  	s6 =	simm.s32 $0x3CC0;
	s7 =	simm.s32 $0x5040;
	s5 =	simm.s32 $0x0;
	vm1 =	vgt.f32 v10, v11  }
0x196: {  	s0 =	sadd.s32 $0xFFFFFF90, s12;
	s26 =	sadd.s32 $0xFFFFFFB0, s12;
	s25 =	sadd.s32 $0xFFFFFFE0, s12;
	v13 =	vmul.f32 v9, v16;
	v12 =	vmax.f32 v14, $0.0e+00;
	v14 =	vmax.f32 v15, $0.0e+00;
	v9 =	vmovc v1  }
.LBB2_5:
0x197: {  	s5 =	sadd.s32 $0x8, s5;
	s19 =	sadd.s32 $0x80, s19;
	s24 =	sadd.s32 $0x80, s24  }
0x198: {  	v12 =	vmul.f32 v14, v12;
	v13 =	vadd.f32 v13, v5;
	s13 =	sadd.s32 $0xFFFFFF90, s19;
	s22 =	sadd.s32 $0xFFFFFFA0, s19;
	p1 =	slt.u32 s5, $0x130  }
0x199: {  	s1 =	sadd.s32 $0xFFFFFFB0, s19;
	s2 =	sadd.s32 $0xFFFFFFC0, s19;
	s20 =	sadd.s32 $0xFFFFFFD0, s19  }
0x19a: {  	s21 =	sadd.s32 $0xFFFFFFE0, s19;
	s16 =	sadd.s32 $0xFFFFFFF0, s19;
	v13 =	vsub.f32 v13, v12;
	_ =	sdelay $0x1  }
0x19b: {  	v13 =	vadd.f32 $9.999999930e-09, v13;
	_ =	sdelay $0x1  }
0x19c: {  	(erf) = vrcp.f32 v13;
	_ =	sdelay $0x6  }
0x19d: {  	v13 =	vor.u32 s0, v0;
	s0 =	smov.u32 s13  }
0x19e: {  	v9 =	vsel vm11, v13, v9;
	v13 =	vor.u32 s30, v0;
	s30 =	smov.u32 s22;
	v14 =	vld [tilespmem:s7+$0x30]  }
0x19f: {  	v9 =	vsel vm12, v13, v9;
	v13 =	vor.u32 s26, v0;
	s26 =	smov.u32 s1;
	v15 =	vpop (erf)  }
0x1a0: {  	v9 =	vsel vm13, v13, v9;
	v13 =	vor.u32 s29, v0;
	s29 =	smov.u32 s2;
	v12 =	vmul.f32 v15, v12  }
0x1a1: {  	v9 =	vsel vm14, v13, v9;
	v13 =	vor.u32 s28, v0;
	s28 =	smov.u32 s20;
	v15 =	vor.u32 s31, v0;
	s31 =	smov.u32 s16  }
0x1a2: {  	v9 =	vsel vm15, v13, v9;
	v13 =	vor.u32 s25, v0;
	s25 =	smov.u32 s21;
	vm11 =	vgt.f32 v12, $5.000000000e-01  }
0x1a3: {  	v10 =	vsel vm1, v10, v11;
	v9 =	vsel vm0, v13, v9;
	v11 =	vsel vm11, $0xFF800000, v14  }
0x1a4: {  	v9 =	vsel vm1, v15, v9;
	v12 =	vor.u32 s14, v0;
	s14 =	smov.u32 s19;
	[tilespmem:s7+$0x30] =	vst v11;
	vm0 =	vgt.f32 v11, v10;
	s7 =	smov.u32 s24  }
0x1a5: {  	v13 =	vld [tilespmem:s6+$0xFFFFFFC0];
	v10 =	vsel vm0, v11, v10;
	v9 =	vsel vm0, v12, v9  }
0x1a6: {  	v11 =	vld [tilespmem:s11+$0xFFFFFFC0]  }
0x1a7: {  	v12 =	vld [tilespmem:s9+$0xFFFFFFC0]  }
0x1a8: {  	v14 =	vld [tilespmem:s8+$0xFFFFFFC0];
	_ =	sdelay $0x3  }
0x1a9: {  	v17 =	vmin.f32 v6, v13;
	v16 =	vmin.f32 v7, v11;
	v15 =	vmax.f32 v4, v12  }
0x1aa: {  	v12 =	vsub.f32 v13, v12;
	v18 =	vmax.f32 v8, v14;
	v11 =	vsub.f32 v11, v14  }
0x1ab: {  	v14 =	vsub.f32 v17, v15;
	v13 =	vsub.f32 v16, v18  }
0x1ac: {  	v11 =	vmul.f32 v12, v11  }
0x1ad: {  	v12 =	vmax.f32 v13, $0.0e+00;
	v13 =	vmax.f32 v14, $0.0e+00  }
0x1ae: {  	v12 =	vmul.f32 v13, v12;
	v11 =	vadd.f32 v11, v5;
	_ =	sdelay $0x1  }
0x1af: {  	v11 =	vsub.f32 v11, v12;
	_ =	sdelay $0x1  }
0x1b0: {  	v11 =	vadd.f32 $9.999999930e-09, v11;
	_ =	sdelay $0x1  }
0x1b1: {  	(erf) = vrcp.f32 v11;
	_ =	sdelay $0x7  }
0x1b2: {  	v11 =	vld [tilespmem:s24+$0xFFFFFFC0]  }
0x1b3: {  	v13 =	vpop (erf)  }
0x1b4: {  	v12 =	vmul.f32 v13, v12;
	_ =	sdelay $0x1  }
0x1b5: {  	vm0 =	vgt.f32 v12, $5.000000000e-01  }
0x1b6: {  	v11 =	vsel vm0, $0xFF800000, v11  }
0x1b7: {  	[tilespmem:s24+$0xFFFFFFC0] =	vst v11  }
0x1b8: {  	v12 =	vld [tilespmem:s6+$0xFFFFFFD0]  }
0x1b9: {  	v13 =	vld [tilespmem:s11+$0xFFFFFFD0]  }
0x1ba: {  	v14 =	vld [tilespmem:s9+$0xFFFFFFD0]  }
0x1bb: {  	v15 =	vld [tilespmem:s8+$0xFFFFFFD0];
	_ =	sdelay $0x2  }
0x1bc: {  	v16 =	vmin.f32 v7, v13  }
0x1bd: {  	v18 =	vmin.f32 v6, v12;
	v17 =	vmax.f32 v4, v14;
	v12 =	vsub.f32 v12, v14  }
0x1be: {  	v14 =	vmax.f32 v8, v15;
	v17 =	vsub.f32 v18, v17;
	v13 =	vsub.f32 v13, v15  }
0x1bf: {  	v14 =	vsub.f32 v16, v14  }
0x1c0: {  	v15 =	vmax.f32 v17, $0.0e+00;
	v12 =	vmul.f32 v12, v13  }
0x1c1: {  	v13 =	vmax.f32 v14, $0.0e+00  }
0x1c2: {  	v13 =	vmul.f32 v15, v13;
	v12 =	vadd.f32 v12, v5;
	_ =	sdelay $0x1  }
0x1c3: {  	v12 =	vsub.f32 v12, v13;
	_ =	sdelay $0x1  }
0x1c4: {  	v12 =	vadd.f32 $9.999999930e-09, v12;
	_ =	sdelay $0x1  }
0x1c5: {  	(erf) = vrcp.f32 v12;
	_ =	sdelay $0x7  }
0x1c6: {  	v12 =	vld [tilespmem:s24+$0xFFFFFFD0]  }
0x1c7: {  	v14 =	vpop (erf)  }
0x1c8: {  	v13 =	vmul.f32 v14, v13;
	_ =	sdelay $0x1  }
0x1c9: {  	vm11 =	vgt.f32 v11, v10;
	vm0 =	vgt.f32 v13, $5.000000000e-01  }
0x1ca: {  	v10 =	vsel vm11, v11, v10;
	v11 =	vsel vm0, $0xFF800000, v12  }
0x1cb: {  	[tilespmem:s24+$0xFFFFFFD0] =	vst v11;
	vm12 =	vgt.f32 v11, v10  }
0x1cc: {  	v10 =	vsel vm12, v11, v10;
	v11 =	vld [tilespmem:s6+$0xFFFFFFE0]  }
0x1cd: {  	v12 =	vld [tilespmem:s9+$0xFFFFFFE0]  }
0x1ce: {  	v13 =	vld [tilespmem:s8+$0xFFFFFFE0]  }
0x1cf: {  	v14 =	vld [tilespmem:s11+$0xFFFFFFE0];
	_ =	sdelay $0x2  }
0x1d0: {  	v16 =	vmin.f32 v6, v11;
	v15 =	vmax.f32 v4, v12;
	v11 =	vsub.f32 v11, v12  }
0x1d1: {  	v12 =	vmax.f32 v8, v13  }
0x1d2: {  	v15 =	vsub.f32 v16, v15;
	v17 =	vmin.f32 v7, v14;
	v13 =	vsub.f32 v14, v13  }
0x1d3: {  	v12 =	vsub.f32 v17, v12  }
0x1d4: {  	v14 =	vmax.f32 v15, $0.0e+00;
	v11 =	vmul.f32 v11, v13  }
0x1d5: {  	v12 =	vmax.f32 v12, $0.0e+00  }
0x1d6: {  	v12 =	vmul.f32 v14, v12;
	v11 =	vadd.f32 v11, v5;
	_ =	sdelay $0x1  }
0x1d7: {  	v11 =	vsub.f32 v11, v12;
	_ =	sdelay $0x1  }
0x1d8: {  	v11 =	vadd.f32 $9.999999930e-09, v11;
	_ =	sdelay $0x1  }
0x1d9: {  	(erf) = vrcp.f32 v11;
	_ =	sdelay $0x7  }
0x1da: {  	v11 =	vld [tilespmem:s24+$0xFFFFFFE0]  }
0x1db: {  	v13 =	vpop (erf)  }
0x1dc: {  	v12 =	vmul.f32 v13, v12;
	_ =	sdelay $0x1  }
0x1dd: {  	vm0 =	vgt.f32 v12, $5.000000000e-01  }
0x1de: {  	v11 =	vsel vm0, $0xFF800000, v11  }
0x1df: {  	[tilespmem:s24+$0xFFFFFFE0] =	vst v11;
	vm13 =	vgt.f32 v11, v10  }
0x1e0: {  	v12 =	vld [tilespmem:s11+$0xFFFFFFF0]  }
0x1e1: {  	v13 =	vld [tilespmem:s9+$0xFFFFFFF0]  }
0x1e2: {  	v14 =	vld [tilespmem:s8+$0xFFFFFFF0]  }
0x1e3: {  	v15 =	vld [tilespmem:s6+$0xFFFFFFF0];
	_ =	sdelay $0x2  }
0x1e4: {  	v16 =	vmax.f32 v4, v13  }
0x1e5: {  	v18 =	vmin.f32 v7, v12;
	v17 =	vmax.f32 v8, v14;
	v12 =	vsub.f32 v12, v14  }
0x1e6: {  	v14 =	vmin.f32 v6, v15;
	v17 =	vsub.f32 v18, v17;
	v13 =	vsub.f32 v15, v13  }
0x1e7: {  	v14 =	vsub.f32 v14, v16  }
0x1e8: {  	v15 =	vmax.f32 v17, $0.0e+00;
	v12 =	vmul.f32 v13, v12  }
0x1e9: {  	v13 =	vmax.f32 v14, $0.0e+00  }
0x1ea: {  	v13 =	vmul.f32 v13, v15;
	v12 =	vadd.f32 v12, v5;
	_ =	sdelay $0x1  }
0x1eb: {  	v12 =	vsub.f32 v12, v13;
	_ =	sdelay $0x1  }
0x1ec: {  	v12 =	vadd.f32 $9.999999930e-09, v12;
	_ =	sdelay $0x1  }
0x1ed: {  	(erf) = vrcp.f32 v12;
	_ =	sdelay $0x7  }
0x1ee: {  	v12 =	vld [tilespmem:s24+$0xFFFFFFF0]  }
0x1ef: {  	v14 =	vpop (erf)  }
0x1f0: {  	v13 =	vmul.f32 v14, v13;
	_ =	sdelay $0x1  }
0x1f1: {  	vm0 =	vgt.f32 v13, $5.000000000e-01  }
0x1f2: {  	v10 =	vsel vm13, v11, v10;
	v11 =	vsel vm0, $0xFF800000, v12  }
0x1f3: {  	[tilespmem:s24+$0xFFFFFFF0] =	vst v11;
	vm14 =	vgt.f32 v11, v10  }
0x1f4: {  	v10 =	vsel vm14, v11, v10;
	v11 =	vld [tilespmem:s11+$0x0]  }
0x1f5: {  	v12 =	vld [tilespmem:s9+$0x0]  }
0x1f6: {  	v13 =	vld [tilespmem:s6+$0x0]  }
0x1f7: {  	v14 =	vld [tilespmem:s8+$0x0];
	_ =	sdelay $0x2  }
0x1f8: {  	v15 =	vmax.f32 v4, v12  }
0x1f9: {  	v16 =	vmin.f32 v7, v11;
	v12 =	vsub.f32 v13, v12  }
0x1fa: {  	v13 =	vmin.f32 v6, v13;
	v17 =	vmax.f32 v8, v14;
	v11 =	vsub.f32 v11, v14  }
0x1fb: {  	v13 =	vsub.f32 v13, v15;
	v14 =	vsub.f32 v16, v17  }
0x1fc: {  	v11 =	vmul.f32 v12, v11  }
0x1fd: {  	v13 =	vmax.f32 v13, $0.0e+00;
	v12 =	vmax.f32 v14, $0.0e+00  }
0x1fe: {  	v12 =	vmul.f32 v13, v12;
	v11 =	vadd.f32 v11, v5;
	_ =	sdelay $0x1  }
0x1ff: {  	v11 =	vsub.f32 v11, v12;
	_ =	sdelay $0x1  }
0x200: {  	v11 =	vadd.f32 $9.999999930e-09, v11;
	_ =	sdelay $0x1  }
0x201: {  	(erf) = vrcp.f32 v11;
	_ =	sdelay $0x7  }
0x202: {  	v11 =	vld [tilespmem:s24+$0x0]  }
0x203: {  	v13 =	vpop (erf)  }
0x204: {  	v12 =	vmul.f32 v13, v12;
	_ =	sdelay $0x1  }
0x205: {  	vm0 =	vgt.f32 v12, $5.000000000e-01  }
0x206: {  	v11 =	vsel vm0, $0xFF800000, v11  }
0x207: {  	[tilespmem:s24+$0x0] =	vst v11;
	vm15 =	vgt.f32 v11, v10  }
0x208: {  	v10 =	vsel vm15, v11, v10;
	v11 =	vld [tilespmem:s8+$0x10]  }
0x209: {  	v12 =	vld [tilespmem:s6+$0x10]  }
0x20a: {  	v13 =	vld [tilespmem:s9+$0x10]  }
0x20b: {  	v14 =	vld [tilespmem:s11+$0x10];
	_ =	sdelay $0x2  }
0x20c: {  	v15 =	vmin.f32 v6, v12  }
0x20d: {  	v16 =	vmax.f32 v8, v11;
	v17 =	vmax.f32 v4, v13;
	v12 =	vsub.f32 v12, v13  }
0x20e: {  	v13 =	vmin.f32 v7, v14;
	v15 =	vsub.f32 v15, v17;
	v11 =	vsub.f32 v14, v11  }
0x20f: {  	v13 =	vsub.f32 v13, v16  }
0x210: {  	v11 =	vmul.f32 v12, v11  }
0x211: {  	v12 =	vmax.f32 v13, $0.0e+00;
	v13 =	vmax.f32 v15, $0.0e+00  }
0x212: {  	v12 =	vmul.f32 v13, v12;
	v11 =	vadd.f32 v11, v5;
	_ =	sdelay $0x1  }
0x213: {  	v11 =	vsub.f32 v11, v12;
	_ =	sdelay $0x1  }
0x214: {  	v11 =	vadd.f32 $9.999999930e-09, v11;
	_ =	sdelay $0x1  }
0x215: {  	(erf) = vrcp.f32 v11;
	_ =	sdelay $0x7  }
0x216: {  	v11 =	vld [tilespmem:s24+$0x10]  }
0x217: {  	v13 =	vpop (erf)  }
0x218: {  	v12 =	vmul.f32 v13, v12;
	_ =	sdelay $0x1  }
0x219: {  	vm0 =	vgt.f32 v12, $5.000000000e-01  }
0x21a: {  	v11 =	vsel vm0, $0xFF800000, v11  }
0x21b: {  	[tilespmem:s24+$0x10] =	vst v11  }
0x21c: {  	v12 =	vld [tilespmem:s8+$0x20]  }
0x21d: {  	v13 =	vld [tilespmem:s9+$0x20]  }
0x21e: {  	v14 =	vld [tilespmem:s6+$0x20]  }
0x21f: {  	v15 =	vld [tilespmem:s11+$0x20];
	_ =	sdelay $0x2  }
0x220: {  	v16 =	vmax.f32 v4, v13  }
0x221: {  	v17 =	vmax.f32 v8, v12;
	v13 =	vsub.f32 v14, v13  }
0x222: {  	v14 =	vmin.f32 v6, v14;
	v18 =	vmin.f32 v7, v15;
	v12 =	vsub.f32 v15, v12  }
0x223: {  	v14 =	vsub.f32 v14, v16;
	v15 =	vsub.f32 v18, v17  }
0x224: {  	v12 =	vmul.f32 v13, v12  }
0x225: {  	v14 =	vmax.f32 v14, $0.0e+00;
	v13 =	vmax.f32 v15, $0.0e+00  }
0x226: {  	v13 =	vmul.f32 v14, v13;
	v12 =	vadd.f32 v12, v5;
	_ =	sdelay $0x1  }
0x227: {  	v12 =	vsub.f32 v12, v13;
	_ =	sdelay $0x1  }
0x228: {  	v12 =	vadd.f32 $9.999999930e-09, v12;
	_ =	sdelay $0x1  }
0x229: {  	(erf) = vrcp.f32 v12;
	_ =	sdelay $0x7  }
0x22a: {  	v12 =	vld [tilespmem:s24+$0x20]  }
0x22b: {  	v14 =	vpop (erf)  }
0x22c: {  	v13 =	vmul.f32 v14, v13;
	_ =	sdelay $0x1  }
0x22d: {  	vm0 =	vgt.f32 v11, v10;
	vm1 =	vgt.f32 v13, $5.000000000e-01  }
0x22e: {  	v11 =	vsel vm0, v11, v10;
	v10 =	vsel vm1, $0xFF800000, v12  }
0x22f: {  	[tilespmem:s24+$0x20] =	vst v10;
	vm1 =	vgt.f32 v10, v11  }
0x230: {  	v12 =	vld [tilespmem:s8+$0x30]  }
0x231: {  	v13 =	vld [tilespmem:s9+$0x30]  }
0x232: {  	v14 =	vld [tilespmem:s11+$0x30]  }
0x233: {  	v15 =	vld [tilespmem:s6+$0x30];
	_ =	sdelay $0x2  }
0x234: {  	v16 =	vmax.f32 v4, v13  }
.Ltmp1:
0x235: {  	v17 =	vmax.f32 v8, v12;
	v18 =	vmin.f32 v7, v14;
	v14 =	vsub.f32 v14, v12;
	(pc) =	sbr.rel @p1 .LBB2_5-.Ltmp1, $4  }
0x236: {  	v12 =	vmin.f32 v6, v15;
	v17 =	vsub.f32 v18, v17;
	v13 =	vsub.f32 v15, v13  }
0x237: {  	v15 =	vsub.f32 v12, v16  }
0x238: {  	s6 =	sadd.s32 $0x80, s6;
	v12 =	vmax.f32 v17, $0.0e+00;
	v13 =	vmul.f32 v13, v14  }
0x239: {  	s8 =	sadd.s32 $0x80, s8;
	s9 =	sadd.s32 $0x80, s9;
	s11 =	sadd.s32 $0x80, s11;
	v14 =	vmax.f32 v15, $0.0e+00  }
0x23a: {  	v12 =	vmul.f32 v14, v12;
	v13 =	vadd.f32 v13, v5;
	_ =	sdelay $0x1  }
0x23b: {  	v13 =	vsub.f32 v13, v12;
	_ =	sdelay $0x1  }
0x23c: {  	v13 =	vadd.f32 $9.999999930e-09, v13;
	_ =	sdelay $0x1  }
0x23d: {  	(erf) = vrcp.f32 v13;
	_ =	sdelay $0x7  }
0x23e: {  	v37 =	vld [tilespmem:s7+$0x30]  }
0x23f: {  	v38 =	vpop (erf)  }
0x240: {  	v12 =	vmul.f32 v38, v12;
	_ =	sdelay $0x1  }
0x241: {  	vm2 =	vgt.f32 v12, $5.000000000e-01  }
0x242: {  	v12 =	vsel vm2, $0xFF800000, v37  }
0x243: {  	[tilespmem:s7+$0x30] =	vst v12  }
0x244: {  	v39 =	vld [tilespmem:$0x1380]  }
0x245: {  	v40 =	vld [tilespmem:$0x2780]  }
0x246: {  	v15 =	vld [tilespmem:$0x3B80]  }
0x247: {  	v16 =	vld [tilespmem:$0x4F80]  }
0x248: {  	v17 =	vld [tilespmem:$0x1390]  }
0x249: {  	v18 =	vld [tilespmem:$0x3B90]  }
0x24a: {  	v19 =	vld [tilespmem:$0x2790]  }
0x24b: {  	v22 =	vld [tilespmem:$0x4F90]  }
0x24c: {  	v20 =	vmax.f32 v8, v39  }
0x24d: {  	v21 =	vmin.f32 v7, v15;
	v13 =	vsub.f32 v15, v39;
	v41 =	vmax.f32 v4, v40  }
0x24e: {  	v14 =	vsub.f32 v16, v40;
	v16 =	vmin.f32 v6, v16;
	v42 =	vmax.f32 v8, v17  }
0x24f: {  	v43 =	vmin.f32 v7, v18;
	v44 =	vsub.f32 v18, v17;
	v4 =	vmax.f32 v4, v19  }
0x250: {  	v45 =	vmin.f32 v6, v22;
	v20 =	vsub.f32 v21, v20;
	v15 =	vsub.f32 v16, v41  }
0x251: {  	v46 =	vsub.f32 v22, v19;
	v7 =	vsub.f32 v43, v42;
	v13 =	vmul.f32 v14, v13  }
0x252: {  	v4 =	vsub.f32 v45, v4;
	v47 =	vmax.f32 v20, $0.0e+00;
	v15 =	vmax.f32 v15, $0.0e+00  }
0x253: {  	v8 =	vmul.f32 v46, v44;
	v6 =	vmul.f32 v15, v47;
	v13 =	vadd.f32 v13, v5  }
0x254: {  	v7 =	vmax.f32 v7, $0.0e+00;
	v4 =	vmax.f32 v4, $0.0e+00  }
0x255: {  	v4 =	vmul.f32 v4, v7;
	v5 =	vadd.f32 v8, v5;
	v13 =	vsub.f32 v13, v6;
	_ =	sdelay $0x1  }
0x256: {  	v5 =	vsub.f32 v5, v4;
	v48 =	vadd.f32 $9.999999930e-09, v13;
	_ =	sdelay $0x1  }
0x257: {  	v5 =	vadd.f32 $9.999999930e-09, v5;
	(erf) = vrcp.f32 v48;
	_ =	sdelay $0x1  }
0x258: {  	(erf) = vrcp.f32 v5;
	_ =	sdelay $0x5  }
0x259: {  	v5 =	vld [tilespmem:$0x6380]  }
0x25a: {  	v7 =	vpop (erf)  }
0x25b: {  	v49 =	vld [tilespmem:$0x6390];
	v6 =	vmul.f32 v7, v6  }
0x25c: {  	v50 =	vsel vm1, v10, v11;
	v51 =	vpop (erf)  }
0x25d: {  	vm2 =	vgt.f32 v12, v50;
	v4 =	vmul.f32 v51, v4;
	vm3 =	vgt.f32 v6, $5.000000000e-01  }
0x25e: {  	v52 =	vsel vm2, v12, v50;
	v5 =	vsel vm3, $0xFF800000, v5  }
0x25f: {  	vm6 =	vgt.f32 v4, $5.000000000e-01;
	vm3 =	vgt.f32 v5, v52  }
0x260: {  	v53 =	vsel vm6, $0xFF800000, v49;
	v4 =	vsel vm3, v5, v52  }
0x261: {  	v54 =	vor.u32 s0, v0;
	vm6 =	vgt.f32 v53, v4  }
0x262: {  	v55 =	vor.u32 s30, v0;
	v7 =	vsel vm11, v54, v9;
	v4 =	vsel vm6, v53, v4  }
0x263: {  	v56 =	vor.u32 s26, v0;
	v7 =	vsel vm12, v55, v7;
	(xrf0) =	vmax.scan.msk.f32 $0xffff, v4  }
0x264: {  	v57 =	vor.u32 s29, v0;
	v7 =	vsel vm13, v56, v7  }
0x265: {  	v58 =	vor.u32 s28, v0;
	v7 =	vsel vm14, v57, v7  }
0x266: {  	v59 =	vor.u32 s25, v0;
	v7 =	vsel vm15, v58, v7  }
0x267: {  	v60 =	vor.u32 s31, v0;
	v7 =	vsel vm0, v59, v7  }
0x268: {  	v61 =	vor.u32 s14, v0;
	v7 =	vsel vm1, v60, v7  }
0x269: {  	v7 =	vsel vm2, v61, v7;
	v62, _, _ =	vpop (xrf0)  }
0x26a: {  	v7 =	vsel vm3, v2, v7;
	v63 =	vbroadcast v62, $0xF  }
0x26b: {  	v7 =	vsel vm6, v3, v7  }
0x26c: {  	vm15 =	veq.f32 v4, v63;
	v4 =	vxor.u32 $0x80000000, v7  }
0x26d: {  	v4 =	vnsel vm15, $0xC0000000, v4  }
0x26e: {  	(xrf0) =	vmin.scan.msk.u32 $0xffff, v4;
	_ =	sdelay $0x5  }
0x26f: {  	(v2sf) =	vpush v62, $0xF;
	v4, _, _ =	vpop (xrf0)  }
0x270: {  	(v2sf) =	vpush v4, $0xF;
	_ =	sdelay $0x8  }
0x271: {  	s23 =	sadd.s32 $0x1, s23  }
0x272: {  	p1 =	sne.s32 s23, $0x64  }
.Ltmp2:
0x273: {  	_ = 	snop;
	(pc) =	sbr.rel @p1 .LBB2_4-.Ltmp2, $3  }
0x274: {  	_ =	sdelay $0x1  }
0x275: {  	[tilespmem:$0x6380] =	vst v5;
	s0 =	spop (v2sf)  }
0x276: {  	[tilespmem:$0x6390] =	vst v53;
	s5 =	spop (v2sf)  }
0x277: {  	s0 =	simm.s32 @!p0 $0x0;
	s1 =	simm.s32 @!p0 $0x6400;
	s2 =	rddreg [dreg:$0xd]  }
0x278: {  	[hbm4b:s2+s0] =	stream.linear.scatter @!p0 [tilespmem:s1], [sflag:$0x1], $0x80, $0x38;
	[tilespmem:$0x6620] =	vst v63  }
0x279: {  	s1 =	simm.s32 @!p0 $0x1  }
0x27a: {  	_ =	swait.ge @!p0 [sflag:s1], $0x80  }
0x27b: {  	[sflag:s1] =	ssyncset.done @!p0 $0x0  }
0x27c: {  	s2 =	simm.s32 @!p0 $0x6480;
	s5 =	rddreg [dreg:$0xe];
	[sflag:s1] =	ssyncadd.s32 @!p0 $0xFFFFFF80  }
0x27d: {  	[hbm4b:s5+s0] =	stream.linear.scatter @!p0 [tilespmem:s2], [sflag:$0x1], $0x80, $0x38;
	[tilespmem:$0x6620] =	vst v63  }
0x27e: {  	_ =	swait.ge @!p0 [sflag:s1], $0x80  }
0x27f: {  	s30 =	rddreg [dreg:$0x10]  }
0x280: {  	s31 =	rddreg [dreg:$0xf];
	s2 =	sadd.s32 $0x1, s30  }
0x281: {  	p1 =	sne.s32 s2, s31  }
.Ltmp3:
0x282: {  	_ = 	snop;
	(pc) =	sbr.rel @p1 .LBB2_1-.Ltmp3, $3  }
0x283: {  	_ =	sdelay $0x1  }
0x284: {  	[sflag:s1] =	ssyncset.done @!p0 $0x0  }
0x285: {  	[sflag:s1] =	ssyncadd.s32 @!p0 $0xFFFFFF80  }
0x286: {  	_ =	sfence.sel $0x180000  }
0x287: {  	[bflag:$0x0] =	sbarrier.arrive $0xFFFF  }
0x288: {  	_ =	strace $0x90000047  }
0x289: {  	s0 =	stileid.u32;
	[bflag:$0x2] =	sbarrier.arrive $0xFFFF  }
0x28a: {  	p0 =	sne.s32 s0, $0x0;
	s0 =	rddreg [dreg:$0x7]  }
0x28b: {  	s0 =	sadd.s32 @!p0 $0x100000, s0  }
0x28c: {  	[sflag:s0] =	ssyncadd.tile.s32 @!p0 $0x1;
	_ =	shalt  }
.Lfunc_end2:
_tile_overlayer_lowered:
.L_overlay_start_2:
0x28d: {  	(tag) =	ssettag $0x2  }
0x28e: {  	s0 =	rddreg [dreg:$0x0];
	s2 =	stileid.u32  }
0x28f: {  	s1 =	rddreg [dreg:$0x1];
	p0 =	sne.s32 s2, $0x0  }
0x290: {  	s3 =	rddreg [dreg:$0x2];
	[bflag:$0x3] =	sbarrier.arrive $0xFFFF;
	s2 =	simm.s32 @!p0 $0x1C01  }
0x291: {  	[timem:s3], [sflag:s2] =	dma.local @!p0 [hbm:s0], s1  }
0x292: {  	s0 =	simm.s32 @!p0 $0x1  }
0x293: {  	_ =	swait.ge @!p0 [sflag:s0], s1  }
0x294: {  	s1 =	ssub.s32 @!p0 $0x0, s1;
	[sflag:s0] =	ssyncset.done @!p0 $0x0  }
0x295: {  	[sflag:s0] =	ssyncadd.s32 @!p0 s1  }
0x296: {  	[bflag:$0x3] =	sbarrier.arrive $0xFFFF  }
0x297: {  	_ =	shalt  }

// kernel: _sc_filter.7.cloned.1.call-start
scs
__scs_entry_jumppad:
0x0: {  	(pc) =	sbr.rel $0x88, $3  }
0x1: {  	(tag) =	ssettag $0x0;
	lr =	simm.s32 $0x1  }
0x2: {  	[smem:$0x3F92] =	sst lr;
	_ =	strace $0xD0000000  }
0x3: {  	_ = 	snop  }
0x4: {  	_ = 	snop  }
0x5: {  	_ = 	snop  }
0x6: {  	_ = 	snop  }
0x7: {  	_ = 	snop  }
__scs_overlays_trampoline_lowered:
0x8: {  	[smem:$0x3FA1] =	sst s0  }
0x9: {  	[smem:$0x3FA2] =	sst s1  }
0xa: {  	[smem:$0x3FA3] =	sst s2  }
0xb: {  	[smem:$0x3FA4] =	sst s3  }
0xc: {  	[smem:$0x3FA5] =	sst s4  }
0xd: {  	[smem:$0x3FA6] =	sst s5  }
0xe: {  	[smem:$0x3FA7] =	sst s6  }
0xf: {  	[smem:$0x3FA8] =	sst s7  }
0x10: {  	[smem:$0x3FA9] =	sst s8  }
0x11: {  	[smem:$0x3FAA] =	sst s9;
	s0 =	simm.s32 @!p0 $0x0  }
0x12: {  	s1 =	sld [smem:$0x3F90];
	s0 =	simm.s32 @p0 $0x1  }
0x13: {  	[smem:$0x3FAB] =	sst s0;
	s0 =	simm.s32 @!p1 $0x0  }
0x14: {  	s2 =	sld [smem:$0x3F8F];
	s0 =	simm.s32 @p1 $0x1  }
0x15: {  	[smem:$0x3FAC] =	sst s0;
	s0 =	simm.s32 @!p2 $0x0  }
0x16: {  	s3 =	sld [smem:$0x3FDB];
	s0 =	simm.s32 @p2 $0x1  }
0x17: {  	s4 =	simm.s32 $0x1BF5;
	[smem:$0x3FAE] =	sst s0  }
0x18: {  	s0 =	sld [smem:$0x3F91];
	_ =	swait.ge [sflag:s4], $0x0  }
0x19: {  	s7 =	sld [smem:$0x3F92]  }
0x1a: {  	s8 =	sadd.s32 $0xFFFFE003, lr  }
0x1b: {  	s9 =	sadd.s32 $0xFFFFFEF7, lr;
	s5 =	simm.s32 $0xFFFFFFFF;
	p2 =	slt.u32 s8, $0xFFFFF086  }
0x1c: {  	p1 =	slt.u32 s9, $0xF7A;
	s5 =	simm.s32 @!p2 $0x0  }
0x1d: {  	s5 =	simm.s32 @p1 $0x1;
	p0 =	seq.s32 s7, s2  }
0x1e: {  	s7 =	smul.u32 @!p0 $0xF7A, s2;
	p2 =	seq.s32 @!p0 s5, $0x0  }
0x1f: {  	s9 =	smul.u32 $0xF7A, s1;
	s8 =	simm.s32 @!p0 $0x1BF5;
	p2 =	por !p2, p0  }
0x20: {  	[sflag:s8] =	ssyncset.s32 @!p0 $0xFFFFF086;
	s6 =	sadd.s32 @!p0 s3, s7;
	s7 =	simm.s32 @!p0 $0x108  }
0x21: {  	s3 =	sadd.s32 s3, s9;
	s6 =	sadd.s32 @!p0 $0x88, s6;
	s7 =	simm.s32 @p2 $0x1082  }
0x22: {  	[simem:s7], [sflag:s8] =	dma.local @!p0 [hbm:s6], $0xF7A  }
0x23: {  	s9 =	sor.u32 $0xD0000000, s2;
	s6 =	simm.s32 $0x108;
	_ =	swait.ge @!p0 [sflag:s8], $0x0  }
0x24: {  	s3 =	sadd.s32 $0x88, s3;
	s6 =	simm.s32 @!p1 $0x1082;
	[sflag:s4] =	ssyncset.s32 $0xFFFFF086  }
0x25: {  	[simem:s6], [sflag:s4] =	dma.local [hbm:s3], $0xF7A  }
0x26: {  	[smem:$0x3F92] =	sst s1;
	(tag) =	ssettag s2;
	_ =	strace s9  }
0x27: {  	s1 =	sld [smem:$0x3FA2]  }
0x28: {  	s2 =	sld [smem:$0x3FA3]  }
0x29: {  	s4 =	sld [smem:$0x3FA5]  }
0x2a: {  	p0 =	seq.s32 s5, $0x0;
	s5 =	sld [smem:$0x3FA6]  }
0x2b: {  	s6 =	sld [smem:$0x3FA7]  }
0x2c: {  	s7 =	sld [smem:$0x3FA8]  }
0x2d: {  	s3 =	simm.s32 $0x108;
	s8 =	sld [smem:$0x3FA9]  }
0x2e: {  	s3 =	simm.s32 @!p0 $0x1082;
	s9 =	sld [smem:$0x3FAA]  }
0x2f: {  	lr =	sadd.s32 s0, s3;
	s0 =	sld [smem:$0x3FA1]  }
0x30: {  	s3 =	sld [smem:$0x3FA4]  }
0x31: {  	[smem:$0x3FAD] =	sst s10  }
0x32: {  	s10 =	sld [smem:$0x3FAB];
	_ =	sdelay $0x3  }
0x33: {  	p0 =	seq.s32 s10, $0x1;
	s10 =	sld [smem:$0x3FAD];
	_ =	sdelay $0x3  }
0x34: {  	[smem:$0x3FAD] =	sst s10  }
0x35: {  	s10 =	sld [smem:$0x3FAC];
	_ =	sdelay $0x3  }
0x36: {  	p1 =	seq.s32 s10, $0x1;
	s10 =	sld [smem:$0x3FAD];
	_ =	sdelay $0x3  }
0x37: {  	[smem:$0x3FAD] =	sst s10  }
0x38: {  	s10 =	sld [smem:$0x3FAE]  }
0x39: {  	_ = 	snop;
	(pc) =	sbr.ind lr, $3  }
0x3a: {  	_ = 	snop  }
0x3b: {  	_ = 	snop  }
0x3c: {  	p2 =	seq.s32 s10, $0x1;
	s10 =	sld [smem:$0x3FAD]  }
0x3d: {  	_ =	shalt  }
0x3e: {  	_ =	shalt  }
0x3f: {  	_ =	shalt  }
0x40: {  	_ =	shalt  }
0x41: {  	_ =	shalt  }
0x42: {  	_ =	shalt  }
0x43: {  	_ =	shalt  }
0x44: {  	_ =	shalt  }
0x45: {  	_ =	shalt  }
0x46: {  	_ =	shalt  }
0x47: {  	_ =	shalt  }
0x48: {  	_ =	shalt  }
0x49: {  	_ =	shalt  }
0x4a: {  	_ =	shalt  }
0x4b: {  	_ =	shalt  }
0x4c: {  	_ =	shalt  }
0x4d: {  	_ =	shalt  }
0x4e: {  	_ =	shalt  }
0x4f: {  	_ =	shalt  }
0x50: {  	_ =	shalt  }
0x51: {  	_ =	shalt  }
0x52: {  	_ =	shalt  }
0x53: {  	_ =	shalt  }
0x54: {  	_ =	shalt  }
0x55: {  	_ =	shalt  }
0x56: {  	_ =	shalt  }
0x57: {  	_ =	shalt  }
0x58: {  	_ =	shalt  }
0x59: {  	_ =	shalt  }
0x5a: {  	_ =	shalt  }
0x5b: {  	_ =	shalt  }
0x5c: {  	_ =	shalt  }
0x5d: {  	_ =	shalt  }
0x5e: {  	_ =	shalt  }
0x5f: {  	_ =	shalt  }
0x60: {  	_ =	shalt  }
0x61: {  	_ =	shalt  }
0x62: {  	_ =	shalt  }
0x63: {  	_ =	shalt  }
0x64: {  	_ =	shalt  }
0x65: {  	_ =	shalt  }
0x66: {  	_ =	shalt  }
0x67: {  	_ =	shalt  }
0x68: {  	_ =	shalt  }
0x69: {  	_ =	shalt  }
0x6a: {  	_ =	shalt  }
0x6b: {  	_ =	shalt  }
0x6c: {  	_ =	shalt  }
0x6d: {  	_ =	shalt  }
0x6e: {  	_ =	shalt  }
0x6f: {  	_ =	shalt  }
0x70: {  	_ =	shalt  }
0x71: {  	_ =	shalt  }
0x72: {  	_ =	shalt  }
0x73: {  	_ =	shalt  }
0x74: {  	_ =	shalt  }
0x75: {  	_ =	shalt  }
0x76: {  	_ =	shalt  }
0x77: {  	_ =	shalt  }
0x78: {  	_ =	shalt  }
0x79: {  	_ =	shalt  }
0x7a: {  	_ =	shalt  }
0x7b: {  	_ =	shalt  }
0x7c: {  	_ =	shalt  }
0x7d: {  	_ =	shalt  }
0x7e: {  	_ =	shalt  }
0x7f: {  	_ =	shalt  }
0x80: {  	_ =	shalt  }
0x81: {  	_ =	shalt  }
0x82: {  	_ =	shalt  }
0x83: {  	_ =	shalt  }
0x84: {  	_ =	shalt  }
0x85: {  	_ =	shalt  }
0x86: {  	_ =	shalt  }
0x87: {  	_ =	shalt  }
.Lfunc_end0:
.L_simem_size_0:
called_computation.1_lowered:
.L_overlay_start_0:
0x88: {  	s2 =	sld [smem:$0x3FD9]  }
0x89: {  	s3 =	sld [smem:$0x3FFE];
	_ =	sdelay $0x1  }
0x8a: {  	s1 =	srdreg.scid  }
0x8b: {  	s0 =	sand.u32 $0x1, s1  }
0x8c: {  	s22 =	sshll.u32 s0, $0xA;
	s2 =	sadd.s32 s3, s2  }
0x8d: {  	s2 =	sadd.s32 s2, s22  }
0x8e: {  	[smem:$0x3FB9] =	sst s2  }
0x8f: {  	_ = 	snop  }
0x90: {  	s2 =	sld [smem:$0x3FC4]  }
0x91: {  	s3 =	sld [smem:$0x3FC3]  }
0x92: {  	s4 =	sld [smem:$0x3FC2]  }
0x93: {  	s5 =	sld [smem:$0x3FC1]  }
0x94: {  	s6 =	sld [smem:$0x3FC0]  }
0x95: {  	s7 =	sld [smem:$0x3FBF]  }
0x96: {  	s8 =	sld [smem:$0x3FBE]  }
0x97: {  	s12 =	sld [smem:$0x3FD0]  }
0x98: {  	s9 =	sld [smem:$0x3FBD]  }
0x99: {  	s10 =	sld [smem:$0x3FBC]  }
0x9a: {  	s15 =	simm.s32 $0xA;
	s13 =	simm.s32 $0x10;
	s11 =	sld [smem:$0x3FBB]  }
0x9b: {  	[smem:s13], [sflag:s15] =	dma.local [hbm:s12], $0x1  }
0x9c: {  	_ =	swait.eq [sflag:s15], $0x1  }
0x9d: {  	s12 =	sld [smem:$0x10]  }
0x9e: {  	s13 =	sld [smem:$0x11]  }
0x9f: {  	s14 =	sld [smem:$0x12];
	[sflag:s15] =	ssyncset.done $0x0  }
0xa0: {  	s16 =	sld [smem:$0x13];
	[sflag:s15] =	ssyncadd.s32 $0xFFFFFFFF  }
0xa1: {  	s17 =	sld [smem:$0x14];
	(tm) =	ssettm $0x1  }
0xa2: {  	s23 =	sld [smem:$0x3FFB];
	_ =	sdelay $0x3  }
0xa3: {  	_ =	strace s23  }
0xa4: {  	s15 =	sld [smem:$0x3FFC];
	_ =	sdelay $0x3  }
0xa5: {  	_ =	strace s15  }
0xa6: {  	s15 =	sld [smem:$0x3FFD];
	_ =	sdelay $0x3  }
0xa7: {  	_ =	strace s15  }
0xa8: {  	_ =	strace $0x8FFFFFFF  }
0xa9: {  	s24 =	sld [smem:$0x3FDB];
	_ =	sdelay $0x1  }
0xaa: {  	s18 =	simm.s32 $_scs_section_size  }
0xab: {  	s19 =	simm.s32 $_size__tile_task_arg_handler_lowered;
	s20 =	simm.s32 $_tile_task_arg_handler_lowered  }
0xac: {  	s28 =	simm.s32 $0x1BFF;
	s26 =	sshll.u32 s20, $0x1;
	s18 =	sadd.s32 s18, s24  }
0xad: {  	s21 =	simm.s32 $0x60;
	s25 =	sshll.u32 s19, $0x1;
	s19 =	sadd.s32 s26, s18  }
0xae: {  	[timem:s21], [sflag:s28] =	dma.local [hbm:s19], s25  }
0xaf: {  	_ =	swait.ge [sflag:s28], s25  }
0xb0: {  	s29 =	simm.s32 $_tile_overlayer_lowered;
	s15 =	ssub.s32 $0x0, s25;
	[sflag:s28] =	ssyncset.done $0x0  }
0xb1: {  	s30 =	simm.s32 $_size__tile_overlayer_lowered;
	s19 =	sshll.u32 s29, $0x1;
	[sflag:s28] =	ssyncadd.s32 s15  }
0xb2: {  	s31 =	sshll.u32 s30, $0x1;
	s19 =	sadd.s32 s19, s18;
	s15 =	simm.s32 $0x0  }
0xb3: {  	[timem:s15], [sflag:s28] =	dma.local [hbm:s19], s31  }
0xb4: {  	_ =	swait.ge [sflag:s28], s31  }
0xb5: {  	s22 =	ssub.s32 $0x0, s31;
	[sflag:s28] =	ssyncset.done $0x0  }
0xb6: {  	[sflag:s28] =	ssyncadd.s32 s22;
	_ =	sdelay $0x1  }
0xb7: {  	s23 =	simm.s32 $0x1B8B  }
0xb8: {  	_ =	swait.ge [sflag:s23], $0x1  }
0xb9: {  	[sflag:s23] =	ssyncset.done $0x0  }
0xba: {  	s25 =	simm.s32 $0x1B8E;
	s24 =	sld [smem:$0x3FFE];
	[sflag:s23] =	ssyncadd.s32 $0xFFFFFFFF  }
0xbb: {  	s26 =	simm.s32 $execute0_lowered;
	[smem:$0x3FD2] =	sst s25  }
0xbc: {  	s20 =	sshll.u32 s26, $0x1;
	_ =	strace $0x80000049;
	[dreg:$0x1] =	wrdreg $0xFFFFFFFF  }
0xbd: {  	s18 =	sadd.s32 s18, s20;
	s28 =	simm.s32 $_size_execute0_lowered;
	[dreg:$0x0] =	wrdreg $0x0  }
0xbe: {  	s20 =	sshll.u32 s28, $0x1;
	[dreg:$0x2] =	wrdreg s18  }
0xbf: {  	[dreg:$0x3] =	wrdreg s20  }
0xc0: {  	[dreg:$0x4] =	wrdreg $0xC0  }
0xc1: {  	_ =	task [dreg:s15], $0x5FFFF  }
0xc2: {  	[dreg:$0x1] =	wrdreg $0xFFFFFFFF  }
0xc3: {  	[dreg:$0x0] =	wrdreg $0x30  }
0xc4: {  	[dreg:$0x2] =	wrdreg $0x0  }
0xc5: {  	[dreg:$0x3] =	wrdreg s16  }
0xc6: {  	[dreg:$0x4] =	wrdreg s17  }
0xc7: {  	[dreg:$0x5] =	wrdreg $0x147080  }
0xc8: {  	[dreg:$0x6] =	wrdreg $0x147000  }
0xc9: {  	[dreg:$0x7] =	wrdreg $0x9  }
0xca: {  	_ =	task [dreg:s15], $0x8FFFF  }
0xcb: {  	[dreg:$0x1] =	wrdreg $0xFFFFFFFF  }
0xcc: {  	[dreg:$0x0] =	wrdreg $0x60  }
0xcd: {  	[dreg:$0x2] =	wrdreg s24  }
0xce: {  	[dreg:$0x3] =	wrdreg s2  }
0xcf: {  	[dreg:$0x4] =	wrdreg s3  }
0xd0: {  	[dreg:$0x5] =	wrdreg s4  }
0xd1: {  	[dreg:$0x6] =	wrdreg s5  }
0xd2: {  	[dreg:$0x7] =	wrdreg s6  }
0xd3: {  	[dreg:$0x8] =	wrdreg s7  }
0xd4: {  	[dreg:$0x9] =	wrdreg s8  }
0xd5: {  	[dreg:$0xa] =	wrdreg s9  }
0xd6: {  	[dreg:$0xb] =	wrdreg s10  }
0xd7: {  	[dreg:$0xc] =	wrdreg s11  }
0xd8: {  	[dreg:$0xd] =	wrdreg s12  }
0xd9: {  	[dreg:$0xe] =	wrdreg s13  }
0xda: {  	[dreg:$0xf] =	wrdreg s14  }
0xdb: {  	_ =	task.clear_ibuf [dreg:s15], $0x10FFFF;
	_ =	strace $0x90000049  }
0xdc: {  	s29 =	simm.s32 $0x9;
	_ =	strace $0x8000004B  }
0xdd: {  	_ =	swait.ge [sflag:s29], $0x1  }
0xde: {  	[sflag:s29] =	ssyncadd.s32 $0xFFFFFFFF  }
0xdf: {  	_ =	strace $0x9000004B  }
0xe0: {  	_ =	sfence  }
0xe1: {  	s30 =	sld [smem:$0x0];
	_ =	sdelay $0x2  }
0xe2: {  	s31 =	sshll.u32 s1, $0xD;
	s1 =	sshrl.u32 s1, $0x2  }
0xe3: {  	s3 =	sand.u32 $0x4000, s31;
	s1 =	sadd.s32 s1, s30  }
0xe4: {  	s0 =	sor.u32 s3, s0;
	s1 =	sshll.u32 s1, $0x11  }
0xe5: {  	s0 =	sor.u32 s1, s0  }
0xe6: {  	s0 =	sadd.s32 $0x8F2B, s0  }
0xe7: {  	[sflag:s0] =	ssyncadd.remote.s32 $0x1  }
0xe8: {  	_ =	sfence.sel $0xFFFF  }
0xe9: {  	[dreg:$0x0] =	wrdreg $0xFFFFFFFF;
	(pc) =	sbr.abs _section_cstart, $3  }
0xea: {  	[dreg:$0x1] =	wrdreg $0xFFFFFFFF  }
0xeb: {  	_ =	task.clear_ibuf [dreg:s15], $0x2FFFF;
	_ =	strace $0x9FFFFFFF  }
0xec: {  	(tm) =	ssettm $0x7FFFFFFF  }
0xed: {  	_ =	shalt  }
tec
_tile_task_arg_handler_lowered:
.L_overlay_start_1:
0x0: {  	(tag) =	ssettag $0x1  }
0x1: {  	s0 =	rddreg [dreg:$0x0]  }
0x2: {  	s1 =	rddreg [dreg:$0x1]  }
0x3: {  	s2 =	rddreg [dreg:$0x2]  }
0x4: {  	s3 =	rddreg [dreg:$0x3]  }
0x5: {  	s4 =	rddreg [dreg:$0x4]  }
0x6: {  	s5 =	rddreg [dreg:$0x5]  }
0x7: {  	s6 =	rddreg [dreg:$0x6]  }
0x8: {  	s7 =	rddreg [dreg:$0x7]  }
0x9: {  	s8 =	rddreg [dreg:$0x8]  }
0xa: {  	s9 =	rddreg [dreg:$0x9]  }
0xb: {  	s10 =	rddreg [dreg:$0xa]  }
0xc: {  	s11 =	rddreg [dreg:$0xb]  }
0xd: {  	s12 =	rddreg [dreg:$0xc]  }
0xe: {  	s13 =	rddreg [dreg:$0xd]  }
0xf: {  	[smem:s0] =	sst s1  }
0x10: {  	[smem:s0+$0x1] =	sst s2  }
0x11: {  	[smem:s0+$0x2] =	sst s3  }
0x12: {  	[smem:s0+$0x3] =	sst s4  }
0x13: {  	[smem:s0+$0x4] =	sst s5  }
0x14: {  	[smem:s0+$0x5] =	sst s6  }
0x15: {  	[smem:s0+$0x6] =	sst s7  }
0x16: {  	[smem:s0+$0x7] =	sst s8  }
0x17: {  	[smem:s0+$0x8] =	sst s9  }
0x18: {  	[smem:s0+$0x9] =	sst s10  }
0x19: {  	[smem:s0+$0xA] =	sst s11  }
0x1a: {  	[smem:s0+$0xB] =	sst s12  }
0x1b: {  	[smem:s0+$0xC] =	sst s13;
	_ =	shalt  }
.Lfunc_end2:
execute0_lowered:
.L_overlay_start_2:
0x1c: {  	(tag) =	ssettag $0x2  }
0x1d: {  	s4 =	rddreg [dreg:$0x0]  }
0x1e: {  	s0 =	rddreg [dreg:$0x1]  }
0x1f: {  	s1 =	rddreg [dreg:$0x2]  }
0x20: {  	s2 =	rddreg [dreg:$0x3]  }
0x21: {  	s3 =	rddreg [dreg:$0x4]  }
0x22: {  	s10 =	rddreg [dreg:$0xb]  }
0x23: {  	s13 =	rddreg [dreg:$0xd]  }
0x24: {  	s14 =	sld [smem:$0x0]  }
0x25: {  	s15 =	sld [smem:$0x1]  }
0x26: {  	s16 =	sld [smem:$0x2]  }
0x27: {  	s17 =	sld [smem:$0x3];
	s5 =	srdreg.scid  }
0x28: {  	s6 =	sld [smem:$0x4];
	s7 =	stileid.u32;
	s22 =	simm.s32 $0x0  }
0x29: {  	s23 =	simm.s32 $0x1;
	s24 =	simm.s32 $0x4E80;
	s28 =	simm.s32 $0x13A00  }
0x2a: {  	s29 =	simm.s32 $0x13E00;
	s30 =	simm.s32 $0x14200;
	s31 =	simm.s32 $0x14280  }
0x2b: {  	s12 =	simm.s32 $0x14300;
	s8 =	simm.s32 $0x14400;
	s9 =	simm.s32 $0x14480  }
0x2c: {  	s18 =	simm.s32 $0x14500;
	s5 =	sand.u32 $0x1, s5;
	s19 =	sadd.s32 $0xE00, s4  }
0x2d: {  	v0 =	vimm.s32 $0x380;
	vm0 =	vcmask $0x300;
	s20 =	sadd.s32 $0x1000, s4;
	p1 =	seq.s32 s7, $0x1;
	p2 =	seq.s32 s7, $0x2  }
0x2e: {  	p3 =	seq.s32 s7, $0x3;
	v0 =	vsel vm0, $0x0, v0;
	vm0 =	vcmask $0x704;
	s25 =	ssub.s32 $0x2, s5;
	p0 =	seq.s32 s5, $0x0  }
0x2f: {  	v0 =	vsel vm0, $0x80, v0;
	vm0 =	vcmask $0xB08;
	s5 =	sor.u32 s7, s5;
	s7 =	simm.s32 $0x14380;
	[dreg:$0xe] =	wrdreg s6  }
.Ltmp0:
0x30: {  	vm1 =	vcmask $0x1B18;
	s26 =	sshrl.u32 s25, $0x1;
	p1 =	por !p0, !p1;
	v0 =	vsel vm0, $0x100, v0;
	vm0 =	vcmask $0xF0C;
	(pc) =	sbr.rel .LBB3_1-.Ltmp0, $4  }
0x31: {  	v2 =	vlaneseq.u32;
	p2 =	por !p0, !p2;
	p3 =	por !p0, !p3;
	_ =	strace $0x8000004A;
	v0 =	vsel vm0, $0x180, v0;
	vm0 =	vcmask $0x1310  }
0x32: {  	v4 =	vimm.s32 $0x0;
	s4 =	ssub.s32 s25, s26;
	p0 =	por !p1, !p1;
	p1 =	por !p2, !p2;
	v1 =	vsel vm0, $0x200, v0;
	vm0 =	vcmask $0x1714  }
0x33: {  	v5 =	vimm.f32 $0.0e+00;
	v3 =	vor.u32 $0x80000000, v2;
	p2 =	por !p3, !p3;
	p3 =	sne.s32 s5, $0x0;
	s25 =	simm.s32 $0x9D00;
	v1 =	vsel vm0, $0x280, v1  }
0x34: {  	s26 =	simm.s32 $0xEB80;
	s21 =	smax.u32 s4, $0x1;
	v0 =	vimm.f32 $-Inf;
	s4 =	simm.s32 $0x0;
	vm0 =	vmmov $0xff;
	v1 =	vsel vm1, $0x300, v1  }
.LBB3_18:
0x35: {  	s4 =	sadd.s32 $0x1, s4  }
0x36: {  	p4 =	sne.s32 s4, s21  }
.Ltmp1:
0x37: {  	_ = 	snop;
	(pc) =	sbr.rel @!p4 .LBB3_19-.Ltmp1, $1  }
0x38: {  	_ =	sdelay $0x3  }
.LBB3_1:
.Ltmp2:
0x39: {  	(pc) =	sbr.rel @!p0 .LBB3_3-.Ltmp2, $1  }
0x3a: {  	_ =	sdelay $0x3  }
0x3b: {  	[tilespmem:s22], [sflag:$0x1] =	stream.linear.gather [hbm4b:s0+s22], $0x4E80, $0x38;
	[tilespmem:$0x14710] =	vst v63  }
0x3c: {  	_ =	swait.ge [sflag:s23], $0x4E80  }
0x3d: {  	[sflag:s23] =	ssyncset.done $0x0  }
0x3e: {  	[sflag:s23] =	ssyncadd.s32 $0xFFFFB180  }
0x3f: {  	[tilespmem:s24], [sflag:$0x1] =	stream.linear.gather [hbm4b:s1+s22], $0x4E80, $0x38;
	[tilespmem:$0x14710] =	vst v63  }
0x40: {  	_ =	swait.ge [sflag:s23], $0x4E80  }
0x41: {  	[sflag:s23] =	ssyncset.done $0x0  }
0x42: {  	[sflag:s23] =	ssyncadd.s32 $0xFFFFB180  }
0x43: {  	[tilespmem:s25], [sflag:$0x1] =	stream.linear.gather [hbm4b:s2+s22], $0x4E80, $0x38;
	[tilespmem:$0x14710] =	vst v63  }
.Ltmp3:
0x44: {  	_ = 	snop;
	(pc) =	sbr.rel .LBB3_7-.Ltmp3, $4  }
0x45: {  	_ =	swait.ge [sflag:s23], $0x4E80  }
0x46: {  	[sflag:s23] =	ssyncset.done $0x0  }
0x47: {  	p4 =	por $0x0, $0x0;
	p5 =	por $0x0, $0x0;
	[sflag:s23] =	ssyncadd.s32 $0xFFFFB180  }
0x48: {  	[tilespmem:s26], [sflag:$0x1] =	stream.linear.gather [hbm4b:s3+s22], $0x4E80, $0x38;
	[tilespmem:$0x14710] =	vst v63  }
.LBB3_3:
.Ltmp4:
0x49: {  	(pc) =	sbr.rel @!p1 .LBB3_5-.Ltmp4, $1  }
0x4a: {  	_ =	sdelay $0x3  }
0x4b: {  	s5 =	rddreg [dreg:$0x5]  }
0x4c: {  	[tilespmem:s22], [sflag:$0x1] =	stream.linear.gather [hbm4b:s5+s22], $0x4E80, $0x38;
	[tilespmem:$0x14710] =	vst v63  }
0x4d: {  	_ =	swait.ge [sflag:s23], $0x4E80  }
0x4e: {  	[sflag:s23] =	ssyncset.done $0x0  }
0x4f: {  	[sflag:s23] =	ssyncadd.s32 $0xFFFFB180  }
0x50: {  	s6 =	rddreg [dreg:$0x6]  }
0x51: {  	[tilespmem:s24], [sflag:$0x1] =	stream.linear.gather [hbm4b:s6+s22], $0x4E80, $0x38;
	[tilespmem:$0x14710] =	vst v63  }
.Ltmp5:
0x52: {  	_ =	swait.ge [sflag:s23], $0x4E80;
	(pc) =	sbr.rel .LBB3_7-.Ltmp5, $4  }
0x53: {  	[sflag:s23] =	ssyncset.done $0x0  }
0x54: {  	[sflag:s23] =	ssyncadd.s32 $0xFFFFB180  }
0x55: {  	p5 =	por $0x1, $0x1;
	p4 =	por $0x0, $0x0;
	s11 =	rddreg [dreg:$0x7]  }
0x56: {  	[tilespmem:s25], [sflag:$0x1] =	stream.linear.gather [hbm4b:s11+s22], $0x4E80, $0x38;
	[tilespmem:$0x14710] =	vst v63  }
.LBB3_5:
.Ltmp6:
0x57: {  	(pc) =	sbr.rel @!p2 .LBB3_8-.Ltmp6, $2  }
0x58: {  	_ =	sdelay $0x2  }
0x59: {  	p4 =	por $0x0, $0x0;
	p5 =	por $0x0, $0x0  }
0x5a: {  	s5 =	rddreg [dreg:$0x8]  }
0x5b: {  	[tilespmem:s22], [sflag:$0x1] =	stream.linear.gather [hbm4b:s5+s22], $0x4E80, $0x38;
	[tilespmem:$0x14710] =	vst v63  }
0x5c: {  	_ =	swait.ge [sflag:s23], $0x4E80  }
0x5d: {  	[sflag:s23] =	ssyncset.done $0x0  }
0x5e: {  	[sflag:s23] =	ssyncadd.s32 $0xFFFFB180  }
0x5f: {  	s6 =	rddreg [dreg:$0x9]  }
0x60: {  	[tilespmem:s24], [sflag:$0x1] =	stream.linear.gather [hbm4b:s6+s22], $0x4E80, $0x38;
	[tilespmem:$0x14710] =	vst v63  }
0x61: {  	_ =	swait.ge [sflag:s23], $0x4E80  }
0x62: {  	[sflag:s23] =	ssyncset.done $0x0  }
0x63: {  	[sflag:s23] =	ssyncadd.s32 $0xFFFFB180  }
0x64: {  	p5 =	por $0x0, $0x0;
	p4 =	por $0x1, $0x1;
	s11 =	rddreg [dreg:$0xa]  }
0x65: {  	[tilespmem:s25], [sflag:$0x1] =	stream.linear.gather [hbm4b:s11+s22], $0x4E80, $0x38;
	[tilespmem:$0x14710] =	vst v63  }
.LBB3_7:
0x66: {  	_ =	swait.ge [sflag:s23], $0x4E80  }
0x67: {  	[sflag:s23] =	ssyncset.done $0x0  }
0x68: {  	[sflag:s23] =	ssyncadd.s32 $0xFFFFB180  }
.LBB3_8:
.Ltmp7:
0x69: {  	(pc) =	sbr.rel @p3 .LBB3_12-.Ltmp7, $1  }
0x6a: {  	_ =	sdelay $0x3  }
0x6b: {  	s5 =	simm.s32 $0x0  }
0x6c: {  	[tilespmem:s28], [sflag:$0x1] =	stream.linear.gather [hbm4b:s19+s5], $0x400, $0x38;
	[tilespmem:$0x14710] =	vst v63  }
0x6d: {  	_ =	swait.ge [sflag:s23], $0x400  }
0x6e: {  	[sflag:s23] =	ssyncset.done $0x0  }
0x6f: {  	[sflag:s23] =	ssyncadd.s32 $0xFFFFFC00  }
0x70: {  	[tilespmem:s29], [sflag:$0x1] =	stream.linear.gather [hbm4b:s20+s5], $0x400, $0x38;
	[tilespmem:$0x14710] =	vst v63  }
0x71: {  	_ =	swait.ge [sflag:s23], $0x400  }
0x72: {  	[sflag:s23] =	ssyncset.done $0x0  }
0x73: {  	[sflag:s23] =	ssyncadd.s32 $0xFFFFFC00  }
0x74: {  	v6 =	vimm.s32 $0x0;
	[tilespmem:$0x14200] =	vst v0  }
0x75: {  	[tilespmem:$0x14280] =	vst v6  }
0x76: {  	[tilespmem:$0x14300] =	vst v6  }
0x77: {  	[tilespmem:$0x14210] =	vst v0  }
0x78: {  	[tilespmem:$0x14290] =	vst v6  }
0x79: {  	[tilespmem:$0x14310] =	vst v6  }
0x7a: {  	[tilespmem:$0x14220] =	vst v0  }
0x7b: {  	[tilespmem:$0x142A0] =	vst v6  }
0x7c: {  	[tilespmem:$0x14320] =	vst v6  }
0x7d: {  	[tilespmem:$0x14230] =	vst v0  }
0x7e: {  	[tilespmem:$0x142B0] =	vst v6  }
0x7f: {  	[tilespmem:$0x14330] =	vst v6  }
0x80: {  	[tilespmem:$0x14240] =	vst v0  }
0x81: {  	[tilespmem:$0x142C0] =	vst v6  }
0x82: {  	[tilespmem:$0x14340] =	vst v6  }
0x83: {  	[tilespmem:$0x14250] =	vst v0  }
0x84: {  	vm1 =	vlt.s32 v6, $0x7F;
	[tilespmem:$0x142D0] =	vst v6  }
0x85: {  	v7 =	vnsel vm1, $0x7F, v6;
	[tilespmem:$0x14350] =	vst v6  }
0x86: {  	v7 =	vnsel vm0, $0x7F, v7;
	[tilespmem:$0x14260] =	vst v0  }
0x87: {  	v7 =	vadd.s32 v1, v7;
	[tilespmem:$0x142E0] =	vst v6  }
0x88: {  	[tilespmem:$0x14360] =	vst v6  }
0x89: {  	[tilespmem:$0x14270] =	vst v0  }
0x8a: {  	[tilespmem:$0x142F0] =	vst v6  }
0x8b: {  	[tilespmem:$0x14370] =	vst v6  }
0x8c: {  	v8 =	vld.idx.msk [tilespmem:v7+s28+$0x0], $0xffff;
	_ =	sdelay $0x4  }
0x8d: {  	(xrf0) =	vmax.scan.msk.f32 $0xffff, v8;
	_ =	sdelay $0x5  }
0x8e: {  	v9, _, _ =	vpop (xrf0)  }
0x8f: {  	v9 =	vbroadcast v9, $0xF;
	_ =	sdelay $0x1  }
0x90: {  	vm1 =	veq.f32 v8, v9  }
0x91: {  	v8 =	vnsel vm1, $0x80000063, v3  }
0x92: {  	(xrf0) =	vmin.scan.msk.u32 $0xffff, v8;
	_ =	sdelay $0x5  }
0x93: {  	v8, _, _ =	vpop (xrf0)  }
0x94: {  	(v2sf) =	vpush v8, $0xF;
	_ =	sdelay $0xc  }
0x95: {  	v7 =	vld.idx.msk [tilespmem:v7+s29+$0x0], $0xffff;
	_ =	sdelay $0x1  }
0x96: {  	s6 =	spop (v2sf)  }
0x97: {  	s6 =	sxor.u32 $0x80000000, s6  }
0x98: {  	v8 =	vmov s6  }
0x99: {  	v7 =	vxor.u32 $0x80000000, v7;
	vm1 =	veq.s32 v8, v2  }
0x9a: {  	v7 =	vnsel vm1, $0x0, v7  }
0x9b: {  	(xrf0) =	vmax.scan.msk.u32 $0xffff, v7;
	_ =	sdelay $0x5  }
0x9c: {  	v63, _, _ =	vpop (xrf0)  }
0x9d: {  	(v2sf) =	vpush v63, $0xF;
	_ =	sdelay $0x4  }
0x9e: {  	v7 =	vmov s5;
	_ =	sdelay $0x3  }
0x9f: {  	v10 =	vsel vm1, $0x1, v4  }
0xa0: {  	v6 =	vadd.s32 v10, v6;
	[tilespmem:v7+s30+$0x0] =	vst.idx.msk $0x1, v9  }
0xa1: {  	s6 =	simm.s32 $0x2;
	s5 =	simm.s32 $0x1;
	vm1 =	vlt.s32 v6, $0x7F;
	[tilespmem:v7+s31+$0x0] =	vst.idx.msk $0x1, v8  }
.LBB3_10:
0xa2: {  	p6 =	sne.s32 s6, $0x63;
	v8 =	vnsel vm1, $0x7F, v6  }
0xa3: {  	v8 =	vnsel vm0, $0x7F, v8  }
0xa4: {  	v8 =	vadd.s32 v1, v8  }
0xa5: {  	s11 =	spop (v2sf)  }
0xa6: {  	s11 =	sxor.u32 $0x80000000, s11  }
0xa7: {  	v9 =	vmov s11  }
0xa8: {  	[tilespmem:v7+s12+$0x0] =	vst.idx.msk $0x1, v9  }
0xa9: {  	v7 =	vld.idx.msk [tilespmem:v8+s28+$0x0], $0xffff;
	_ =	sdelay $0x5  }
0xaa: {  	(xrf0) =	vmax.scan.msk.f32 $0xffff, v7;
	_ =	sdelay $0x5  }
0xab: {  	v9, _, _ =	vpop (xrf0)  }
0xac: {  	v9 =	vbroadcast v9, $0xF;
	_ =	sdelay $0x1  }
0xad: {  	vm1 =	veq.f32 v7, v9  }
0xae: {  	v7 =	vnsel vm1, $0x80000063, v3  }
0xaf: {  	(xrf0) =	vmin.scan.msk.u32 $0xffff, v7;
	_ =	sdelay $0x5  }
0xb0: {  	v7, _, _ =	vpop (xrf0)  }
0xb1: {  	(v2sf) =	vpush v7, $0xF;
	_ =	sdelay $0x6  }
0xb2: {  	v7 =	vmov s5;
	s5 =	smov.u32 s6;
	_ =	sdelay $0x4  }
0xb3: {  	v8 =	vld.idx.msk [tilespmem:v8+s29+$0x0], $0xffff;
	[tilespmem:v7+s30+$0x0] =	vst.idx.msk $0x1, v9;
	_ =	sdelay $0x2  }
0xb4: {  	s11 =	spop (v2sf)  }
0xb5: {  	s11 =	sxor.u32 $0x80000000, s11  }
0xb6: {  	v9 =	vmov s11  }
0xb7: {  	v8 =	vxor.u32 $0x80000000, v8;
	vm1 =	veq.s32 v9, v2;
	[tilespmem:v7+s31+$0x0] =	vst.idx.msk $0x1, v9  }
0xb8: {  	v8 =	vnsel vm1, $0x0, v8;
	v9 =	vsel vm1, $0x1, v4  }
0xb9: {  	v6 =	vadd.s32 v9, v6;
	(xrf0) =	vmax.scan.msk.u32 $0xffff, v8;
	_ =	sdelay $0x5  }
0xba: {  	v8, _, _ =	vpop (xrf0)  }
0xbb: {  	(v2sf) =	vpush v8, $0xF;
	_ =	sdelay $0x6  }
.Ltmp8:
0xbc: {  	(pc) =	sbr.rel @p6 .LBB3_10-.Ltmp8, $2  }
0xbd: {  	_ =	sdelay $0x2  }
0xbe: {  	s6 =	sadd.s32 $0x1, s6;
	vm1 =	vlt.s32 v6, $0x7F  }
0xbf: {  	v6 =	vnsel vm1, $0x7F, v6  }
0xc0: {  	v6 =	vnsel vm0, $0x7F, v6  }
0xc1: {  	v6 =	vadd.s32 v1, v6  }
0xc2: {  	s6 =	spop (v2sf)  }
0xc3: {  	s6 =	sxor.u32 $0x80000000, s6  }
0xc4: {  	v8 =	vmov s6  }
0xc5: {  	[tilespmem:v7+s12+$0x0] =	vst.idx.msk $0x1, v8  }
0xc6: {  	v7 =	vld.idx.msk [tilespmem:v6+s28+$0x0], $0xffff;
	_ =	sdelay $0x4  }
0xc7: {  	(xrf0) =	vmax.scan.msk.f32 $0xffff, v7;
	_ =	sdelay $0x5  }
0xc8: {  	v56, _, _ =	vpop (xrf0)  }
0xc9: {  	v8 =	vbroadcast v56, $0xF;
	_ =	sdelay $0x1  }
0xca: {  	vm1 =	veq.f32 v7, v8  }
0xcb: {  	v7 =	vnsel vm1, $0x80000063, v3  }
0xcc: {  	(xrf0) =	vmin.scan.msk.u32 $0xffff, v7;
	_ =	sdelay $0x5  }
0xcd: {  	v7, _, _ =	vpop (xrf0)  }
0xce: {  	(v2sf) =	vpush v7, $0xF;
	_ =	sdelay $0xc  }
0xcf: {  	v6 =	vld.idx.msk [tilespmem:v6+s29+$0x0], $0xffff;
	_ =	sdelay $0x1  }
0xd0: {  	s11 =	spop (v2sf)  }
0xd1: {  	s6 =	sxor.u32 $0x80000000, s11  }
0xd2: {  	v7 =	vmov s6  }
0xd3: {  	v6 =	vxor.u32 $0x80000000, v6;
	vm1 =	veq.s32 v7, v2  }
0xd4: {  	v6 =	vnsel vm1, $0x0, v6  }
0xd5: {  	(xrf0) =	vmax.scan.msk.u32 $0xffff, v6;
	_ =	sdelay $0x5  }
0xd6: {  	v6, _, _ =	vpop (xrf0)  }
0xd7: {  	(v2sf) =	vpush v6, $0xF;
	_ =	sdelay $0xa  }
0xd8: {  	v6 =	vmov s5;
	_ =	sdelay $0x3  }
0xd9: {  	s6 =	spop (v2sf)  }
0xda: {  	[tilespmem:v6+s30+$0x0] =	vst.idx.msk $0x1, v8;
	s5 =	sxor.u32 $0x80000000, s6  }
0xdb: {  	[tilespmem:v6+s31+$0x0] =	vst.idx.msk $0x1, v7;
	v7 =	vmov s5  }
0xdc: {  	[tilespmem:v6+s12+$0x0] =	vst.idx.msk $0x1, v7  }
0xdd: {  	v6 =	vld [tilespmem:$0x14200];
	_ =	sdelay $0x1  }
0xde: {  	v7 =	vld [tilespmem:$0x14280]  }
0xdf: {  	v8 =	vld [tilespmem:$0x14210];
	_ =	sdelay $0x1  }
0xe0: {  	v9 =	vld [tilespmem:$0x14290];
	vm1 =	vlt.f32 v6, $-Inf;
	vm2 =	vgt.f32 v6, $-Inf  }
0xe1: {  	v10 =	vld [tilespmem:$0x14220];
	vm1 =	vmor vm2, vm1  }
0xe2: {  	v6 =	vnsel vm1, $0xBF800000, v6  }
0xe3: {  	v11 =	vld [tilespmem:$0x14230];
	vm3 =	vgt.f32 v8, $-Inf;
	vm2 =	vlt.f32 v8, $-Inf;
	[tilespmem:$0x14200] =	vst v6;
	v6 =	vnsel vm1, $0xFFFFFFFF, v7  }
0xe4: {  	v7 =	vld [tilespmem:$0x142A0];
	[tilespmem:$0x14280] =	vst v6;
	v6 =	vsel vm1, $0x3F800000, v5;
	vm1 =	vmor vm3, vm2  }
0xe5: {  	[tilespmem:$0x14380] =	vst v6;
	v6 =	vnsel vm1, $0xBF800000, v8  }
0xe6: {  	v57 =	vld [tilespmem:$0x142B0];
	vm2 =	vlt.f32 v10, $-Inf;
	vm3 =	vgt.f32 v10, $-Inf;
	[tilespmem:$0x14210] =	vst v6;
	v6 =	vnsel vm1, $0xFFFFFFFF, v9  }
0xe7: {  	v58 =	vld [tilespmem:$0x14240];
	[tilespmem:$0x14290] =	vst v6;
	v6 =	vsel vm1, $0x3F800000, v5;
	vm1 =	vmor vm3, vm2  }
0xe8: {  	[tilespmem:$0x14390] =	vst v6;
	v6 =	vnsel vm1, $0xBF800000, v10  }
0xe9: {  	v59 =	vld [tilespmem:$0x14250];
	vm2 =	vlt.f32 v11, $-Inf;
	vm3 =	vgt.f32 v11, $-Inf;
	[tilespmem:$0x14220] =	vst v6;
	v6 =	vnsel vm1, $0xFFFFFFFF, v7  }
0xea: {  	v7 =	vld [tilespmem:$0x142C0];
	[tilespmem:$0x142A0] =	vst v6;
	v6 =	vsel vm1, $0x3F800000, v5;
	vm1 =	vmor vm3, vm2  }
0xeb: {  	[tilespmem:$0x143A0] =	vst v6;
	v6 =	vnsel vm1, $0xBF800000, v11  }
0xec: {  	v60 =	vld [tilespmem:$0x142D0];
	vm2 =	vlt.f32 v58, $-Inf;
	vm3 =	vgt.f32 v58, $-Inf;
	[tilespmem:$0x14230] =	vst v6;
	v6 =	vnsel vm1, $0xFFFFFFFF, v57  }
0xed: {  	v61 =	vld [tilespmem:$0x14260];
	[tilespmem:$0x142B0] =	vst v6;
	v6 =	vsel vm1, $0x3F800000, v5;
	vm1 =	vmor vm3, vm2  }
0xee: {  	[tilespmem:$0x143B0] =	vst v6;
	v6 =	vnsel vm1, $0xBF800000, v58  }
0xef: {  	v62 =	vld [tilespmem:$0x14270];
	vm2 =	vlt.f32 v59, $-Inf;
	vm3 =	vgt.f32 v59, $-Inf;
	[tilespmem:$0x14240] =	vst v6;
	v6 =	vnsel vm1, $0xFFFFFFFF, v7  }
0xf0: {  	v7 =	vld [tilespmem:$0x142E0];
	[tilespmem:$0x142C0] =	vst v6;
	v6 =	vsel vm1, $0x3F800000, v5;
	vm1 =	vmor vm3, vm2  }
0xf1: {  	[tilespmem:$0x143C0] =	vst v6;
	v6 =	vnsel vm1, $0xBF800000, v59  }
0xf2: {  	vm2 =	vlt.f32 v61, $-Inf;
	vm3 =	vgt.f32 v61, $-Inf;
	[tilespmem:$0x14250] =	vst v6;
	v6 =	vnsel vm1, $0xFFFFFFFF, v60  }
0xf3: {  	v63 =	vld [tilespmem:$0x142F0];
	[tilespmem:$0x142D0] =	vst v6;
	v6 =	vsel vm1, $0x3F800000, v5;
	vm1 =	vmor vm3, vm2  }
0xf4: {  	[tilespmem:$0x143D0] =	vst v6;
	v6 =	vnsel vm1, $0xBF800000, v61  }
0xf5: {  	vm2 =	vlt.f32 v62, $-Inf;
	vm3 =	vgt.f32 v62, $-Inf;
	[tilespmem:$0x14260] =	vst v6;
	v6 =	vnsel vm1, $0xFFFFFFFF, v7  }
0xf6: {  	vm2 =	vmor vm3, vm2;
	[tilespmem:$0x142E0] =	vst v6;
	v6 =	vsel vm1, $0x3F800000, v5  }
0xf7: {  	[tilespmem:$0x143E0] =	vst v6;
	v6 =	vnsel vm2, $0xBF800000, v62  }
0xf8: {  	[tilespmem:$0x14270] =	vst v6;
	v6 =	vnsel vm2, $0xFFFFFFFF, v63  }
0xf9: {  	[tilespmem:$0x142F0] =	vst v6;
	v6 =	vsel vm2, $0x3F800000, v5  }
0xfa: {  	s11 =	rddreg [dreg:$0xc];
	[tilespmem:$0x143F0] =	vst v6  }
0xfb: {  	[hbm4b:s11+s22] =	stream.linear.scatter [tilespmem:s30], [sflag:$0x1], $0x80, $0x38;
	[tilespmem:$0x14710] =	vst v63  }
0xfc: {  	_ =	swait.ge [sflag:s23], $0x80  }
0xfd: {  	[sflag:s23] =	ssyncset.done $0x0  }
0xfe: {  	[sflag:s23] =	ssyncadd.s32 $0xFFFFFF80  }
0xff: {  	[hbm4b:s13+s22] =	stream.linear.scatter [tilespmem:s31], [sflag:$0x1], $0x80, $0x38;
	[tilespmem:$0x14710] =	vst v63  }
0x100: {  	_ =	swait.ge [sflag:s23], $0x80  }
0x101: {  	[sflag:s23] =	ssyncset.done $0x0  }
0x102: {  	[sflag:s23] =	ssyncadd.s32 $0xFFFFFF80  }
0x103: {  	[spmem:s16] =	stream.linear.scatter [tilespmem:s12], [sflag:$0x1], $0x80, $0x38;
	[tilespmem:$0x14710] =	vst v63  }
0x104: {  	_ =	swait.ge [sflag:s23], $0x80  }
0x105: {  	[sflag:s23] =	ssyncset.done $0x0  }
0x106: {  	[sflag:s23] =	ssyncadd.s32 $0xFFFFFF80  }
0x107: {  	[spmem:s17] =	stream.linear.scatter [tilespmem:s7], [sflag:$0x1], $0x80, $0x38;
	[tilespmem:$0x14710] =	vst v63  }
0x108: {  	_ =	swait.ge [sflag:s23], $0x80  }
0x109: {  	[sflag:s23] =	ssyncset.done $0x0  }
0x10a: {  	[sflag:s23] =	ssyncadd.s32 $0xFFFFFF80  }
.LBB3_12:
.Ltmp9:
0x10b: {  	(pc) =	sbr.rel @!p0 .LBB3_14-.Ltmp9, $2  }
0x10c: {  	_ =	sdelay $0x1  }
0x10d: {  	[bflag:$0x0] =	sbarrier.arrive $0xFFFF;
	_ =	sdelay $0x1  }
0x10e: {  	[tilespmem:s8], [sflag:$0x1] =	stream.linear.gather [spmem:s16], $0x80, $0x38;
	[tilespmem:$0x14710] =	vst v63  }
0x10f: {  	_ =	swait.ge [sflag:s23], $0x80  }
0x110: {  	[sflag:s23] =	ssyncset.done $0x0  }
0x111: {  	[sflag:s23] =	ssyncadd.s32 $0xFFFFFF80  }
0x112: {  	[tilespmem:s9], [sflag:$0x1] =	stream.linear.gather [spmem:s17], $0x80, $0x38;
	[tilespmem:$0x14710] =	vst v63  }
0x113: {  	_ =	swait.ge [sflag:s23], $0x80  }
0x114: {  	[sflag:s23] =	ssyncset.done $0x0  }
0x115: {  	[sflag:s23] =	ssyncadd.s32 $0xFFFFFF80  }
0x116: {  	v6 =	vld [tilespmem:$0x14400];
	_ =	sdelay $0x5  }
0x117: {  	v7 =	vld [tilespmem:$0x14480]  }
0x118: {  	v8 =	vld [tilespmem:$0x14410]  }
0x119: {  	v6 =	vld.idx.msk [tilespmem:v6+s22+$0x0], $0xffff;
	_ =	sdelay $0x3  }
0x11a: {  	vm1 =	vgt.f32 v7, $0.0e+00  }
0x11b: {  	v7 =	vld [tilespmem:$0x14490];
	v6 =	vnsel vm1, $0xBF800000, v6  }
0x11c: {  	[tilespmem:$0x14500] =	vst v6;
	v6 =	vld [tilespmem:$0x14420]  }
0x11d: {  	v8 =	vld.idx.msk [tilespmem:v8+s22+$0x0], $0xffff;
	_ =	sdelay $0x3  }
0x11e: {  	vm1 =	vgt.f32 v7, $0.0e+00  }
0x11f: {  	v35 =	vld [tilespmem:$0x144A0];
	v7 =	vnsel vm1, $0xBF800000, v8  }
0x120: {  	[tilespmem:$0x14510] =	vst v7;
	v7 =	vld [tilespmem:$0x14430]  }
0x121: {  	v6 =	vld.idx.msk [tilespmem:v6+s22+$0x0], $0xffff;
	_ =	sdelay $0x3  }
0x122: {  	vm1 =	vgt.f32 v35, $0.0e+00  }
0x123: {  	v36 =	vld [tilespmem:$0x144B0];
	v6 =	vnsel vm1, $0xBF800000, v6  }
0x124: {  	[tilespmem:$0x14520] =	vst v6;
	v6 =	vld [tilespmem:$0x14440]  }
0x125: {  	v7 =	vld.idx.msk [tilespmem:v7+s22+$0x0], $0xffff;
	_ =	sdelay $0x3  }
0x126: {  	vm1 =	vgt.f32 v36, $0.0e+00  }
0x127: {  	v37 =	vld [tilespmem:$0x144C0];
	v7 =	vnsel vm1, $0xBF800000, v7  }
0x128: {  	[tilespmem:$0x14530] =	vst v7;
	v7 =	vld [tilespmem:$0x14450]  }
0x129: {  	v6 =	vld.idx.msk [tilespmem:v6+s22+$0x0], $0xffff;
	_ =	sdelay $0x3  }
0x12a: {  	vm1 =	vgt.f32 v37, $0.0e+00  }
0x12b: {  	v38 =	vld [tilespmem:$0x144D0];
	v6 =	vnsel vm1, $0xBF800000, v6  }
0x12c: {  	[tilespmem:$0x14540] =	vst v6;
	v6 =	vld [tilespmem:$0x14460]  }
0x12d: {  	v7 =	vld.idx.msk [tilespmem:v7+s22+$0x0], $0xffff;
	_ =	sdelay $0x3  }
0x12e: {  	vm1 =	vgt.f32 v38, $0.0e+00  }
0x12f: {  	v39 =	vld [tilespmem:$0x144E0];
	v7 =	vnsel vm1, $0xBF800000, v7  }
0x130: {  	[tilespmem:$0x14550] =	vst v7;
	v7 =	vld [tilespmem:$0x14470]  }
0x131: {  	v6 =	vld.idx.msk [tilespmem:v6+s22+$0x0], $0xffff;
	_ =	sdelay $0x3  }
0x132: {  	vm1 =	vgt.f32 v39, $0.0e+00  }
0x133: {  	v40 =	vld [tilespmem:$0x144F0];
	v6 =	vnsel vm1, $0xBF800000, v6  }
0x134: {  	[tilespmem:$0x14560] =	vst v6;
	v6 =	vld [tilespmem:$0x14400]  }
0x135: {  	v7 =	vld.idx.msk [tilespmem:v7+s22+$0x0], $0xffff;
	_ =	sdelay $0x3  }
0x136: {  	vm1 =	vgt.f32 v40, $0.0e+00  }
0x137: {  	v41 =	vld [tilespmem:$0x14480];
	v7 =	vnsel vm1, $0xBF800000, v7  }
0x138: {  	[tilespmem:$0x14570] =	vst v7;
	v7 =	vld [tilespmem:$0x14410]  }
0x139: {  	v6 =	vld.idx.msk [tilespmem:v6+s24+$0x0], $0xffff;
	_ =	sdelay $0x3  }
0x13a: {  	vm1 =	vgt.f32 v41, $0.0e+00  }
0x13b: {  	v42 =	vld [tilespmem:$0x14490];
	v6 =	vnsel vm1, $0xBF800000, v6  }
0x13c: {  	[tilespmem:$0x14580] =	vst v6;
	v6 =	vld [tilespmem:$0x14420]  }
0x13d: {  	v7 =	vld.idx.msk [tilespmem:v7+s24+$0x0], $0xffff;
	_ =	sdelay $0x3  }
0x13e: {  	vm1 =	vgt.f32 v42, $0.0e+00  }
0x13f: {  	v43 =	vld [tilespmem:$0x144A0];
	v7 =	vnsel vm1, $0xBF800000, v7  }
0x140: {  	[tilespmem:$0x14590] =	vst v7;
	v7 =	vld [tilespmem:$0x14430]  }
0x141: {  	v6 =	vld.idx.msk [tilespmem:v6+s24+$0x0], $0xffff;
	_ =	sdelay $0x3  }
0x142: {  	vm1 =	vgt.f32 v43, $0.0e+00  }
0x143: {  	v44 =	vld [tilespmem:$0x144B0];
	v6 =	vnsel vm1, $0xBF800000, v6  }
0x144: {  	[tilespmem:$0x145A0] =	vst v6;
	v6 =	vld [tilespmem:$0x14440]  }
0x145: {  	v7 =	vld.idx.msk [tilespmem:v7+s24+$0x0], $0xffff;
	_ =	sdelay $0x3  }
0x146: {  	vm1 =	vgt.f32 v44, $0.0e+00  }
0x147: {  	v45 =	vld [tilespmem:$0x144C0];
	v7 =	vnsel vm1, $0xBF800000, v7  }
0x148: {  	[tilespmem:$0x145B0] =	vst v7;
	v7 =	vld [tilespmem:$0x14450]  }
0x149: {  	v6 =	vld.idx.msk [tilespmem:v6+s24+$0x0], $0xffff;
	_ =	sdelay $0x3  }
0x14a: {  	vm1 =	vgt.f32 v45, $0.0e+00  }
0x14b: {  	v46 =	vld [tilespmem:$0x144D0];
	v6 =	vnsel vm1, $0xBF800000, v6  }
0x14c: {  	[tilespmem:$0x145C0] =	vst v6;
	v6 =	vld [tilespmem:$0x14460]  }
0x14d: {  	v7 =	vld.idx.msk [tilespmem:v7+s24+$0x0], $0xffff;
	_ =	sdelay $0x3  }
0x14e: {  	vm1 =	vgt.f32 v46, $0.0e+00  }
0x14f: {  	v47 =	vld [tilespmem:$0x144E0];
	v7 =	vnsel vm1, $0xBF800000, v7  }
0x150: {  	[tilespmem:$0x145D0] =	vst v7;
	v7 =	vld [tilespmem:$0x14470]  }
0x151: {  	v6 =	vld.idx.msk [tilespmem:v6+s24+$0x0], $0xffff;
	_ =	sdelay $0x3  }
0x152: {  	vm1 =	vgt.f32 v47, $0.0e+00  }
0x153: {  	v48 =	vld [tilespmem:$0x144F0];
	v6 =	vnsel vm1, $0xBF800000, v6  }
0x154: {  	[tilespmem:$0x145E0] =	vst v6;
	v6 =	vld [tilespmem:$0x14400]  }
0x155: {  	v7 =	vld.idx.msk [tilespmem:v7+s24+$0x0], $0xffff;
	_ =	sdelay $0x3  }
0x156: {  	vm1 =	vgt.f32 v48, $0.0e+00  }
0x157: {  	v49 =	vld [tilespmem:$0x14480];
	v7 =	vnsel vm1, $0xBF800000, v7  }
0x158: {  	[tilespmem:$0x145F0] =	vst v7;
	v7 =	vld [tilespmem:$0x14410]  }
0x159: {  	v6 =	vld.idx.msk [tilespmem:v6+s25+$0x0], $0xffff;
	_ =	sdelay $0x3  }
0x15a: {  	vm1 =	vgt.f32 v49, $0.0e+00  }
0x15b: {  	v50 =	vld [tilespmem:$0x14490];
	v6 =	vnsel vm1, $0xBF800000, v6  }
0x15c: {  	[tilespmem:$0x14600] =	vst v6;
	v6 =	vld [tilespmem:$0x14420]  }
0x15d: {  	v7 =	vld.idx.msk [tilespmem:v7+s25+$0x0], $0xffff;
	_ =	sdelay $0x3  }
0x15e: {  	vm1 =	vgt.f32 v50, $0.0e+00  }
0x15f: {  	v51 =	vld [tilespmem:$0x144A0];
	v7 =	vnsel vm1, $0xBF800000, v7  }
0x160: {  	[tilespmem:$0x14610] =	vst v7;
	v7 =	vld [tilespmem:$0x14430]  }
0x161: {  	v6 =	vld.idx.msk [tilespmem:v6+s25+$0x0], $0xffff;
	_ =	sdelay $0x3  }
0x162: {  	vm1 =	vgt.f32 v51, $0.0e+00  }
0x163: {  	v52 =	vld [tilespmem:$0x144B0];
	v6 =	vnsel vm1, $0xBF800000, v6  }
0x164: {  	[tilespmem:$0x14620] =	vst v6;
	v6 =	vld [tilespmem:$0x14440]  }
0x165: {  	v7 =	vld.idx.msk [tilespmem:v7+s25+$0x0], $0xffff;
	_ =	sdelay $0x3  }
0x166: {  	vm1 =	vgt.f32 v52, $0.0e+00  }
0x167: {  	v53 =	vld [tilespmem:$0x144C0];
	v7 =	vnsel vm1, $0xBF800000, v7  }
0x168: {  	[tilespmem:$0x14630] =	vst v7;
	v7 =	vld [tilespmem:$0x14450]  }
0x169: {  	v6 =	vld.idx.msk [tilespmem:v6+s25+$0x0], $0xffff;
	_ =	sdelay $0x3  }
0x16a: {  	vm1 =	vgt.f32 v53, $0.0e+00  }
0x16b: {  	v54 =	vld [tilespmem:$0x144D0];
	v6 =	vnsel vm1, $0xBF800000, v6  }
0x16c: {  	[tilespmem:$0x14640] =	vst v6;
	v6 =	vld [tilespmem:$0x14460]  }
0x16d: {  	v7 =	vld.idx.msk [tilespmem:v7+s25+$0x0], $0xffff;
	_ =	sdelay $0x3  }
0x16e: {  	vm1 =	vgt.f32 v54, $0.0e+00  }
0x16f: {  	v55 =	vld [tilespmem:$0x144E0];
	v7 =	vnsel vm1, $0xBF800000, v7  }
0x170: {  	[tilespmem:$0x14650] =	vst v7;
	v7 =	vld [tilespmem:$0x14470]  }
0x171: {  	v6 =	vld.idx.msk [tilespmem:v6+s25+$0x0], $0xffff;
	_ =	sdelay $0x3  }
0x172: {  	vm1 =	vgt.f32 v55, $0.0e+00  }
0x173: {  	v56 =	vld [tilespmem:$0x144F0];
	v6 =	vnsel vm1, $0xBF800000, v6  }
0x174: {  	[tilespmem:$0x14660] =	vst v6;
	v6 =	vld [tilespmem:$0x14400]  }
0x175: {  	v7 =	vld.idx.msk [tilespmem:v7+s25+$0x0], $0xffff;
	_ =	sdelay $0x3  }
0x176: {  	vm1 =	vgt.f32 v56, $0.0e+00  }
0x177: {  	v57 =	vld [tilespmem:$0x14480];
	v7 =	vnsel vm1, $0xBF800000, v7  }
0x178: {  	[tilespmem:$0x14670] =	vst v7;
	v7 =	vld [tilespmem:$0x14410]  }
0x179: {  	v6 =	vld.idx.msk [tilespmem:v6+s26+$0x0], $0xffff;
	_ =	sdelay $0x3  }
0x17a: {  	vm1 =	vgt.f32 v57, $0.0e+00  }
0x17b: {  	v58 =	vld [tilespmem:$0x14490];
	v6 =	vnsel vm1, $0xBF800000, v6  }
0x17c: {  	[tilespmem:$0x14680] =	vst v6;
	v6 =	vld [tilespmem:$0x14420]  }
0x17d: {  	v7 =	vld.idx.msk [tilespmem:v7+s26+$0x0], $0xffff;
	_ =	sdelay $0x3  }
0x17e: {  	vm1 =	vgt.f32 v58, $0.0e+00  }
0x17f: {  	v59 =	vld [tilespmem:$0x144A0];
	v7 =	vnsel vm1, $0xBF800000, v7  }
0x180: {  	[tilespmem:$0x14690] =	vst v7;
	v7 =	vld [tilespmem:$0x14430]  }
0x181: {  	v6 =	vld.idx.msk [tilespmem:v6+s26+$0x0], $0xffff;
	_ =	sdelay $0x3  }
0x182: {  	vm1 =	vgt.f32 v59, $0.0e+00  }
0x183: {  	v60 =	vld [tilespmem:$0x144B0];
	v6 =	vnsel vm1, $0xBF800000, v6  }
0x184: {  	[tilespmem:$0x146A0] =	vst v6;
	v6 =	vld [tilespmem:$0x14440]  }
0x185: {  	v7 =	vld.idx.msk [tilespmem:v7+s26+$0x0], $0xffff;
	_ =	sdelay $0x3  }
0x186: {  	vm1 =	vgt.f32 v60, $0.0e+00  }
0x187: {  	v61 =	vld [tilespmem:$0x144C0];
	v7 =	vnsel vm1, $0xBF800000, v7  }
0x188: {  	[tilespmem:$0x146B0] =	vst v7;
	v7 =	vld [tilespmem:$0x14450]  }
0x189: {  	v6 =	vld.idx.msk [tilespmem:v6+s26+$0x0], $0xffff;
	_ =	sdelay $0x3  }
0x18a: {  	vm1 =	vgt.f32 v61, $0.0e+00  }
0x18b: {  	v62 =	vld [tilespmem:$0x144D0];
	v6 =	vnsel vm1, $0xBF800000, v6  }
0x18c: {  	[tilespmem:$0x146C0] =	vst v6;
	v6 =	vld [tilespmem:$0x14460]  }
0x18d: {  	v7 =	vld.idx.msk [tilespmem:v7+s26+$0x0], $0xffff;
	_ =	sdelay $0x3  }
0x18e: {  	vm1 =	vgt.f32 v62, $0.0e+00  }
0x18f: {  	v63 =	vld [tilespmem:$0x144E0];
	v7 =	vnsel vm1, $0xBF800000, v7  }
0x190: {  	[tilespmem:$0x146D0] =	vst v7;
	v7 =	vld [tilespmem:$0x14470]  }
0x191: {  	v6 =	vld.idx.msk [tilespmem:v6+s26+$0x0], $0xffff;
	_ =	sdelay $0x3  }
0x192: {  	vm1 =	vgt.f32 v63, $0.0e+00  }
0x193: {  	v6 =	vnsel vm1, $0xBF800000, v6  }
0x194: {  	[tilespmem:$0x146E0] =	vst v6;
	v6 =	vld [tilespmem:$0x144F0]  }
0x195: {  	v7 =	vld.idx.msk [tilespmem:v7+s26+$0x0], $0xffff;
	_ =	sdelay $0x3  }
0x196: {  	vm1 =	vgt.f32 v6, $0.0e+00  }
0x197: {  	v6 =	vnsel vm1, $0xBF800000, v7  }
0x198: {  	[tilespmem:$0x146F0] =	vst v6  }
0x199: {  	[hbm4b:s10+s22] =	stream.linear.scatter [tilespmem:s18], [sflag:$0x1], $0x200, $0x38;
	[tilespmem:$0x14710] =	vst v63  }
0x19a: {  	_ =	swait.ge [sflag:s23], $0x200  }
0x19b: {  	[sflag:s23] =	ssyncset.done $0x0  }
0x19c: {  	[sflag:s23] =	ssyncadd.s32 $0xFFFFFE00  }
.LBB3_14:
.Ltmp10:
0x19d: {  	(pc) =	sbr.rel @!p5 .LBB3_16-.Ltmp10, $1  }
0x19e: {  	_ =	sdelay $0x3  }
0x19f: {  	[tilespmem:s8], [sflag:$0x1] =	stream.linear.gather [spmem:s16], $0x80, $0x38;
	[tilespmem:$0x14710] =	vst v63  }
0x1a0: {  	_ =	swait.ge [sflag:s23], $0x80  }
0x1a1: {  	[sflag:s23] =	ssyncset.done $0x0  }
0x1a2: {  	[sflag:s23] =	ssyncadd.s32 $0xFFFFFF80  }
0x1a3: {  	[tilespmem:s9], [sflag:$0x1] =	stream.linear.gather [spmem:s17], $0x80, $0x38;
	[tilespmem:$0x14710] =	vst v63  }
0x1a4: {  	_ =	swait.ge [sflag:s23], $0x80  }
0x1a5: {  	[sflag:s23] =	ssyncset.done $0x0  }
0x1a6: {  	[sflag:s23] =	ssyncadd.s32 $0xFFFFFF80  }
0x1a7: {  	v6 =	vld [tilespmem:$0x14400];
	_ =	sdelay $0x5  }
0x1a8: {  	v7 =	vld [tilespmem:$0x14480]  }
0x1a9: {  	v8 =	vld [tilespmem:$0x14410]  }
0x1aa: {  	v6 =	vld.idx.msk [tilespmem:v6+s22+$0x0], $0xffff;
	_ =	sdelay $0x3  }
0x1ab: {  	vm1 =	vgt.f32 v7, $0.0e+00  }
0x1ac: {  	v7 =	vld [tilespmem:$0x14490];
	v6 =	vnsel vm1, $0xBF800000, v6  }
0x1ad: {  	[tilespmem:$0x14500] =	vst v6;
	v6 =	vld [tilespmem:$0x14420]  }
0x1ae: {  	v8 =	vld.idx.msk [tilespmem:v8+s22+$0x0], $0xffff;
	_ =	sdelay $0x3  }
0x1af: {  	vm1 =	vgt.f32 v7, $0.0e+00  }
0x1b0: {  	v43 =	vld [tilespmem:$0x144A0];
	v7 =	vnsel vm1, $0xBF800000, v8  }
0x1b1: {  	[tilespmem:$0x14510] =	vst v7;
	v7 =	vld [tilespmem:$0x14430]  }
0x1b2: {  	v6 =	vld.idx.msk [tilespmem:v6+s22+$0x0], $0xffff;
	_ =	sdelay $0x3  }
0x1b3: {  	vm1 =	vgt.f32 v43, $0.0e+00  }
0x1b4: {  	v44 =	vld [tilespmem:$0x144B0];
	v6 =	vnsel vm1, $0xBF800000, v6  }
0x1b5: {  	[tilespmem:$0x14520] =	vst v6;
	v6 =	vld [tilespmem:$0x14440]  }
0x1b6: {  	v7 =	vld.idx.msk [tilespmem:v7+s22+$0x0], $0xffff;
	_ =	sdelay $0x3  }
0x1b7: {  	vm1 =	vgt.f32 v44, $0.0e+00  }
0x1b8: {  	v45 =	vld [tilespmem:$0x144C0];
	v7 =	vnsel vm1, $0xBF800000, v7  }
0x1b9: {  	[tilespmem:$0x14530] =	vst v7;
	v7 =	vld [tilespmem:$0x14450]  }
0x1ba: {  	v6 =	vld.idx.msk [tilespmem:v6+s22+$0x0], $0xffff;
	_ =	sdelay $0x3  }
0x1bb: {  	vm1 =	vgt.f32 v45, $0.0e+00  }
0x1bc: {  	v46 =	vld [tilespmem:$0x144D0];
	v6 =	vnsel vm1, $0xBF800000, v6  }
0x1bd: {  	[tilespmem:$0x14540] =	vst v6;
	v6 =	vld [tilespmem:$0x14460]  }
0x1be: {  	v7 =	vld.idx.msk [tilespmem:v7+s22+$0x0], $0xffff;
	_ =	sdelay $0x3  }
0x1bf: {  	vm1 =	vgt.f32 v46, $0.0e+00  }
0x1c0: {  	v47 =	vld [tilespmem:$0x144E0];
	v7 =	vnsel vm1, $0xBF800000, v7  }
0x1c1: {  	[tilespmem:$0x14550] =	vst v7;
	v7 =	vld [tilespmem:$0x14470]  }
0x1c2: {  	v6 =	vld.idx.msk [tilespmem:v6+s22+$0x0], $0xffff;
	_ =	sdelay $0x3  }
0x1c3: {  	vm1 =	vgt.f32 v47, $0.0e+00  }
0x1c4: {  	v48 =	vld [tilespmem:$0x144F0];
	v6 =	vnsel vm1, $0xBF800000, v6  }
0x1c5: {  	[tilespmem:$0x14560] =	vst v6;
	v6 =	vld [tilespmem:$0x14400]  }
0x1c6: {  	v7 =	vld.idx.msk [tilespmem:v7+s22+$0x0], $0xffff;
	_ =	sdelay $0x3  }
0x1c7: {  	vm1 =	vgt.f32 v48, $0.0e+00  }
0x1c8: {  	v49 =	vld [tilespmem:$0x14480];
	v7 =	vnsel vm1, $0xBF800000, v7  }
0x1c9: {  	[tilespmem:$0x14570] =	vst v7;
	v7 =	vld [tilespmem:$0x14410]  }
0x1ca: {  	v6 =	vld.idx.msk [tilespmem:v6+s24+$0x0], $0xffff;
	_ =	sdelay $0x3  }
0x1cb: {  	vm1 =	vgt.f32 v49, $0.0e+00  }
0x1cc: {  	v50 =	vld [tilespmem:$0x14490];
	v6 =	vnsel vm1, $0xBF800000, v6  }
0x1cd: {  	[tilespmem:$0x14580] =	vst v6;
	v6 =	vld [tilespmem:$0x14420]  }
0x1ce: {  	v7 =	vld.idx.msk [tilespmem:v7+s24+$0x0], $0xffff;
	_ =	sdelay $0x3  }
0x1cf: {  	vm1 =	vgt.f32 v50, $0.0e+00  }
0x1d0: {  	v51 =	vld [tilespmem:$0x144A0];
	v7 =	vnsel vm1, $0xBF800000, v7  }
0x1d1: {  	[tilespmem:$0x14590] =	vst v7;
	v7 =	vld [tilespmem:$0x14430]  }
0x1d2: {  	v6 =	vld.idx.msk [tilespmem:v6+s24+$0x0], $0xffff;
	_ =	sdelay $0x3  }
0x1d3: {  	vm1 =	vgt.f32 v51, $0.0e+00  }
0x1d4: {  	v52 =	vld [tilespmem:$0x144B0];
	v6 =	vnsel vm1, $0xBF800000, v6  }
0x1d5: {  	[tilespmem:$0x145A0] =	vst v6;
	v6 =	vld [tilespmem:$0x14440]  }
0x1d6: {  	v7 =	vld.idx.msk [tilespmem:v7+s24+$0x0], $0xffff;
	_ =	sdelay $0x3  }
0x1d7: {  	vm1 =	vgt.f32 v52, $0.0e+00  }
0x1d8: {  	v53 =	vld [tilespmem:$0x144C0];
	v7 =	vnsel vm1, $0xBF800000, v7  }
0x1d9: {  	[tilespmem:$0x145B0] =	vst v7;
	v7 =	vld [tilespmem:$0x14450]  }
0x1da: {  	v6 =	vld.idx.msk [tilespmem:v6+s24+$0x0], $0xffff;
	_ =	sdelay $0x3  }
0x1db: {  	vm1 =	vgt.f32 v53, $0.0e+00  }
0x1dc: {  	v54 =	vld [tilespmem:$0x144D0];
	v6 =	vnsel vm1, $0xBF800000, v6  }
0x1dd: {  	[tilespmem:$0x145C0] =	vst v6;
	v6 =	vld [tilespmem:$0x14460]  }
0x1de: {  	v7 =	vld.idx.msk [tilespmem:v7+s24+$0x0], $0xffff;
	_ =	sdelay $0x3  }
0x1df: {  	vm1 =	vgt.f32 v54, $0.0e+00  }
0x1e0: {  	v55 =	vld [tilespmem:$0x144E0];
	v7 =	vnsel vm1, $0xBF800000, v7  }
0x1e1: {  	[tilespmem:$0x145D0] =	vst v7;
	v7 =	vld [tilespmem:$0x14470]  }
0x1e2: {  	v6 =	vld.idx.msk [tilespmem:v6+s24+$0x0], $0xffff;
	_ =	sdelay $0x3  }
0x1e3: {  	vm1 =	vgt.f32 v55, $0.0e+00  }
0x1e4: {  	v56 =	vld [tilespmem:$0x144F0];
	v6 =	vnsel vm1, $0xBF800000, v6  }
0x1e5: {  	[tilespmem:$0x145E0] =	vst v6;
	v6 =	vld [tilespmem:$0x14400]  }
0x1e6: {  	v7 =	vld.idx.msk [tilespmem:v7+s24+$0x0], $0xffff;
	_ =	sdelay $0x3  }
0x1e7: {  	vm1 =	vgt.f32 v56, $0.0e+00  }
0x1e8: {  	v57 =	vld [tilespmem:$0x14480];
	v7 =	vnsel vm1, $0xBF800000, v7  }
0x1e9: {  	[tilespmem:$0x145F0] =	vst v7;
	v7 =	vld [tilespmem:$0x14410]  }
0x1ea: {  	v6 =	vld.idx.msk [tilespmem:v6+s25+$0x0], $0xffff;
	_ =	sdelay $0x3  }
0x1eb: {  	vm1 =	vgt.f32 v57, $0.0e+00  }
0x1ec: {  	v58 =	vld [tilespmem:$0x14490];
	v6 =	vnsel vm1, $0xBF800000, v6  }
0x1ed: {  	[tilespmem:$0x14600] =	vst v6;
	v6 =	vld [tilespmem:$0x14420]  }
0x1ee: {  	v7 =	vld.idx.msk [tilespmem:v7+s25+$0x0], $0xffff;
	_ =	sdelay $0x3  }
0x1ef: {  	vm1 =	vgt.f32 v58, $0.0e+00  }
0x1f0: {  	v59 =	vld [tilespmem:$0x144A0];
	v7 =	vnsel vm1, $0xBF800000, v7  }
0x1f1: {  	[tilespmem:$0x14610] =	vst v7;
	v7 =	vld [tilespmem:$0x14430]  }
0x1f2: {  	v6 =	vld.idx.msk [tilespmem:v6+s25+$0x0], $0xffff;
	_ =	sdelay $0x3  }
0x1f3: {  	vm1 =	vgt.f32 v59, $0.0e+00  }
0x1f4: {  	v60 =	vld [tilespmem:$0x144B0];
	v6 =	vnsel vm1, $0xBF800000, v6  }
0x1f5: {  	[tilespmem:$0x14620] =	vst v6;
	v6 =	vld [tilespmem:$0x14440]  }
0x1f6: {  	v7 =	vld.idx.msk [tilespmem:v7+s25+$0x0], $0xffff;
	_ =	sdelay $0x3  }
0x1f7: {  	vm1 =	vgt.f32 v60, $0.0e+00  }
0x1f8: {  	v61 =	vld [tilespmem:$0x144C0];
	v7 =	vnsel vm1, $0xBF800000, v7  }
0x1f9: {  	[tilespmem:$0x14630] =	vst v7;
	v7 =	vld [tilespmem:$0x14450]  }
0x1fa: {  	v6 =	vld.idx.msk [tilespmem:v6+s25+$0x0], $0xffff;
	_ =	sdelay $0x3  }
0x1fb: {  	vm1 =	vgt.f32 v61, $0.0e+00  }
0x1fc: {  	v62 =	vld [tilespmem:$0x144D0];
	v6 =	vnsel vm1, $0xBF800000, v6  }
0x1fd: {  	[tilespmem:$0x14640] =	vst v6;
	v6 =	vld [tilespmem:$0x14460]  }
0x1fe: {  	v7 =	vld.idx.msk [tilespmem:v7+s25+$0x0], $0xffff;
	_ =	sdelay $0x3  }
0x1ff: {  	vm1 =	vgt.f32 v62, $0.0e+00  }
0x200: {  	v63 =	vld [tilespmem:$0x144E0];
	v7 =	vnsel vm1, $0xBF800000, v7  }
0x201: {  	[tilespmem:$0x14650] =	vst v7;
	v7 =	vld [tilespmem:$0x14470]  }
0x202: {  	v6 =	vld.idx.msk [tilespmem:v6+s25+$0x0], $0xffff;
	_ =	sdelay $0x3  }
0x203: {  	vm1 =	vgt.f32 v63, $0.0e+00  }
0x204: {  	v6 =	vnsel vm1, $0xBF800000, v6  }
0x205: {  	[tilespmem:$0x14660] =	vst v6;
	v6 =	vld [tilespmem:$0x144F0]  }
0x206: {  	v7 =	vld.idx.msk [tilespmem:v7+s25+$0x0], $0xffff;
	_ =	sdelay $0x3  }
0x207: {  	vm1 =	vgt.f32 v6, $0.0e+00  }
0x208: {  	v6 =	vnsel vm1, $0xBF800000, v7  }
0x209: {  	[tilespmem:$0x14670] =	vst v6  }
0x20a: {  	[hbm4b:s15+s22] =	stream.linear.scatter [tilespmem:s18], [sflag:$0x1], $0x180, $0x38;
	[tilespmem:$0x14710] =	vst v63  }
0x20b: {  	_ =	swait.ge [sflag:s23], $0x180  }
0x20c: {  	[sflag:s23] =	ssyncset.done $0x0  }
0x20d: {  	[sflag:s23] =	ssyncadd.s32 $0xFFFFFE80  }
.LBB3_16:
.Ltmp11:
0x20e: {  	(pc) =	sbr.rel @!p4 .LBB3_18-.Ltmp11, $1  }
0x20f: {  	_ =	sdelay $0x3  }
0x210: {  	[tilespmem:s8], [sflag:$0x1] =	stream.linear.gather [spmem:s16], $0x80, $0x38;
	[tilespmem:$0x14710] =	vst v63  }
0x211: {  	_ =	swait.ge [sflag:s23], $0x80  }
0x212: {  	[sflag:s23] =	ssyncset.done $0x0  }
0x213: {  	[sflag:s23] =	ssyncadd.s32 $0xFFFFFF80  }
0x214: {  	[tilespmem:s9], [sflag:$0x1] =	stream.linear.gather [spmem:s17], $0x80, $0x38;
	[tilespmem:$0x14710] =	vst v63  }
0x215: {  	_ =	swait.ge [sflag:s23], $0x80  }
0x216: {  	[sflag:s23] =	ssyncset.done $0x0  }
0x217: {  	[sflag:s23] =	ssyncadd.s32 $0xFFFFFF80  }
0x218: {  	v6 =	vld [tilespmem:$0x14400];
	_ =	sdelay $0x5  }
0x219: {  	v7 =	vld [tilespmem:$0x14480]  }
0x21a: {  	v8 =	vld [tilespmem:$0x14410]  }
0x21b: {  	v6 =	vld.idx.msk [tilespmem:v6+s22+$0x0], $0xffff;
	_ =	sdelay $0x3  }
0x21c: {  	vm1 =	vgt.f32 v7, $0.0e+00  }
0x21d: {  	v7 =	vld [tilespmem:$0x14490];
	v6 =	vnsel vm1, $0xBF800000, v6  }
0x21e: {  	[tilespmem:$0x14500] =	vst v6;
	v6 =	vld [tilespmem:$0x14420]  }
0x21f: {  	v8 =	vld.idx.msk [tilespmem:v8+s22+$0x0], $0xffff;
	_ =	sdelay $0x3  }
0x220: {  	vm1 =	vgt.f32 v7, $0.0e+00  }
0x221: {  	v43 =	vld [tilespmem:$0x144A0];
	v7 =	vnsel vm1, $0xBF800000, v8  }
0x222: {  	[tilespmem:$0x14510] =	vst v7;
	v7 =	vld [tilespmem:$0x14430]  }
0x223: {  	v6 =	vld.idx.msk [tilespmem:v6+s22+$0x0], $0xffff;
	_ =	sdelay $0x3  }
0x224: {  	vm1 =	vgt.f32 v43, $0.0e+00  }
0x225: {  	v44 =	vld [tilespmem:$0x144B0];
	v6 =	vnsel vm1, $0xBF800000, v6  }
0x226: {  	[tilespmem:$0x14520] =	vst v6;
	v6 =	vld [tilespmem:$0x14440]  }
0x227: {  	v7 =	vld.idx.msk [tilespmem:v7+s22+$0x0], $0xffff;
	_ =	sdelay $0x3  }
0x228: {  	vm1 =	vgt.f32 v44, $0.0e+00  }
0x229: {  	v45 =	vld [tilespmem:$0x144C0];
	v7 =	vnsel vm1, $0xBF800000, v7  }
0x22a: {  	[tilespmem:$0x14530] =	vst v7;
	v7 =	vld [tilespmem:$0x14450]  }
0x22b: {  	v6 =	vld.idx.msk [tilespmem:v6+s22+$0x0], $0xffff;
	_ =	sdelay $0x3  }
0x22c: {  	vm1 =	vgt.f32 v45, $0.0e+00  }
0x22d: {  	v46 =	vld [tilespmem:$0x144D0];
	v6 =	vnsel vm1, $0xBF800000, v6  }
0x22e: {  	[tilespmem:$0x14540] =	vst v6;
	v6 =	vld [tilespmem:$0x14460]  }
0x22f: {  	v7 =	vld.idx.msk [tilespmem:v7+s22+$0x0], $0xffff;
	_ =	sdelay $0x3  }
0x230: {  	vm1 =	vgt.f32 v46, $0.0e+00  }
0x231: {  	v47 =	vld [tilespmem:$0x144E0];
	v7 =	vnsel vm1, $0xBF800000, v7  }
0x232: {  	[tilespmem:$0x14550] =	vst v7;
	v7 =	vld [tilespmem:$0x14470]  }
0x233: {  	v6 =	vld.idx.msk [tilespmem:v6+s22+$0x0], $0xffff;
	_ =	sdelay $0x3  }
0x234: {  	vm1 =	vgt.f32 v47, $0.0e+00  }
0x235: {  	v48 =	vld [tilespmem:$0x144F0];
	v6 =	vnsel vm1, $0xBF800000, v6  }
0x236: {  	[tilespmem:$0x14560] =	vst v6;
	v6 =	vld [tilespmem:$0x14400]  }
0x237: {  	v7 =	vld.idx.msk [tilespmem:v7+s22+$0x0], $0xffff;
	_ =	sdelay $0x3  }
0x238: {  	vm1 =	vgt.f32 v48, $0.0e+00  }
0x239: {  	v49 =	vld [tilespmem:$0x14480];
	v7 =	vnsel vm1, $0xBF800000, v7  }
0x23a: {  	[tilespmem:$0x14570] =	vst v7;
	v7 =	vld [tilespmem:$0x14410]  }
0x23b: {  	v6 =	vld.idx.msk [tilespmem:v6+s24+$0x0], $0xffff;
	_ =	sdelay $0x3  }
0x23c: {  	vm1 =	vgt.f32 v49, $0.0e+00  }
0x23d: {  	v50 =	vld [tilespmem:$0x14490];
	v6 =	vnsel vm1, $0xBF800000, v6  }
0x23e: {  	[tilespmem:$0x14580] =	vst v6;
	v6 =	vld [tilespmem:$0x14420]  }
0x23f: {  	v7 =	vld.idx.msk [tilespmem:v7+s24+$0x0], $0xffff;
	_ =	sdelay $0x3  }
0x240: {  	vm1 =	vgt.f32 v50, $0.0e+00  }
0x241: {  	v51 =	vld [tilespmem:$0x144A0];
	v7 =	vnsel vm1, $0xBF800000, v7  }
0x242: {  	[tilespmem:$0x14590] =	vst v7;
	v7 =	vld [tilespmem:$0x14430]  }
0x243: {  	v6 =	vld.idx.msk [tilespmem:v6+s24+$0x0], $0xffff;
	_ =	sdelay $0x3  }
0x244: {  	vm1 =	vgt.f32 v51, $0.0e+00  }
0x245: {  	v52 =	vld [tilespmem:$0x144B0];
	v6 =	vnsel vm1, $0xBF800000, v6  }
0x246: {  	[tilespmem:$0x145A0] =	vst v6;
	v6 =	vld [tilespmem:$0x14440]  }
0x247: {  	v7 =	vld.idx.msk [tilespmem:v7+s24+$0x0], $0xffff;
	_ =	sdelay $0x3  }
0x248: {  	vm1 =	vgt.f32 v52, $0.0e+00  }
0x249: {  	v53 =	vld [tilespmem:$0x144C0];
	v7 =	vnsel vm1, $0xBF800000, v7  }
0x24a: {  	[tilespmem:$0x145B0] =	vst v7;
	v7 =	vld [tilespmem:$0x14450]  }
0x24b: {  	v6 =	vld.idx.msk [tilespmem:v6+s24+$0x0], $0xffff;
	_ =	sdelay $0x3  }
0x24c: {  	vm1 =	vgt.f32 v53, $0.0e+00  }
0x24d: {  	v54 =	vld [tilespmem:$0x144D0];
	v6 =	vnsel vm1, $0xBF800000, v6  }
0x24e: {  	[tilespmem:$0x145C0] =	vst v6;
	v6 =	vld [tilespmem:$0x14460]  }
0x24f: {  	v7 =	vld.idx.msk [tilespmem:v7+s24+$0x0], $0xffff;
	_ =	sdelay $0x3  }
0x250: {  	vm1 =	vgt.f32 v54, $0.0e+00  }
0x251: {  	v55 =	vld [tilespmem:$0x144E0];
	v7 =	vnsel vm1, $0xBF800000, v7  }
0x252: {  	[tilespmem:$0x145D0] =	vst v7;
	v7 =	vld [tilespmem:$0x14470]  }
0x253: {  	v6 =	vld.idx.msk [tilespmem:v6+s24+$0x0], $0xffff;
	_ =	sdelay $0x3  }
0x254: {  	vm1 =	vgt.f32 v55, $0.0e+00  }
0x255: {  	v56 =	vld [tilespmem:$0x144F0];
	v6 =	vnsel vm1, $0xBF800000, v6  }
0x256: {  	[tilespmem:$0x145E0] =	vst v6;
	v6 =	vld [tilespmem:$0x14400]  }
0x257: {  	v7 =	vld.idx.msk [tilespmem:v7+s24+$0x0], $0xffff;
	_ =	sdelay $0x3  }
0x258: {  	vm1 =	vgt.f32 v56, $0.0e+00  }
0x259: {  	v57 =	vld [tilespmem:$0x14480];
	v7 =	vnsel vm1, $0xBF800000, v7  }
0x25a: {  	[tilespmem:$0x145F0] =	vst v7;
	v7 =	vld [tilespmem:$0x14410]  }
0x25b: {  	v6 =	vld.idx.msk [tilespmem:v6+s25+$0x0], $0xffff;
	_ =	sdelay $0x3  }
0x25c: {  	vm1 =	vgt.f32 v57, $0.0e+00  }
0x25d: {  	v58 =	vld [tilespmem:$0x14490];
	v6 =	vnsel vm1, $0xBF800000, v6  }
0x25e: {  	[tilespmem:$0x14600] =	vst v6;
	v6 =	vld [tilespmem:$0x14420]  }
0x25f: {  	v7 =	vld.idx.msk [tilespmem:v7+s25+$0x0], $0xffff;
	_ =	sdelay $0x3  }
0x260: {  	vm1 =	vgt.f32 v58, $0.0e+00  }
0x261: {  	v59 =	vld [tilespmem:$0x144A0];
	v7 =	vnsel vm1, $0xBF800000, v7  }
0x262: {  	[tilespmem:$0x14610] =	vst v7;
	v7 =	vld [tilespmem:$0x14430]  }
0x263: {  	v6 =	vld.idx.msk [tilespmem:v6+s25+$0x0], $0xffff;
	_ =	sdelay $0x3  }
0x264: {  	vm1 =	vgt.f32 v59, $0.0e+00  }
0x265: {  	v60 =	vld [tilespmem:$0x144B0];
	v6 =	vnsel vm1, $0xBF800000, v6  }
0x266: {  	[tilespmem:$0x14620] =	vst v6;
	v6 =	vld [tilespmem:$0x14440]  }
0x267: {  	v7 =	vld.idx.msk [tilespmem:v7+s25+$0x0], $0xffff;
	_ =	sdelay $0x3  }
0x268: {  	vm1 =	vgt.f32 v60, $0.0e+00  }
0x269: {  	v61 =	vld [tilespmem:$0x144C0];
	v7 =	vnsel vm1, $0xBF800000, v7  }
0x26a: {  	[tilespmem:$0x14630] =	vst v7;
	v7 =	vld [tilespmem:$0x14450]  }
0x26b: {  	v6 =	vld.idx.msk [tilespmem:v6+s25+$0x0], $0xffff;
	_ =	sdelay $0x3  }
0x26c: {  	vm1 =	vgt.f32 v61, $0.0e+00  }
0x26d: {  	v62 =	vld [tilespmem:$0x144D0];
	v6 =	vnsel vm1, $0xBF800000, v6  }
0x26e: {  	[tilespmem:$0x14640] =	vst v6;
	v6 =	vld [tilespmem:$0x14460]  }
0x26f: {  	v7 =	vld.idx.msk [tilespmem:v7+s25+$0x0], $0xffff;
	_ =	sdelay $0x3  }
0x270: {  	vm1 =	vgt.f32 v62, $0.0e+00  }
0x271: {  	v63 =	vld [tilespmem:$0x144E0];
	v7 =	vnsel vm1, $0xBF800000, v7  }
0x272: {  	[tilespmem:$0x14650] =	vst v7;
	v7 =	vld [tilespmem:$0x14470]  }
0x273: {  	v6 =	vld.idx.msk [tilespmem:v6+s25+$0x0], $0xffff;
	_ =	sdelay $0x3  }
0x274: {  	vm1 =	vgt.f32 v63, $0.0e+00  }
0x275: {  	v6 =	vnsel vm1, $0xBF800000, v6  }
0x276: {  	[tilespmem:$0x14660] =	vst v6;
	v6 =	vld [tilespmem:$0x144F0]  }
0x277: {  	v7 =	vld.idx.msk [tilespmem:v7+s25+$0x0], $0xffff;
	_ =	sdelay $0x3  }
0x278: {  	vm1 =	vgt.f32 v6, $0.0e+00  }
0x279: {  	v6 =	vnsel vm1, $0xBF800000, v7  }
.Ltmp12:
0x27a: {  	[tilespmem:$0x14670] =	vst v6;
	(pc) =	sbr.rel .LBB3_18-.Ltmp12, $4  }
0x27b: {  	[hbm4b:s14+s22] =	stream.linear.scatter [tilespmem:s18], [sflag:$0x1], $0x180, $0x38;
	[tilespmem:$0x14710] =	vst v63  }
0x27c: {  	_ =	swait.ge [sflag:s23], $0x180  }
0x27d: {  	[sflag:s23] =	ssyncset.done $0x0  }
0x27e: {  	[sflag:s23] =	ssyncadd.s32 $0xFFFFFE80  }
.LBB3_19:
0x27f: {  	_ =	sfence.sel $0x180000  }
0x280: {  	[bflag:$0x0] =	sbarrier.arrive $0xFFFF  }
0x281: {  	_ =	strace $0x9000004A  }
0x282: {  	s0 =	stileid.u32;
	[bflag:$0x2] =	sbarrier.arrive $0xFFFF  }
0x283: {  	p0 =	sne.s32 s0, $0x0;
	s0 =	rddreg [dreg:$0xe]  }
0x284: {  	s0 =	sadd.s32 @!p0 $0x100000, s0  }
0x285: {  	[sflag:s0] =	ssyncadd.tile.s32 @!p0 $0x1;
	_ =	shalt  }
.Lfunc_end3:
_tile_overlayer_lowered:
.L_overlay_start_3:
0x286: {  	(tag) =	ssettag $0x3  }
0x287: {  	s0 =	rddreg [dreg:$0x0];
	s2 =	stileid.u32  }
0x288: {  	s1 =	rddreg [dreg:$0x1];
	p0 =	sne.s32 s2, $0x0  }
0x289: {  	s3 =	rddreg [dreg:$0x2];
	[bflag:$0x3] =	sbarrier.arrive $0xFFFF;
	s2 =	simm.s32 @!p0 $0x1C01  }
0x28a: {  	[timem:s3], [sflag:s2] =	dma.local @!p0 [hbm:s0], s1  }
0x28b: {  	s0 =	simm.s32 @!p0 $0x1  }
0x28c: {  	_ =	swait.ge @!p0 [sflag:s0], s1  }
0x28d: {  	s1 =	ssub.s32 @!p0 $0x0, s1;
	[sflag:s0] =	ssyncset.done @!p0 $0x0  }
0x28e: {  	[sflag:s0] =	ssyncadd.s32 @!p0 s1  }
0x28f: {  	[bflag:$0x3] =	sbarrier.arrive $0xFFFF  }
0x290: {  	_ =	shalt  }

</sc_bundles>
